<compile_context>
chip_gen: v7x
topology: tpu7x:2x2x1
jax: 0.10.2.dev20260603
libtpu: 0.0.44.dev20260713+nightly
codegen_flags: <defaults>
</compile_context>

<pallas_src>
import functools

import jax
import jax.numpy as jnp
from jax import lax
from jax.experimental import pallas as pl
from jax.experimental.pallas import tpu as pltpu
from jax.experimental.pallas import tpu_sc as plsc

PAD_IDX = 0
NEG_INF = -1e9

NC = 2
NS = 16
NW = NC * NS

GROUPS_PER_STEP = 8
CHUNK = GROUPS_PER_STEP * 128


def _sc_gather_kernel(n_rows, n_steps, bias_groups, do_bias,
                      table, idx_hbm, uidx, iidx, ubias, ibias,
                      out_hbm, ub_out, ib_out,
                      idx_v, rows_v0, rows_v1, bias_v, sem0, sem1):
    wid = lax.axis_index("s") * NC + lax.axis_index("c")
    rows_per_w = n_rows // NW
    idxrows_per_w = rows_per_w // 128
    bufs = (rows_v0, rows_v1)
    sems = (sem0, sem1)

    def fire(k, p):
        for j in range(GROUPS_PER_STEP):
            pltpu.async_copy(table.at[idx_v.at[k * GROUPS_PER_STEP + j]],
                             bufs[p].at[pl.ds(j * 128, 128)], sems[p])

    def drain(p):
        for j in range(GROUPS_PER_STEP):
            pltpu.make_async_copy(table.at[idx_v.at[j]],
                                  bufs[p].at[pl.ds(j * 128, 128)],
                                  sems[p]).wait()

    pltpu.sync_copy(
        idx_hbm.at[pl.ds(wid * idxrows_per_w, idxrows_per_w)], idx_v)
    fire(0, 0)

    def step2(m, carry):
        for j in range(2):
            k = 2 * m + j
            drain(j)
            fire(k + 1, 1 - j)
            pltpu.sync_copy(
                bufs[j],
                out_hbm.at[pl.ds(wid * rows_per_w + k * CHUNK, CHUNK)])
        return carry

    lax.fori_loop(0, (n_steps - 1) // 2, step2, 0)
    drain((n_steps - 1) % 2)
    pltpu.sync_copy(
        bufs[(n_steps - 1) % 2],
        out_hbm.at[pl.ds(wid * rows_per_w + (n_steps - 1) * CHUNK, CHUNK)])

    if do_bias:
        half = NW // 2
        for active, bidx_hbm, btab, bout in ((wid < half, uidx, ubias, ub_out),
                                             (wid >= half, iidx, ibias,
                                              ib_out)):
            @pl.when(active)
            def _(bidx_hbm=bidx_hbm, btab=btab, bout=bout):
                lane = lax.rem(wid, half)
                pltpu.sync_copy(
                    bidx_hbm.at[pl.ds(lane * bias_groups, bias_groups)],
                    idx_v.at[pl.ds(0, bias_groups)])
                handles = [
                    pltpu.async_copy(btab.at[idx_v.at[j]],
                                     bias_v.at[pl.ds(j * 128, 128)], sem0)
                    for j in range(bias_groups)
                ]
                for h in handles:
                    h.wait()
                pltpu.sync_copy(bias_v,
                                bout.at[pl.ds(lane * bias_groups * 128,
                                              bias_groups * 128)])


def _sc_gather_one(table, idx, uidx, iidx, ubias, ibias, n_rows, B, D,
                   do_bias):
    n_steps = (n_rows // NW) // CHUNK
    bias_groups = (B // (NW // 2)) // 128
    mesh = plsc.VectorSubcoreMesh(core_axis_name="c", subcore_axis_name="s")
    body = functools.partial(_sc_gather_kernel, n_rows, n_steps, bias_groups,
                             do_bias)
    out_type = [jax.ShapeDtypeStruct((n_rows, D), jnp.float32),
                jax.ShapeDtypeStruct((B,), jnp.float32),
                jax.ShapeDtypeStruct((B,), jnp.float32)]
    f = pl.kernel(
        body,
        out_type=tuple(out_type),
        mesh=mesh,
        compiler_params=pltpu.CompilerParams(use_tc_tiling_on_sc=False),
        scratch_types=[
            pltpu.VMEM(((n_rows // NW) // 128, 128), jnp.int32),
            pltpu.VMEM((CHUNK, D), jnp.float32),
            pltpu.VMEM((CHUNK, D), jnp.float32),
            pltpu.VMEM((bias_groups * 128,), jnp.float32),
            pltpu.SemaphoreType.DMA,
            pltpu.SemaphoreType.DMA,
        ],
        name="sc_gather_table" + ("_and_biases" if do_bias else ""),
    )
    return f(table, idx, uidx, iidx, ubias, ibias)


def _dot(a, b):
    return jnp.dot(a, b, precision=jax.lax.Precision.DEFAULT,
                   preferred_element_type=jnp.float32)


def _tc_pool_kernel(r_ref_rows, m_ref, wm_ref, e_ref, rm_ref, ab_ref, o_ref):
    absum = jnp.sum(ab_ref[...])
    rows = r_ref_rows[...]
    mask = m_ref[...] != 0
    s = _dot(rows, wm_ref[...]) + absum
    s = jnp.where(mask, s, NEG_INF)
    m = jnp.max(s, axis=-1, keepdims=True)
    e = jnp.exp(s - m)
    d = jnp.sum(e, axis=-1, keepdims=True)
    p = e / d
    pexp = _dot(p, e_ref[...])
    o_ref[0] = _dot(pexp * rows, rm_ref[...])


def _tc_pool_one(rows, idx, wmat, emat, rmat, ab, B, L, D, BE):
    nblk = B // BE
    return pl.pallas_call(
        _tc_pool_kernel,
        grid=(nblk,),
        in_specs=[
            pl.BlockSpec((BE, L * D), lambda i: (i, 0)),
            pl.BlockSpec((BE, L), lambda i: (i, 0)),
            pl.BlockSpec((L * D, L), lambda i: (0, 0)),
            pl.BlockSpec((L, L * D), lambda i: (0, 0)),
            pl.BlockSpec((L * D, D), lambda i: (0, 0)),
            pl.BlockSpec((1, D), lambda i: (0, 0)),
        ],
        out_specs=pl.BlockSpec((1, BE, D), lambda i: (i, 0, 0)),
        out_shape=jax.ShapeDtypeStruct((nblk, BE, D), jnp.float32),
    )(rows.reshape(B, L * D), idx, wmat, emat, rmat, ab.reshape(1, D))


def _tc_combine_kernel(pu_ref, pi_ref, ub_ref, ib_ref, gb_ref, o_ref):
    dot = jnp.sum(pu_ref[0] * pi_ref[0], axis=-1, keepdims=True)
    o_ref[0] = dot + ub_ref[0] + ib_ref[0] + gb_ref[0, 0]


def _tc_combine(pu, pi, ub, ib, gb, B, D, BE):
    nblk = B // BE
    out = pl.pallas_call(
        _tc_combine_kernel,
        grid=(nblk,),
        in_specs=[
            pl.BlockSpec((1, BE, D), lambda i: (i, 0, 0)),
            pl.BlockSpec((1, BE, D), lambda i: (i, 0, 0)),
            pl.BlockSpec((1, BE, 1), lambda i: (i, 0, 0)),
            pl.BlockSpec((1, BE, 1), lambda i: (i, 0, 0)),
            pl.BlockSpec((1, 1), lambda i: (0, 0)),
        ],
        out_specs=pl.BlockSpec((1, BE, 1), lambda i: (i, 0, 0)),
        out_shape=jax.ShapeDtypeStruct((nblk, BE, 1), jnp.float32),
    )(pu, pi, ub.reshape(nblk, BE, 1), ib.reshape(nblk, BE, 1),
      gb.reshape(1, 1))
    return out.reshape(B)


def kernel(user_idx, item_idx, fav_subjects, book_subjects, subj_emb,
           attn_weight, attn_bias, user_bias, item_bias, global_bias):
    B, L = fav_subjects.shape
    D = subj_emb.shape[1]
    n_rows = B * L
    BE = 256

    fidx = fav_subjects.astype(jnp.int32).reshape(n_rows // 128, 128)
    bidx = book_subjects.astype(jnp.int32).reshape(n_rows // 128, 128)
    uidx = user_idx.astype(jnp.int32).reshape(B // 128, 128)
    iidx = item_idx.astype(jnp.int32).reshape(B // 128, 128)
    ubias = user_bias.reshape(-1)
    ibias = item_bias.reshape(-1)

    wmat = jnp.kron(jnp.eye(L, dtype=jnp.float32), attn_weight.reshape(D, 1))
    emat = jnp.kron(jnp.eye(L, dtype=jnp.float32),
                    jnp.ones((1, D), jnp.float32))
    rmat = jnp.kron(jnp.ones((L, 1), jnp.float32),
                    jnp.eye(D, dtype=jnp.float32))

    rows_f, ub, ib = _sc_gather_one(subj_emb, fidx, uidx, iidx, ubias, ibias,
                                    n_rows, B, D, True)
    rows_b, _, _ = _sc_gather_one(subj_emb, bidx, uidx, iidx, ubias, ibias,
                                  n_rows, B, D, False)

    pu = _tc_pool_one(rows_f, fav_subjects.astype(jnp.int32), wmat, emat,
                      rmat, attn_bias, B, L, D, BE)
    pi = _tc_pool_one(rows_b, book_subjects.astype(jnp.int32), wmat, emat,
                      rmat, attn_bias, B, L, D, BE)
    return _tc_combine(pu, pi, ub, ib, global_bias, B, D, BE)

# --- scband reference (transcript-rebuilt; emitter-appended) ---
"""Pipeline reference for scband-per-dim-attention-model-18287970746493 (READ-ONLY COPY).

The authoritative reference and input builder live on the scoring server;
editing this copy changes nothing except your own understanding.
"""

import jax, jax.numpy as jnp
import numpy as np

PAD_IDX = 0
NEG_INF = -1e9


def setup_inputs(seed: int = 0) -> dict:
    key = jax.random.key(seed)
    ks = jax.random.split(key, 10)
    B, L, D = 16384, 50, 32
    n_users = 1000000
    n_items = 1000000
    n_subjects = 100000
    user_idx = jax.random.randint(ks[0], (B,), 0, n_users)
    item_idx = jax.random.randint(ks[1], (B,), 0, n_items)
    fav_subjects = jax.random.randint(ks[2], (B, L), 0, n_subjects)
    book_subjects = jax.random.randint(ks[3], (B, L), 0, n_subjects)
    subj_emb = jax.random.normal(ks[4], (n_subjects, D), dtype=jnp.float32) * 0.02
    subj_emb = subj_emb.at[PAD_IDX].set(0.0)  # padding_idx row zeroed
    attn_weight = jax.random.normal(ks[5], (D,), dtype=jnp.float32) * 0.1  # xavier-ish init
    attn_bias = jnp.zeros((D,), dtype=jnp.float32)
    user_bias = jax.random.normal(ks[6], (n_users, 1), dtype=jnp.float32) * 0.01
    item_bias = jax.random.normal(ks[7], (n_items, 1), dtype=jnp.float32) * 0.01
    global_bias = jnp.zeros((1,), dtype=jnp.float32)
    return {
        "user_idx": user_idx,
        "item_idx": item_idx,
        "fav_subjects": fav_subjects,
        "book_subjects": book_subjects,
        "subj_emb": subj_emb,
        "attn_weight": attn_weight,
        "attn_bias": attn_bias,
        "user_bias": user_bias,
        "item_bias": item_bias,
        "global_bias": global_bias,
    }


def _attention_pool(indices, subj_emb, attn_weight, attn_bias):
    embs = jnp.take(subj_emb, indices, axis=0)  # [B, L, D]
    scores = (embs * attn_weight + attn_bias).sum(axis=-1)  # [B, L]
    mask = indices != PAD_IDX
    has_real = jnp.any(mask, axis=1)
    # rows with no real entries: force position 0 to be valid
    mask = mask.at[:, 0].set(mask[:, 0] | (~has_real))
    scores = jnp.where(mask, scores, NEG_INF)
    attn = jax.nn.softmax(scores, axis=1)
    pooled = (embs * attn[..., None]).sum(axis=1)  # [B, D]
    return pooled  # dropout is identity in eval


def reference(user_idx, item_idx, fav_subjects, book_subjects, subj_emb,
              attn_weight, attn_bias, user_bias, item_bias, global_bias):
    u_emb = _attention_pool(fav_subjects, subj_emb, attn_weight, attn_bias)
    i_emb = _attention_pool(book_subjects, subj_emb, attn_weight, attn_bias)
    dot = (u_emb * i_emb).sum(axis=1)  # [B]
    ub = jnp.take(user_bias, user_idx, axis=0)[:, 0]
    ib = jnp.take(item_bias, item_idx, axis=0)[:, 0]
    return dot + ub + ib + global_bias

if __name__ == "__main__":
    import jax
    _d = setup_inputs()
    print(jax.jit(kernel)(*tuple(_d.values())))

</pallas_src>

<mosaic_0001>
#map = affine_map<(d0, d1) -> (0, 0)>
#map1 = affine_map<(d0, d1) -> (0)>
module attributes {stable_mosaic.version = 14 : i64} {
  func.func @sc_gather_table_and_biases(%arg0: i32, %arg1: i32, %arg2: memref<100000x32xf32, #tpu.memory_space<hbm>>, %arg3: memref<6400x128xi32, #tpu.memory_space<hbm>>, %arg4: memref<128x128xi32, #tpu.memory_space<hbm>>, %arg5: memref<128x128xi32, #tpu.memory_space<hbm>>, %arg6: memref<1000000xf32, #tpu.memory_space<hbm>>, %arg7: memref<1000000xf32, #tpu.memory_space<hbm>>, %arg8: memref<819200x32xf32, #tpu.memory_space<hbm>>, %arg9: memref<16384xf32, #tpu.memory_space<hbm>>, %arg10: memref<16384xf32, #tpu.memory_space<hbm>>, %arg11: memref<200x128xi32, #tpu.memory_space<vmem>>, %arg12: memref<1024x32xf32, #tpu.memory_space<vmem>>, %arg13: memref<1024x32xf32, #tpu.memory_space<vmem>>, %arg14: memref<1024xf32, #tpu.memory_space<vmem>>, %arg15: memref<!tpu.dma_semaphore, #tpu.memory_space<semaphore_mem>>, %arg16: memref<!tpu.dma_semaphore, #tpu.memory_space<semaphore_mem>>) attributes {dimension_semantics = [#tpu.dimension_semantics<core_parallel>, #tpu.dimension_semantics<subcore_parallel>], iteration_bounds = array<i64: 2, 16>, scalar_prefetch = 0 : i64, scratch_operands = 6 : i64, tpu.core_type = #tpu.core_type<sc_vector_subcore>, window_params = [{transform_indices = #map}, {transform_indices = #map}, {transform_indices = #map}, {transform_indices = #map}, {transform_indices = #map1}, {transform_indices = #map1}, {transform_indices = #map}, {transform_indices = #map1}, {transform_indices = #map1}]} {
    %mul3A = arith.constant 2 : i32
    %mul3A_0 = arith.muli %arg1, %mul3A : i32
    %add3A = arith.addi %mul3A_0, %arg0 : i32
    %mul3A_1 = arith.constant 200 : i32
    %mul3A_2 = arith.muli %add3A, %mul3A_1 : i32
    "tpu.region"() ({
      %run_scoped3A = tpu.sem_alloc : memref<!tpu.dma_semaphore, #tpu.memory_space<semaphore_mem>>
      %dma_start3A_176 = arith.constant 0 : i32
      %dma_start3A_177 = tpu.memref_slice %arg3[%mul3A_2, %dma_start3A_176] : memref<6400x128xi32, #tpu.memory_space<hbm>> -> memref<200x128xi32, #tpu.memory_space<hbm>>
      %dma_start3A_178 = arith.constant 0 : i32
      %dma_start3A_179 = tpu.memref_slice %arg3[%mul3A_2, %dma_start3A_178] : memref<6400x128xi32, #tpu.memory_space<hbm>> -> memref<200x128xi32, #tpu.memory_space<hbm>>
      tpu.enqueue_dma source(%dma_start3A_179 : memref<200x128xi32, #tpu.memory_space<hbm>>) target(%arg11 : memref<200x128xi32, #tpu.memory_space<vmem>>) target_semaphore(%run_scoped3A : memref<!tpu.dma_semaphore, #tpu.memory_space<semaphore_mem>>)
      %dma_wait3A_180 = arith.constant 0 : i32
      %dma_wait3A_181 = tpu.memref_slice %arg3[%mul3A_2, %dma_wait3A_180] : memref<6400x128xi32, #tpu.memory_space<hbm>> -> memref<200x128xi32, #tpu.memory_space<hbm>>
      %dma_wait3A_182 = arith.constant 0 : i32
      %dma_wait3A_183 = tpu.memref_slice %arg3[%mul3A_2, %dma_wait3A_182] : memref<6400x128xi32, #tpu.memory_space<hbm>> -> memref<200x128xi32, #tpu.memory_space<hbm>>
      tpu.wait_dma2 semaphore(%run_scoped3A : memref<!tpu.dma_semaphore, #tpu.memory_space<semaphore_mem>>) src(%dma_wait3A_183 : memref<200x128xi32, #tpu.memory_space<hbm>>) dst(%arg11 : memref<200x128xi32, #tpu.memory_space<vmem>>)
      tpu.yield
    }) : () -> ()
    %dma_start3A = arith.constant 0 : i32
    %dma_start3A_3 = arith.constant 0 : i32
    %dma_start3A_4 = arith.constant 0 : i32
    %dma_start3A_5 = tpu.memref_slice %arg12[%dma_start3A_3, %dma_start3A_4] : memref<1024x32xf32, #tpu.memory_space<vmem>> -> memref<128x32xf32, #tpu.memory_space<vmem>>
    %dma_start3A_6 = arith.constant 0 : i32
    %dma_start3A_7 = tpu.memref_slice %arg11[%dma_start3A, %dma_start3A_6] : memref<200x128xi32, #tpu.memory_space<vmem>> -> memref<1x128xi32, #tpu.memory_space<vmem>>
    %dma_start3A_8 = tpu.memref_squeeze %dma_start3A_7 : memref<1x128xi32, #tpu.memory_space<vmem>> -> memref<128xi32, #tpu.memory_space<vmem>>
    %dma_start3A_9 = arith.constant 0 : i32
    %dma_start3A_10 = arith.constant 0 : i32
    %dma_start3A_11 = tpu.memref_slice %arg2[%dma_start3A_9, %dma_start3A_10] : memref<100000x32xf32, #tpu.memory_space<hbm>> -> memref<100000x32xf32, #tpu.memory_space<hbm>>
    tpu.enqueue_indirect_dma source(%dma_start3A_11 : memref<100000x32xf32, #tpu.memory_space<hbm>>) target(%dma_start3A_5 : memref<128x32xf32, #tpu.memory_space<vmem>>) offsets(%dma_start3A_8 : memref<128xi32, #tpu.memory_space<vmem>>) semaphore(%arg15 : memref<!tpu.dma_semaphore, #tpu.memory_space<semaphore_mem>>)
    %dma_start3A_12 = arith.constant 1 : i32
    %dma_start3A_13 = arith.constant 128 : i32
    %dma_start3A_14 = arith.constant 0 : i32
    %dma_start3A_15 = tpu.memref_slice %arg12[%dma_start3A_13, %dma_start3A_14] : memref<1024x32xf32, #tpu.memory_space<vmem>> -> memref<128x32xf32, #tpu.memory_space<vmem>>
    %dma_start3A_16 = arith.constant 0 : i32
    %dma_start3A_17 = tpu.memref_slice %arg11[%dma_start3A_12, %dma_start3A_16] : memref<200x128xi32, #tpu.memory_space<vmem>> -> memref<1x128xi32, #tpu.memory_space<vmem>>
    %dma_start3A_18 = tpu.memref_squeeze %dma_start3A_17 : memref<1x128xi32, #tpu.memory_space<vmem>> -> memref<128xi32, #tpu.memory_space<vmem>>
    %dma_start3A_19 = arith.constant 0 : i32
    %dma_start3A_20 = arith.constant 0 : i32
    %dma_start3A_21 = tpu.memref_slice %arg2[%dma_start3A_19, %dma_start3A_20] : memref<100000x32xf32, #tpu.memory_space<hbm>> -> memref<100000x32xf32, #tpu.memory_space<hbm>>
    tpu.enqueue_indirect_dma source(%dma_start3A_21 : memref<100000x32xf32, #tpu.memory_space<hbm>>) target(%dma_start3A_15 : memref<128x32xf32, #tpu.memory_space<vmem>>) offsets(%dma_start3A_18 : memref<128xi32, #tpu.memory_space<vmem>>) semaphore(%arg15 : memref<!tpu.dma_semaphore, #tpu.memory_space<semaphore_mem>>)
    %dma_start3A_22 = arith.constant 2 : i32
    %dma_start3A_23 = arith.constant 256 : i32
    %dma_start3A_24 = arith.constant 0 : i32
    %dma_start3A_25 = tpu.memref_slice %arg12[%dma_start3A_23, %dma_start3A_24] : memref<1024x32xf32, #tpu.memory_space<vmem>> -> memref<128x32xf32, #tpu.memory_space<vmem>>
    %dma_start3A_26 = arith.constant 0 : i32
    %dma_start3A_27 = tpu.memref_slice %arg11[%dma_start3A_22, %dma_start3A_26] : memref<200x128xi32, #tpu.memory_space<vmem>> -> memref<1x128xi32, #tpu.memory_space<vmem>>
    %dma_start3A_28 = tpu.memref_squeeze %dma_start3A_27 : memref<1x128xi32, #tpu.memory_space<vmem>> -> memref<128xi32, #tpu.memory_space<vmem>>
    %dma_start3A_29 = arith.constant 0 : i32
    %dma_start3A_30 = arith.constant 0 : i32
    %dma_start3A_31 = tpu.memref_slice %arg2[%dma_start3A_29, %dma_start3A_30] : memref<100000x32xf32, #tpu.memory_space<hbm>> -> memref<100000x32xf32, #tpu.memory_space<hbm>>
    tpu.enqueue_indirect_dma source(%dma_start3A_31 : memref<100000x32xf32, #tpu.memory_space<hbm>>) target(%dma_start3A_25 : memref<128x32xf32, #tpu.memory_space<vmem>>) offsets(%dma_start3A_28 : memref<128xi32, #tpu.memory_space<vmem>>) semaphore(%arg15 : memref<!tpu.dma_semaphore, #tpu.memory_space<semaphore_mem>>)
    %dma_start3A_32 = arith.constant 3 : i32
    %dma_start3A_33 = arith.constant 384 : i32
    %dma_start3A_34 = arith.constant 0 : i32
    %dma_start3A_35 = tpu.memref_slice %arg12[%dma_start3A_33, %dma_start3A_34] : memref<1024x32xf32, #tpu.memory_space<vmem>> -> memref<128x32xf32, #tpu.memory_space<vmem>>
    %dma_start3A_36 = arith.constant 0 : i32
    %dma_start3A_37 = tpu.memref_slice %arg11[%dma_start3A_32, %dma_start3A_36] : memref<200x128xi32, #tpu.memory_space<vmem>> -> memref<1x128xi32, #tpu.memory_space<vmem>>
    %dma_start3A_38 = tpu.memref_squeeze %dma_start3A_37 : memref<1x128xi32, #tpu.memory_space<vmem>> -> memref<128xi32, #tpu.memory_space<vmem>>
    %dma_start3A_39 = arith.constant 0 : i32
    %dma_start3A_40 = arith.constant 0 : i32
    %dma_start3A_41 = tpu.memref_slice %arg2[%dma_start3A_39, %dma_start3A_40] : memref<100000x32xf32, #tpu.memory_space<hbm>> -> memref<100000x32xf32, #tpu.memory_space<hbm>>
    tpu.enqueue_indirect_dma source(%dma_start3A_41 : memref<100000x32xf32, #tpu.memory_space<hbm>>) target(%dma_start3A_35 : memref<128x32xf32, #tpu.memory_space<vmem>>) offsets(%dma_start3A_38 : memref<128xi32, #tpu.memory_space<vmem>>) semaphore(%arg15 : memref<!tpu.dma_semaphore, #tpu.memory_space<semaphore_mem>>)
    %dma_start3A_42 = arith.constant 4 : i32
    %dma_start3A_43 = arith.constant 512 : i32
    %dma_start3A_44 = arith.constant 0 : i32
    %dma_start3A_45 = tpu.memref_slice %arg12[%dma_start3A_43, %dma_start3A_44] : memref<1024x32xf32, #tpu.memory_space<vmem>> -> memref<128x32xf32, #tpu.memory_space<vmem>>
    %dma_start3A_46 = arith.constant 0 : i32
    %dma_start3A_47 = tpu.memref_slice %arg11[%dma_start3A_42, %dma_start3A_46] : memref<200x128xi32, #tpu.memory_space<vmem>> -> memref<1x128xi32, #tpu.memory_space<vmem>>
    %dma_start3A_48 = tpu.memref_squeeze %dma_start3A_47 : memref<1x128xi32, #tpu.memory_space<vmem>> -> memref<128xi32, #tpu.memory_space<vmem>>
    %dma_start3A_49 = arith.constant 0 : i32
    %dma_start3A_50 = arith.constant 0 : i32
    %dma_start3A_51 = tpu.memref_slice %arg2[%dma_start3A_49, %dma_start3A_50] : memref<100000x32xf32, #tpu.memory_space<hbm>> -> memref<100000x32xf32, #tpu.memory_space<hbm>>
    tpu.enqueue_indirect_dma source(%dma_start3A_51 : memref<100000x32xf32, #tpu.memory_space<hbm>>) target(%dma_start3A_45 : memref<128x32xf32, #tpu.memory_space<vmem>>) offsets(%dma_start3A_48 : memref<128xi32, #tpu.memory_space<vmem>>) semaphore(%arg15 : memref<!tpu.dma_semaphore, #tpu.memory_space<semaphore_mem>>)
    %dma_start3A_52 = arith.constant 5 : i32
    %dma_start3A_53 = arith.constant 640 : i32
    %dma_start3A_54 = arith.constant 0 : i32
    %dma_start3A_55 = tpu.memref_slice %arg12[%dma_start3A_53, %dma_start3A_54] : memref<1024x32xf32, #tpu.memory_space<vmem>> -> memref<128x32xf32, #tpu.memory_space<vmem>>
    %dma_start3A_56 = arith.constant 0 : i32
    %dma_start3A_57 = tpu.memref_slice %arg11[%dma_start3A_52, %dma_start3A_56] : memref<200x128xi32, #tpu.memory_space<vmem>> -> memref<1x128xi32, #tpu.memory_space<vmem>>
    %dma_start3A_58 = tpu.memref_squeeze %dma_start3A_57 : memref<1x128xi32, #tpu.memory_space<vmem>> -> memref<128xi32, #tpu.memory_space<vmem>>
    %dma_start3A_59 = arith.constant 0 : i32
    %dma_start3A_60 = arith.constant 0 : i32
    %dma_start3A_61 = tpu.memref_slice %arg2[%dma_start3A_59, %dma_start3A_60] : memref<100000x32xf32, #tpu.memory_space<hbm>> -> memref<100000x32xf32, #tpu.memory_space<hbm>>
    tpu.enqueue_indirect_dma source(%dma_start3A_61 : memref<100000x32xf32, #tpu.memory_space<hbm>>) target(%dma_start3A_55 : memref<128x32xf32, #tpu.memory_space<vmem>>) offsets(%dma_start3A_58 : memref<128xi32, #tpu.memory_space<vmem>>) semaphore(%arg15 : memref<!tpu.dma_semaphore, #tpu.memory_space<semaphore_mem>>)
    %dma_start3A_62 = arith.constant 6 : i32
    %dma_start3A_63 = arith.constant 768 : i32
    %dma_start3A_64 = arith.constant 0 : i32
    %dma_start3A_65 = tpu.memref_slice %arg12[%dma_start3A_63, %dma_start3A_64] : memref<1024x32xf32, #tpu.memory_space<vmem>> -> memref<128x32xf32, #tpu.memory_space<vmem>>
    %dma_start3A_66 = arith.constant 0 : i32
    %dma_start3A_67 = tpu.memref_slice %arg11[%dma_start3A_62, %dma_start3A_66] : memref<200x128xi32, #tpu.memory_space<vmem>> -> memref<1x128xi32, #tpu.memory_space<vmem>>
    %dma_start3A_68 = tpu.memref_squeeze %dma_start3A_67 : memref<1x128xi32, #tpu.memory_space<vmem>> -> memref<128xi32, #tpu.memory_space<vmem>>
    %dma_start3A_69 = arith.constant 0 : i32
    %dma_start3A_70 = arith.constant 0 : i32
    %dma_start3A_71 = tpu.memref_slice %arg2[%dma_start3A_69, %dma_start3A_70] : memref<100000x32xf32, #tpu.memory_space<hbm>> -> memref<100000x32xf32, #tpu.memory_space<hbm>>
    tpu.enqueue_indirect_dma source(%dma_start3A_71 : memref<100000x32xf32, #tpu.memory_space<hbm>>) target(%dma_start3A_65 : memref<128x32xf32, #tpu.memory_space<vmem>>) offsets(%dma_start3A_68 : memref<128xi32, #tpu.memory_space<vmem>>) semaphore(%arg15 : memref<!tpu.dma_semaphore, #tpu.memory_space<semaphore_mem>>)
    %dma_start3A_72 = arith.constant 7 : i32
    %dma_start3A_73 = arith.constant 896 : i32
    %dma_start3A_74 = arith.constant 0 : i32
    %dma_start3A_75 = tpu.memref_slice %arg12[%dma_start3A_73, %dma_start3A_74] : memref<1024x32xf32, #tpu.memory_space<vmem>> -> memref<128x32xf32, #tpu.memory_space<vmem>>
    %dma_start3A_76 = arith.constant 0 : i32
    %dma_start3A_77 = tpu.memref_slice %arg11[%dma_start3A_72, %dma_start3A_76] : memref<200x128xi32, #tpu.memory_space<vmem>> -> memref<1x128xi32, #tpu.memory_space<vmem>>
    %dma_start3A_78 = tpu.memref_squeeze %dma_start3A_77 : memref<1x128xi32, #tpu.memory_space<vmem>> -> memref<128xi32, #tpu.memory_space<vmem>>
    %dma_start3A_79 = arith.constant 0 : i32
    %dma_start3A_80 = arith.constant 0 : i32
    %dma_start3A_81 = tpu.memref_slice %arg2[%dma_start3A_79, %dma_start3A_80] : memref<100000x32xf32, #tpu.memory_space<hbm>> -> memref<100000x32xf32, #tpu.memory_space<hbm>>
    tpu.enqueue_indirect_dma source(%dma_start3A_81 : memref<100000x32xf32, #tpu.memory_space<hbm>>) target(%dma_start3A_75 : memref<128x32xf32, #tpu.memory_space<vmem>>) offsets(%dma_start3A_78 : memref<128xi32, #tpu.memory_space<vmem>>) semaphore(%arg15 : memref<!tpu.dma_semaphore, #tpu.memory_space<semaphore_mem>>)
    %scan3A = arith.constant 0 : i32
    %scan3A_82 = arith.constant 0 : i32
    %scan3A_83 = arith.constant 12 : i32
    %scan3A_84 = arith.addi %scan3A_82, %scan3A_83 : i32
    %scan3A_85 = arith.constant 1 : i32
    scf.for %scan3A_176 = %scan3A_82 to %scan3A_84 step %scan3A_85  : i32 {
      %mul3A_177 = arith.constant 2 : i32
      %mul3A_178 = arith.muli %mul3A_177, %scan3A_176 : i32
      %add3A_179 = arith.constant 0 : i32
      %add3A_180 = arith.addi %mul3A_178, %add3A_179 : i32
      %dma_wait3A_181 = arith.constant 0 : i32
      %dma_wait3A_182 = arith.constant 0 : i32
      %dma_wait3A_183 = arith.constant 0 : i32
      %dma_wait3A_184 = tpu.memref_slice %arg12[%dma_wait3A_182, %dma_wait3A_183] : memref<1024x32xf32, #tpu.memory_space<vmem>> -> memref<128x32xf32, #tpu.memory_space<vmem>>
      %dma_wait3A_185 = arith.constant 0 : i32
      %dma_wait3A_186 = tpu.memref_slice %arg11[%dma_wait3A_181, %dma_wait3A_185] : memref<200x128xi32, #tpu.memory_space<vmem>> -> memref<1x128xi32, #tpu.memory_space<vmem>>
      %dma_wait3A_187 = tpu.memref_squeeze %dma_wait3A_186 : memref<1x128xi32, #tpu.memory_space<vmem>> -> memref<128xi32, #tpu.memory_space<vmem>>
      %dma_wait3A_188 = arith.constant 0 : i32
      %dma_wait3A_189 = arith.constant 0 : i32
      %dma_wait3A_190 = tpu.memref_slice %arg2[%dma_wait3A_188, %dma_wait3A_189] : memref<100000x32xf32, #tpu.memory_space<hbm>> -> memref<100000x32xf32, #tpu.memory_space<hbm>>
      tpu.wait_indirect_dma semaphore(%arg15 : memref<!tpu.dma_semaphore, #tpu.memory_space<semaphore_mem>>) src(%dma_wait3A_190 : memref<100000x32xf32, #tpu.memory_space<hbm>>) dst(%dma_wait3A_184 : memref<128x32xf32, #tpu.memory_space<vmem>>)
      %dma_wait3A_191 = arith.constant 1 : i32
      %dma_wait3A_192 = arith.constant 128 : i32
      %dma_wait3A_193 = arith.constant 0 : i32
      %dma_wait3A_194 = tpu.memref_slice %arg12[%dma_wait3A_192, %dma_wait3A_193] : memref<1024x32xf32, #tpu.memory_space<vmem>> -> memref<128x32xf32, #tpu.memory_space<vmem>>
      %dma_wait3A_195 = arith.constant 0 : i32
      %dma_wait3A_196 = tpu.memref_slice %arg11[%dma_wait3A_191, %dma_wait3A_195] : memref<200x128xi32, #tpu.memory_space<vmem>> -> memref<1x128xi32, #tpu.memory_space<vmem>>
      %dma_wait3A_197 = tpu.memref_squeeze %dma_wait3A_196 : memref<1x128xi32, #tpu.memory_space<vmem>> -> memref<128xi32, #tpu.memory_space<vmem>>
      %dma_wait3A_198 = arith.constant 0 : i32
      %dma_wait3A_199 = arith.constant 0 : i32
      %dma_wait3A_200 = tpu.memref_slice %arg2[%dma_wait3A_198, %dma_wait3A_199] : memref<100000x32xf32, #tpu.memory_space<hbm>> -> memref<100000x32xf32, #tpu.memory_space<hbm>>
      tpu.wait_indirect_dma semaphore(%arg15 : memref<!tpu.dma_semaphore, #tpu.memory_space<semaphore_mem>>) src(%dma_wait3A_200 : memref<100000x32xf32, #tpu.memory_space<hbm>>) dst(%dma_wait3A_194 : memref<128x32xf32, #tpu.memory_space<vmem>>)
      %dma_wait3A_201 = arith.constant 2 : i32
      %dma_wait3A_202 = arith.constant 256 : i32
      %dma_wait3A_203 = arith.constant 0 : i32
      %dma_wait3A_204 = tpu.memref_slice %arg12[%dma_wait3A_202, %dma_wait3A_203] : memref<1024x32xf32, #tpu.memory_space<vmem>> -> memref<128x32xf32, #tpu.memory_space<vmem>>
      %dma_wait3A_205 = arith.constant 0 : i32
      %dma_wait3A_206 = tpu.memref_slice %arg11[%dma_wait3A_201, %dma_wait3A_205] : memref<200x128xi32, #tpu.memory_space<vmem>> -> memref<1x128xi32, #tpu.memory_space<vmem>>
      %dma_wait3A_207 = tpu.memref_squeeze %dma_wait3A_206 : memref<1x128xi32, #tpu.memory_space<vmem>> -> memref<128xi32, #tpu.memory_space<vmem>>
      %dma_wait3A_208 = arith.constant 0 : i32
      %dma_wait3A_209 = arith.constant 0 : i32
      %dma_wait3A_210 = tpu.memref_slice %arg2[%dma_wait3A_208, %dma_wait3A_209] : memref<100000x32xf32, #tpu.memory_space<hbm>> -> memref<100000x32xf32, #tpu.memory_space<hbm>>
      tpu.wait_indirect_dma semaphore(%arg15 : memref<!tpu.dma_semaphore, #tpu.memory_space<semaphore_mem>>) src(%dma_wait3A_210 : memref<100000x32xf32, #tpu.memory_space<hbm>>) dst(%dma_wait3A_204 : memref<128x32xf32, #tpu.memory_space<vmem>>)
      %dma_wait3A_211 = arith.constant 3 : i32
      %dma_wait3A_212 = arith.constant 384 : i32
      %dma_wait3A_213 = arith.constant 0 : i32
      %dma_wait3A_214 = tpu.memref_slice %arg12[%dma_wait3A_212, %dma_wait3A_213] : memref<1024x32xf32, #tpu.memory_space<vmem>> -> memref<128x32xf32, #tpu.memory_space<vmem>>
      %dma_wait3A_215 = arith.constant 0 : i32
      %dma_wait3A_216 = tpu.memref_slice %arg11[%dma_wait3A_211, %dma_wait3A_215] : memref<200x128xi32, #tpu.memory_space<vmem>> -> memref<1x128xi32, #tpu.memory_space<vmem>>
      %dma_wait3A_217 = tpu.memref_squeeze %dma_wait3A_216 : memref<1x128xi32, #tpu.memory_space<vmem>> -> memref<128xi32, #tpu.memory_space<vmem>>
      %dma_wait3A_218 = arith.constant 0 : i32
      %dma_wait3A_219 = arith.constant 0 : i32
      %dma_wait3A_220 = tpu.memref_slice %arg2[%dma_wait3A_218, %dma_wait3A_219] : memref<100000x32xf32, #tpu.memory_space<hbm>> -> memref<100000x32xf32, #tpu.memory_space<hbm>>
      tpu.wait_indirect_dma semaphore(%arg15 : memref<!tpu.dma_semaphore, #tpu.memory_space<semaphore_mem>>) src(%dma_wait3A_220 : memref<100000x32xf32, #tpu.memory_space<hbm>>) dst(%dma_wait3A_214 : memref<128x32xf32, #tpu.memory_space<vmem>>)
      %dma_wait3A_221 = arith.constant 4 : i32
      %dma_wait3A_222 = arith.constant 512 : i32
      %dma_wait3A_223 = arith.constant 0 : i32
      %dma_wait3A_224 = tpu.memref_slice %arg12[%dma_wait3A_222, %dma_wait3A_223] : memref<1024x32xf32, #tpu.memory_space<vmem>> -> memref<128x32xf32, #tpu.memory_space<vmem>>
      %dma_wait3A_225 = arith.constant 0 : i32
      %dma_wait3A_226 = tpu.memref_slice %arg11[%dma_wait3A_221, %dma_wait3A_225] : memref<200x128xi32, #tpu.memory_space<vmem>> -> memref<1x128xi32, #tpu.memory_space<vmem>>
      %dma_wait3A_227 = tpu.memref_squeeze %dma_wait3A_226 : memref<1x128xi32, #tpu.memory_space<vmem>> -> memref<128xi32, #tpu.memory_space<vmem>>
      %dma_wait3A_228 = arith.constant 0 : i32
      %dma_wait3A_229 = arith.constant 0 : i32
      %dma_wait3A_230 = tpu.memref_slice %arg2[%dma_wait3A_228, %dma_wait3A_229] : memref<100000x32xf32, #tpu.memory_space<hbm>> -> memref<100000x32xf32, #tpu.memory_space<hbm>>
      tpu.wait_indirect_dma semaphore(%arg15 : memref<!tpu.dma_semaphore, #tpu.memory_space<semaphore_mem>>) src(%dma_wait3A_230 : memref<100000x32xf32, #tpu.memory_space<hbm>>) dst(%dma_wait3A_224 : memref<128x32xf32, #tpu.memory_space<vmem>>)
      %dma_wait3A_231 = arith.constant 5 : i32
      %dma_wait3A_232 = arith.constant 640 : i32
      %dma_wait3A_233 = arith.constant 0 : i32
      %dma_wait3A_234 = tpu.memref_slice %arg12[%dma_wait3A_232, %dma_wait3A_233] : memref<1024x32xf32, #tpu.memory_space<vmem>> -> memref<128x32xf32, #tpu.memory_space<vmem>>
      %dma_wait3A_235 = arith.constant 0 : i32
      %dma_wait3A_236 = tpu.memref_slice %arg11[%dma_wait3A_231, %dma_wait3A_235] : memref<200x128xi32, #tpu.memory_space<vmem>> -> memref<1x128xi32, #tpu.memory_space<vmem>>
      %dma_wait3A_237 = tpu.memref_squeeze %dma_wait3A_236 : memref<1x128xi32, #tpu.memory_space<vmem>> -> memref<128xi32, #tpu.memory_space<vmem>>
      %dma_wait3A_238 = arith.constant 0 : i32
      %dma_wait3A_239 = arith.constant 0 : i32
      %dma_wait3A_240 = tpu.memref_slice %arg2[%dma_wait3A_238, %dma_wait3A_239] : memref<100000x32xf32, #tpu.memory_space<hbm>> -> memref<100000x32xf32, #tpu.memory_space<hbm>>
      tpu.wait_indirect_dma semaphore(%arg15 : memref<!tpu.dma_semaphore, #tpu.memory_space<semaphore_mem>>) src(%dma_wait3A_240 : memref<100000x32xf32, #tpu.memory_space<hbm>>) dst(%dma_wait3A_234 : memref<128x32xf32, #tpu.memory_space<vmem>>)
      %dma_wait3A_241 = arith.constant 6 : i32
      %dma_wait3A_242 = arith.constant 768 : i32
      %dma_wait3A_243 = arith.constant 0 : i32
      %dma_wait3A_244 = tpu.memref_slice %arg12[%dma_wait3A_242, %dma_wait3A_243] : memref<1024x32xf32, #tpu.memory_space<vmem>> -> memref<128x32xf32, #tpu.memory_space<vmem>>
      %dma_wait3A_245 = arith.constant 0 : i32
      %dma_wait3A_246 = tpu.memref_slice %arg11[%dma_wait3A_241, %dma_wait3A_245] : memref<200x128xi32, #tpu.memory_space<vmem>> -> memref<1x128xi32, #tpu.memory_space<vmem>>
      %dma_wait3A_247 = tpu.memref_squeeze %dma_wait3A_246 : memref<1x128xi32, #tpu.memory_space<vmem>> -> memref<128xi32, #tpu.memory_space<vmem>>
      %dma_wait3A_248 = arith.constant 0 : i32
      %dma_wait3A_249 = arith.constant 0 : i32
      %dma_wait3A_250 = tpu.memref_slice %arg2[%dma_wait3A_248, %dma_wait3A_249] : memref<100000x32xf32, #tpu.memory_space<hbm>> -> memref<100000x32xf32, #tpu.memory_space<hbm>>
      tpu.wait_indirect_dma semaphore(%arg15 : memref<!tpu.dma_semaphore, #tpu.memory_space<semaphore_mem>>) src(%dma_wait3A_250 : memref<100000x32xf32, #tpu.memory_space<hbm>>) dst(%dma_wait3A_244 : memref<128x32xf32, #tpu.memory_space<vmem>>)
      %dma_wait3A_251 = arith.constant 7 : i32
      %dma_wait3A_252 = arith.constant 896 : i32
      %dma_wait3A_253 = arith.constant 0 : i32
      %dma_wait3A_254 = tpu.memref_slice %arg12[%dma_wait3A_252, %dma_wait3A_253] : memref<1024x32xf32, #tpu.memory_space<vmem>> -> memref<128x32xf32, #tpu.memory_space<vmem>>
      %dma_wait3A_255 = arith.constant 0 : i32
      %dma_wait3A_256 = tpu.memref_slice %arg11[%dma_wait3A_251, %dma_wait3A_255] : memref<200x128xi32, #tpu.memory_space<vmem>> -> memref<1x128xi32, #tpu.memory_space<vmem>>
      %dma_wait3A_257 = tpu.memref_squeeze %dma_wait3A_256 : memref<1x128xi32, #tpu.memory_space<vmem>> -> memref<128xi32, #tpu.memory_space<vmem>>
      %dma_wait3A_258 = arith.constant 0 : i32
      %dma_wait3A_259 = arith.constant 0 : i32
      %dma_wait3A_260 = tpu.memref_slice %arg2[%dma_wait3A_258, %dma_wait3A_259] : memref<100000x32xf32, #tpu.memory_space<hbm>> -> memref<100000x32xf32, #tpu.memory_space<hbm>>
      tpu.wait_indirect_dma semaphore(%arg15 : memref<!tpu.dma_semaphore, #tpu.memory_space<semaphore_mem>>) src(%dma_wait3A_260 : memref<100000x32xf32, #tpu.memory_space<hbm>>) dst(%dma_wait3A_254 : memref<128x32xf32, #tpu.memory_space<vmem>>)
      %add3A_261 = arith.constant 1 : i32
      %add3A_262 = arith.addi %add3A_180, %add3A_261 : i32
      %mul3A_263 = arith.constant 8 : i32
      %mul3A_264 = arith.muli %add3A_262, %mul3A_263 : i32
      %add3A_265 = arith.constant 0 : i32
      %add3A_266 = arith.addi %mul3A_264, %add3A_265 : i32
      %dma_start3A_267 = arith.constant 0 : i32
      %dma_start3A_268 = arith.constant 0 : i32
      %dma_start3A_269 = tpu.memref_slice %arg13[%dma_start3A_267, %dma_start3A_268] : memref<1024x32xf32, #tpu.memory_space<vmem>> -> memref<128x32xf32, #tpu.memory_space<vmem>>
      %dma_start3A_270 = arith.constant 0 : i32
      %dma_start3A_271 = tpu.memref_slice %arg11[%add3A_266, %dma_start3A_270] : memref<200x128xi32, #tpu.memory_space<vmem>> -> memref<1x128xi32, #tpu.memory_space<vmem>>
      %dma_start3A_272 = tpu.memref_squeeze %dma_start3A_271 : memref<1x128xi32, #tpu.memory_space<vmem>> -> memref<128xi32, #tpu.memory_space<vmem>>
      %dma_start3A_273 = arith.constant 0 : i32
      %dma_start3A_274 = arith.constant 0 : i32
      %dma_start3A_275 = tpu.memref_slice %arg2[%dma_start3A_273, %dma_start3A_274] : memref<100000x32xf32, #tpu.memory_space<hbm>> -> memref<100000x32xf32, #tpu.memory_space<hbm>>
      tpu.enqueue_indirect_dma source(%dma_start3A_275 : memref<100000x32xf32, #tpu.memory_space<hbm>>) target(%dma_start3A_269 : memref<128x32xf32, #tpu.memory_space<vmem>>) offsets(%dma_start3A_272 : memref<128xi32, #tpu.memory_space<vmem>>) semaphore(%arg16 : memref<!tpu.dma_semaphore, #tpu.memory_space<semaphore_mem>>)
      %mul3A_276 = arith.constant 8 : i32
      %mul3A_277 = arith.muli %add3A_262, %mul3A_276 : i32
      %add3A_278 = arith.constant 1 : i32
      %add3A_279 = arith.addi %mul3A_277, %add3A_278 : i32
      %dma_start3A_280 = arith.constant 128 : i32
      %dma_start3A_281 = arith.constant 0 : i32
      %dma_start3A_282 = tpu.memref_slice %arg13[%dma_start3A_280, %dma_start3A_281] : memref<1024x32xf32, #tpu.memory_space<vmem>> -> memref<128x32xf32, #tpu.memory_space<vmem>>
      %dma_start3A_283 = arith.constant 0 : i32
      %dma_start3A_284 = tpu.memref_slice %arg11[%add3A_279, %dma_start3A_283] : memref<200x128xi32, #tpu.memory_space<vmem>> -> memref<1x128xi32, #tpu.memory_space<vmem>>
      %dma_start3A_285 = tpu.memref_squeeze %dma_start3A_284 : memref<1x128xi32, #tpu.memory_space<vmem>> -> memref<128xi32, #tpu.memory_space<vmem>>
      %dma_start3A_286 = arith.constant 0 : i32
      %dma_start3A_287 = arith.constant 0 : i32
      %dma_start3A_288 = tpu.memref_slice %arg2[%dma_start3A_286, %dma_start3A_287] : memref<100000x32xf32, #tpu.memory_space<hbm>> -> memref<100000x32xf32, #tpu.memory_space<hbm>>
      tpu.enqueue_indirect_dma source(%dma_start3A_288 : memref<100000x32xf32, #tpu.memory_space<hbm>>) target(%dma_start3A_282 : memref<128x32xf32, #tpu.memory_space<vmem>>) offsets(%dma_start3A_285 : memref<128xi32, #tpu.memory_space<vmem>>) semaphore(%arg16 : memref<!tpu.dma_semaphore, #tpu.memory_space<semaphore_mem>>)
      %mul3A_289 = arith.constant 8 : i32
      %mul3A_290 = arith.muli %add3A_262, %mul3A_289 : i32
      %add3A_291 = arith.constant 2 : i32
      %add3A_292 = arith.addi %mul3A_290, %add3A_291 : i32
      %dma_start3A_293 = arith.constant 256 : i32
      %dma_start3A_294 = arith.constant 0 : i32
      %dma_start3A_295 = tpu.memref_slice %arg13[%dma_start3A_293, %dma_start3A_294] : memref<1024x32xf32, #tpu.memory_space<vmem>> -> memref<128x32xf32, #tpu.memory_space<vmem>>
      %dma_start3A_296 = arith.constant 0 : i32
      %dma_start3A_297 = tpu.memref_slice %arg11[%add3A_292, %dma_start3A_296] : memref<200x128xi32, #tpu.memory_space<vmem>> -> memref<1x128xi32, #tpu.memory_space<vmem>>
      %dma_start3A_298 = tpu.memref_squeeze %dma_start3A_297 : memref<1x128xi32, #tpu.memory_space<vmem>> -> memref<128xi32, #tpu.memory_space<vmem>>
      %dma_start3A_299 = arith.constant 0 : i32
      %dma_start3A_300 = arith.constant 0 : i32
      %dma_start3A_301 = tpu.memref_slice %arg2[%dma_start3A_299, %dma_start3A_300] : memref<100000x32xf32, #tpu.memory_space<hbm>> -> memref<100000x32xf32, #tpu.memory_space<hbm>>
      tpu.enqueue_indirect_dma source(%dma_start3A_301 : memref<100000x32xf32, #tpu.memory_space<hbm>>) target(%dma_start3A_295 : memref<128x32xf32, #tpu.memory_space<vmem>>) offsets(%dma_start3A_298 : memref<128xi32, #tpu.memory_space<vmem>>) semaphore(%arg16 : memref<!tpu.dma_semaphore, #tpu.memory_space<semaphore_mem>>)
      %mul3A_302 = arith.constant 8 : i32
      %mul3A_303 = arith.muli %add3A_262, %mul3A_302 : i32
      %add3A_304 = arith.constant 3 : i32
      %add3A_305 = arith.addi %mul3A_303, %add3A_304 : i32
      %dma_start3A_306 = arith.constant 384 : i32
      %dma_start3A_307 = arith.constant 0 : i32
      %dma_start3A_308 = tpu.memref_slice %arg13[%dma_start3A_306, %dma_start3A_307] : memref<1024x32xf32, #tpu.memory_space<vmem>> -> memref<128x32xf32, #tpu.memory_space<vmem>>
      %dma_start3A_309 = arith.constant 0 : i32
      %dma_start3A_310 = tpu.memref_slice %arg11[%add3A_305, %dma_start3A_309] : memref<200x128xi32, #tpu.memory_space<vmem>> -> memref<1x128xi32, #tpu.memory_space<vmem>>
      %dma_start3A_311 = tpu.memref_squeeze %dma_start3A_310 : memref<1x128xi32, #tpu.memory_space<vmem>> -> memref<128xi32, #tpu.memory_space<vmem>>
      %dma_start3A_312 = arith.constant 0 : i32
      %dma_start3A_313 = arith.constant 0 : i32
      %dma_start3A_314 = tpu.memref_slice %arg2[%dma_start3A_312, %dma_start3A_313] : memref<100000x32xf32, #tpu.memory_space<hbm>> -> memref<100000x32xf32, #tpu.memory_space<hbm>>
      tpu.enqueue_indirect_dma source(%dma_start3A_314 : memref<100000x32xf32, #tpu.memory_space<hbm>>) target(%dma_start3A_308 : memref<128x32xf32, #tpu.memory_space<vmem>>) offsets(%dma_start3A_311 : memref<128xi32, #tpu.memory_space<vmem>>) semaphore(%arg16 : memref<!tpu.dma_semaphore, #tpu.memory_space<semaphore_mem>>)
      %mul3A_315 = arith.constant 8 : i32
      %mul3A_316 = arith.muli %add3A_262, %mul3A_315 : i32
      %add3A_317 = arith.constant 4 : i32
      %add3A_318 = arith.addi %mul3A_316, %add3A_317 : i32
      %dma_start3A_319 = arith.constant 512 : i32
      %dma_start3A_320 = arith.constant 0 : i32
      %dma_start3A_321 = tpu.memref_slice %arg13[%dma_start3A_319, %dma_start3A_320] : memref<1024x32xf32, #tpu.memory_space<vmem>> -> memref<128x32xf32, #tpu.memory_space<vmem>>
      %dma_start3A_322 = arith.constant 0 : i32
      %dma_start3A_323 = tpu.memref_slice %arg11[%add3A_318, %dma_start3A_322] : memref<200x128xi32, #tpu.memory_space<vmem>> -> memref<1x128xi32, #tpu.memory_space<vmem>>
      %dma_start3A_324 = tpu.memref_squeeze %dma_start3A_323 : memref<1x128xi32, #tpu.memory_space<vmem>> -> memref<128xi32, #tpu.memory_space<vmem>>
      %dma_start3A_325 = arith.constant 0 : i32
      %dma_start3A_326 = arith.constant 0 : i32
      %dma_start3A_327 = tpu.memref_slice %arg2[%dma_start3A_325, %dma_start3A_326] : memref<100000x32xf32, #tpu.memory_space<hbm>> -> memref<100000x32xf32, #tpu.memory_space<hbm>>
      tpu.enqueue_indirect_dma source(%dma_start3A_327 : memref<100000x32xf32, #tpu.memory_space<hbm>>) target(%dma_start3A_321 : memref<128x32xf32, #tpu.memory_space<vmem>>) offsets(%dma_start3A_324 : memref<128xi32, #tpu.memory_space<vmem>>) semaphore(%arg16 : memref<!tpu.dma_semaphore, #tpu.memory_space<semaphore_mem>>)
      %mul3A_328 = arith.constant 8 : i32
      %mul3A_329 = arith.muli %add3A_262, %mul3A_328 : i32
      %add3A_330 = arith.constant 5 : i32
      %add3A_331 = arith.addi %mul3A_329, %add3A_330 : i32
      %dma_start3A_332 = arith.constant 640 : i32
      %dma_start3A_333 = arith.constant 0 : i32
      %dma_start3A_334 = tpu.memref_slice %arg13[%dma_start3A_332, %dma_start3A_333] : memref<1024x32xf32, #tpu.memory_space<vmem>> -> memref<128x32xf32, #tpu.memory_space<vmem>>
      %dma_start3A_335 = arith.constant 0 : i32
      %dma_start3A_336 = tpu.memref_slice %arg11[%add3A_331, %dma_start3A_335] : memref<200x128xi32, #tpu.memory_space<vmem>> -> memref<1x128xi32, #tpu.memory_space<vmem>>
      %dma_start3A_337 = tpu.memref_squeeze %dma_start3A_336 : memref<1x128xi32, #tpu.memory_space<vmem>> -> memref<128xi32, #tpu.memory_space<vmem>>
      %dma_start3A_338 = arith.constant 0 : i32
      %dma_start3A_339 = arith.constant 0 : i32
      %dma_start3A_340 = tpu.memref_slice %arg2[%dma_start3A_338, %dma_start3A_339] : memref<100000x32xf32, #tpu.memory_space<hbm>> -> memref<100000x32xf32, #tpu.memory_space<hbm>>
      tpu.enqueue_indirect_dma source(%dma_start3A_340 : memref<100000x32xf32, #tpu.memory_space<hbm>>) target(%dma_start3A_334 : memref<128x32xf32, #tpu.memory_space<vmem>>) offsets(%dma_start3A_337 : memref<128xi32, #tpu.memory_space<vmem>>) semaphore(%arg16 : memref<!tpu.dma_semaphore, #tpu.memory_space<semaphore_mem>>)
      %mul3A_341 = arith.constant 8 : i32
      %mul3A_342 = arith.muli %add3A_262, %mul3A_341 : i32
      %add3A_343 = arith.constant 6 : i32
      %add3A_344 = arith.addi %mul3A_342, %add3A_343 : i32
      %dma_start3A_345 = arith.constant 768 : i32
      %dma_start3A_346 = arith.constant 0 : i32
      %dma_start3A_347 = tpu.memref_slice %arg13[%dma_start3A_345, %dma_start3A_346] : memref<1024x32xf32, #tpu.memory_space<vmem>> -> memref<128x32xf32, #tpu.memory_space<vmem>>
      %dma_start3A_348 = arith.constant 0 : i32
      %dma_start3A_349 = tpu.memref_slice %arg11[%add3A_344, %dma_start3A_348] : memref<200x128xi32, #tpu.memory_space<vmem>> -> memref<1x128xi32, #tpu.memory_space<vmem>>
      %dma_start3A_350 = tpu.memref_squeeze %dma_start3A_349 : memref<1x128xi32, #tpu.memory_space<vmem>> -> memref<128xi32, #tpu.memory_space<vmem>>
      %dma_start3A_351 = arith.constant 0 : i32
      %dma_start3A_352 = arith.constant 0 : i32
      %dma_start3A_353 = tpu.memref_slice %arg2[%dma_start3A_351, %dma_start3A_352] : memref<100000x32xf32, #tpu.memory_space<hbm>> -> memref<100000x32xf32, #tpu.memory_space<hbm>>
      tpu.enqueue_indirect_dma source(%dma_start3A_353 : memref<100000x32xf32, #tpu.memory_space<hbm>>) target(%dma_start3A_347 : memref<128x32xf32, #tpu.memory_space<vmem>>) offsets(%dma_start3A_350 : memref<128xi32, #tpu.memory_space<vmem>>) semaphore(%arg16 : memref<!tpu.dma_semaphore, #tpu.memory_space<semaphore_mem>>)
      %mul3A_354 = arith.constant 8 : i32
      %mul3A_355 = arith.muli %add3A_262, %mul3A_354 : i32
      %add3A_356 = arith.constant 7 : i32
      %add3A_357 = arith.addi %mul3A_355, %add3A_356 : i32
      %dma_start3A_358 = arith.constant 896 : i32
      %dma_start3A_359 = arith.constant 0 : i32
      %dma_start3A_360 = tpu.memref_slice %arg13[%dma_start3A_358, %dma_start3A_359] : memref<1024x32xf32, #tpu.memory_space<vmem>> -> memref<128x32xf32, #tpu.memory_space<vmem>>
      %dma_start3A_361 = arith.constant 0 : i32
      %dma_start3A_362 = tpu.memref_slice %arg11[%add3A_357, %dma_start3A_361] : memref<200x128xi32, #tpu.memory_space<vmem>> -> memref<1x128xi32, #tpu.memory_space<vmem>>
      %dma_start3A_363 = tpu.memref_squeeze %dma_start3A_362 : memref<1x128xi32, #tpu.memory_space<vmem>> -> memref<128xi32, #tpu.memory_space<vmem>>
      %dma_start3A_364 = arith.constant 0 : i32
      %dma_start3A_365 = arith.constant 0 : i32
      %dma_start3A_366 = tpu.memref_slice %arg2[%dma_start3A_364, %dma_start3A_365] : memref<100000x32xf32, #tpu.memory_space<hbm>> -> memref<100000x32xf32, #tpu.memory_space<hbm>>
      tpu.enqueue_indirect_dma source(%dma_start3A_366 : memref<100000x32xf32, #tpu.memory_space<hbm>>) target(%dma_start3A_360 : memref<128x32xf32, #tpu.memory_space<vmem>>) offsets(%dma_start3A_363 : memref<128xi32, #tpu.memory_space<vmem>>) semaphore(%arg16 : memref<!tpu.dma_semaphore, #tpu.memory_space<semaphore_mem>>)
      %mul3A_367 = arith.constant 25600 : i32
      %mul3A_368 = arith.muli %add3A, %mul3A_367 : i32
      %mul3A_369 = arith.constant 1024 : i32
      %mul3A_370 = arith.muli %add3A_180, %mul3A_369 : i32
      %add3A_371 = arith.addi %mul3A_368, %mul3A_370 : i32
      "tpu.region"() ({
        %run_scoped3A = tpu.sem_alloc : memref<!tpu.dma_semaphore, #tpu.memory_space<semaphore_mem>>
        %dma_start3A_567 = arith.constant 0 : i32
        %dma_start3A_568 = tpu.memref_slice %arg8[%add3A_371, %dma_start3A_567] : memref<819200x32xf32, #tpu.memory_space<hbm>> -> memref<1024x32xf32, #tpu.memory_space<hbm>>
        %dma_start3A_569 = arith.constant 0 : i32
        %dma_start3A_570 = tpu.memref_slice %arg8[%add3A_371, %dma_start3A_569] : memref<819200x32xf32, #tpu.memory_space<hbm>> -> memref<1024x32xf32, #tpu.memory_space<hbm>>
        tpu.enqueue_dma source(%arg12 : memref<1024x32xf32, #tpu.memory_space<vmem>>) target(%dma_start3A_570 : memref<1024x32xf32, #tpu.memory_space<hbm>>) target_semaphore(%run_scoped3A : memref<!tpu.dma_semaphore, #tpu.memory_space<semaphore_mem>>)
        %dma_wait3A_571 = arith.constant 0 : i32
        %dma_wait3A_572 = tpu.memref_slice %arg8[%add3A_371, %dma_wait3A_571] : memref<819200x32xf32, #tpu.memory_space<hbm>> -> memref<1024x32xf32, #tpu.memory_space<hbm>>
        %dma_wait3A_573 = arith.constant 0 : i32
        %dma_wait3A_574 = tpu.memref_slice %arg8[%add3A_371, %dma_wait3A_573] : memref<819200x32xf32, #tpu.memory_space<hbm>> -> memref<1024x32xf32, #tpu.memory_space<hbm>>
        tpu.wait_dma2 semaphore(%run_scoped3A : memref<!tpu.dma_semaphore, #tpu.memory_space<semaphore_mem>>) src(%arg12 : memref<1024x32xf32, #tpu.memory_space<vmem>>) dst(%dma_wait3A_574 : memref<1024x32xf32, #tpu.memory_space<hbm>>)
        tpu.yield
      }) : () -> ()
      %mul3A_372 = arith.constant 2 : i32
      %mul3A_373 = arith.muli %mul3A_372, %scan3A_176 : i32
      %add3A_374 = arith.constant 1 : i32
      %add3A_375 = arith.addi %mul3A_373, %add3A_374 : i32
      %dma_wait3A_376 = arith.constant 0 : i32
      %dma_wait3A_377 = arith.constant 0 : i32
      %dma_wait3A_378 = arith.constant 0 : i32
      %dma_wait3A_379 = tpu.memref_slice %arg13[%dma_wait3A_377, %dma_wait3A_378] : memref<1024x32xf32, #tpu.memory_space<vmem>> -> memref<128x32xf32, #tpu.memory_space<vmem>>
      %dma_wait3A_380 = arith.constant 0 : i32
      %dma_wait3A_381 = tpu.memref_slice %arg11[%dma_wait3A_376, %dma_wait3A_380] : memref<200x128xi32, #tpu.memory_space<vmem>> -> memref<1x128xi32, #tpu.memory_space<vmem>>
      %dma_wait3A_382 = tpu.memref_squeeze %dma_wait3A_381 : memref<1x128xi32, #tpu.memory_space<vmem>> -> memref<128xi32, #tpu.memory_space<vmem>>
      %dma_wait3A_383 = arith.constant 0 : i32
      %dma_wait3A_384 = arith.constant 0 : i32
      %dma_wait3A_385 = tpu.memref_slice %arg2[%dma_wait3A_383, %dma_wait3A_384] : memref<100000x32xf32, #tpu.memory_space<hbm>> -> memref<100000x32xf32, #tpu.memory_space<hbm>>
      tpu.wait_indirect_dma semaphore(%arg16 : memref<!tpu.dma_semaphore, #tpu.memory_space<semaphore_mem>>) src(%dma_wait3A_385 : memref<100000x32xf32, #tpu.memory_space<hbm>>) dst(%dma_wait3A_379 : memref<128x32xf32, #tpu.memory_space<vmem>>)
      %dma_wait3A_386 = arith.constant 1 : i32
      %dma_wait3A_387 = arith.constant 128 : i32
      %dma_wait3A_388 = arith.constant 0 : i32
      %dma_wait3A_389 = tpu.memref_slice %arg13[%dma_wait3A_387, %dma_wait3A_388] : memref<1024x32xf32, #tpu.memory_space<vmem>> -> memref<128x32xf32, #tpu.memory_space<vmem>>
      %dma_wait3A_390 = arith.constant 0 : i32
      %dma_wait3A_391 = tpu.memref_slice %arg11[%dma_wait3A_386, %dma_wait3A_390] : memref<200x128xi32, #tpu.memory_space<vmem>> -> memref<1x128xi32, #tpu.memory_space<vmem>>
      %dma_wait3A_392 = tpu.memref_squeeze %dma_wait3A_391 : memref<1x128xi32, #tpu.memory_space<vmem>> -> memref<128xi32, #tpu.memory_space<vmem>>
      %dma_wait3A_393 = arith.constant 0 : i32
      %dma_wait3A_394 = arith.constant 0 : i32
      %dma_wait3A_395 = tpu.memref_slice %arg2[%dma_wait3A_393, %dma_wait3A_394] : memref<100000x32xf32, #tpu.memory_space<hbm>> -> memref<100000x32xf32, #tpu.memory_space<hbm>>
      tpu.wait_indirect_dma semaphore(%arg16 : memref<!tpu.dma_semaphore, #tpu.memory_space<semaphore_mem>>) src(%dma_wait3A_395 : memref<100000x32xf32, #tpu.memory_space<hbm>>) dst(%dma_wait3A_389 : memref<128x32xf32, #tpu.memory_space<vmem>>)
      %dma_wait3A_396 = arith.constant 2 : i32
      %dma_wait3A_397 = arith.constant 256 : i32
      %dma_wait3A_398 = arith.constant 0 : i32
      %dma_wait3A_399 = tpu.memref_slice %arg13[%dma_wait3A_397, %dma_wait3A_398] : memref<1024x32xf32, #tpu.memory_space<vmem>> -> memref<128x32xf32, #tpu.memory_space<vmem>>
      %dma_wait3A_400 = arith.constant 0 : i32
      %dma_wait3A_401 = tpu.memref_slice %arg11[%dma_wait3A_396, %dma_wait3A_400] : memref<200x128xi32, #tpu.memory_space<vmem>> -> memref<1x128xi32, #tpu.memory_space<vmem>>
      %dma_wait3A_402 = tpu.memref_squeeze %dma_wait3A_401 : memref<1x128xi32, #tpu.memory_space<vmem>> -> memref<128xi32, #tpu.memory_space<vmem>>
      %dma_wait3A_403 = arith.constant 0 : i32
      %dma_wait3A_404 = arith.constant 0 : i32
      %dma_wait3A_405 = tpu.memref_slice %arg2[%dma_wait3A_403, %dma_wait3A_404] : memref<100000x32xf32, #tpu.memory_space<hbm>> -> memref<100000x32xf32, #tpu.memory_space<hbm>>
      tpu.wait_indirect_dma semaphore(%arg16 : memref<!tpu.dma_semaphore, #tpu.memory_space<semaphore_mem>>) src(%dma_wait3A_405 : memref<100000x32xf32, #tpu.memory_space<hbm>>) dst(%dma_wait3A_399 : memref<128x32xf32, #tpu.memory_space<vmem>>)
      %dma_wait3A_406 = arith.constant 3 : i32
      %dma_wait3A_407 = arith.constant 384 : i32
      %dma_wait3A_408 = arith.constant 0 : i32
      %dma_wait3A_409 = tpu.memref_slice %arg13[%dma_wait3A_407, %dma_wait3A_408] : memref<1024x32xf32, #tpu.memory_space<vmem>> -> memref<128x32xf32, #tpu.memory_space<vmem>>
      %dma_wait3A_410 = arith.constant 0 : i32
      %dma_wait3A_411 = tpu.memref_slice %arg11[%dma_wait3A_406, %dma_wait3A_410] : memref<200x128xi32, #tpu.memory_space<vmem>> -> memref<1x128xi32, #tpu.memory_space<vmem>>
      %dma_wait3A_412 = tpu.memref_squeeze %dma_wait3A_411 : memref<1x128xi32, #tpu.memory_space<vmem>> -> memref<128xi32, #tpu.memory_space<vmem>>
      %dma_wait3A_413 = arith.constant 0 : i32
      %dma_wait3A_414 = arith.constant 0 : i32
      %dma_wait3A_415 = tpu.memref_slice %arg2[%dma_wait3A_413, %dma_wait3A_414] : memref<100000x32xf32, #tpu.memory_space<hbm>> -> memref<100000x32xf32, #tpu.memory_space<hbm>>
      tpu.wait_indirect_dma semaphore(%arg16 : memref<!tpu.dma_semaphore, #tpu.memory_space<semaphore_mem>>) src(%dma_wait3A_415 : memref<100000x32xf32, #tpu.memory_space<hbm>>) dst(%dma_wait3A_409 : memref<128x32xf32, #tpu.memory_space<vmem>>)
      %dma_wait3A_416 = arith.constant 4 : i32
      %dma_wait3A_417 = arith.constant 512 : i32
      %dma_wait3A_418 = arith.constant 0 : i32
      %dma_wait3A_419 = tpu.memref_slice %arg13[%dma_wait3A_417, %dma_wait3A_418] : memref<1024x32xf32, #tpu.memory_space<vmem>> -> memref<128x32xf32, #tpu.memory_space<vmem>>
      %dma_wait3A_420 = arith.constant 0 : i32
      %dma_wait3A_421 = tpu.memref_slice %arg11[%dma_wait3A_416, %dma_wait3A_420] : memref<200x128xi32, #tpu.memory_space<vmem>> -> memref<1x128xi32, #tpu.memory_space<vmem>>
      %dma_wait3A_422 = tpu.memref_squeeze %dma_wait3A_421 : memref<1x128xi32, #tpu.memory_space<vmem>> -> memref<128xi32, #tpu.memory_space<vmem>>
      %dma_wait3A_423 = arith.constant 0 : i32
      %dma_wait3A_424 = arith.constant 0 : i32
      %dma_wait3A_425 = tpu.memref_slice %arg2[%dma_wait3A_423, %dma_wait3A_424] : memref<100000x32xf32, #tpu.memory_space<hbm>> -> memref<100000x32xf32, #tpu.memory_space<hbm>>
      tpu.wait_indirect_dma semaphore(%arg16 : memref<!tpu.dma_semaphore, #tpu.memory_space<semaphore_mem>>) src(%dma_wait3A_425 : memref<100000x32xf32, #tpu.memory_space<hbm>>) dst(%dma_wait3A_419 : memref<128x32xf32, #tpu.memory_space<vmem>>)
      %dma_wait3A_426 = arith.constant 5 : i32
      %dma_wait3A_427 = arith.constant 640 : i32
      %dma_wait3A_428 = arith.constant 0 : i32
      %dma_wait3A_429 = tpu.memref_slice %arg13[%dma_wait3A_427, %dma_wait3A_428] : memref<1024x32xf32, #tpu.memory_space<vmem>> -> memref<128x32xf32, #tpu.memory_space<vmem>>
      %dma_wait3A_430 = arith.constant 0 : i32
      %dma_wait3A_431 = tpu.memref_slice %arg11[%dma_wait3A_426, %dma_wait3A_430] : memref<200x128xi32, #tpu.memory_space<vmem>> -> memref<1x128xi32, #tpu.memory_space<vmem>>
      %dma_wait3A_432 = tpu.memref_squeeze %dma_wait3A_431 : memref<1x128xi32, #tpu.memory_space<vmem>> -> memref<128xi32, #tpu.memory_space<vmem>>
      %dma_wait3A_433 = arith.constant 0 : i32
      %dma_wait3A_434 = arith.constant 0 : i32
      %dma_wait3A_435 = tpu.memref_slice %arg2[%dma_wait3A_433, %dma_wait3A_434] : memref<100000x32xf32, #tpu.memory_space<hbm>> -> memref<100000x32xf32, #tpu.memory_space<hbm>>
      tpu.wait_indirect_dma semaphore(%arg16 : memref<!tpu.dma_semaphore, #tpu.memory_space<semaphore_mem>>) src(%dma_wait3A_435 : memref<100000x32xf32, #tpu.memory_space<hbm>>) dst(%dma_wait3A_429 : memref<128x32xf32, #tpu.memory_space<vmem>>)
      %dma_wait3A_436 = arith.constant 6 : i32
      %dma_wait3A_437 = arith.constant 768 : i32
      %dma_wait3A_438 = arith.constant 0 : i32
      %dma_wait3A_439 = tpu.memref_slice %arg13[%dma_wait3A_437, %dma_wait3A_438] : memref<1024x32xf32, #tpu.memory_space<vmem>> -> memref<128x32xf32, #tpu.memory_space<vmem>>
      %dma_wait3A_440 = arith.constant 0 : i32
      %dma_wait3A_441 = tpu.memref_slice %arg11[%dma_wait3A_436, %dma_wait3A_440] : memref<200x128xi32, #tpu.memory_space<vmem>> -> memref<1x128xi32, #tpu.memory_space<vmem>>
      %dma_wait3A_442 = tpu.memref_squeeze %dma_wait3A_441 : memref<1x128xi32, #tpu.memory_space<vmem>> -> memref<128xi32, #tpu.memory_space<vmem>>
      %dma_wait3A_443 = arith.constant 0 : i32
      %dma_wait3A_444 = arith.constant 0 : i32
      %dma_wait3A_445 = tpu.memref_slice %arg2[%dma_wait3A_443, %dma_wait3A_444] : memref<100000x32xf32, #tpu.memory_space<hbm>> -> memref<100000x32xf32, #tpu.memory_space<hbm>>
      tpu.wait_indirect_dma semaphore(%arg16 : memref<!tpu.dma_semaphore, #tpu.memory_space<semaphore_mem>>) src(%dma_wait3A_445 : memref<100000x32xf32, #tpu.memory_space<hbm>>) dst(%dma_wait3A_439 : memref<128x32xf32, #tpu.memory_space<vmem>>)
      %dma_wait3A_446 = arith.constant 7 : i32
      %dma_wait3A_447 = arith.constant 896 : i32
      %dma_wait3A_448 = arith.constant 0 : i32
      %dma_wait3A_449 = tpu.memref_slice %arg13[%dma_wait3A_447, %dma_wait3A_448] : memref<1024x32xf32, #tpu.memory_space<vmem>> -> memref<128x32xf32, #tpu.memory_space<vmem>>
      %dma_wait3A_450 = arith.constant 0 : i32
      %dma_wait3A_451 = tpu.memref_slice %arg11[%dma_wait3A_446, %dma_wait3A_450] : memref<200x128xi32, #tpu.memory_space<vmem>> -> memref<1x128xi32, #tpu.memory_space<vmem>>
      %dma_wait3A_452 = tpu.memref_squeeze %dma_wait3A_451 : memref<1x128xi32, #tpu.memory_space<vmem>> -> memref<128xi32, #tpu.memory_space<vmem>>
      %dma_wait3A_453 = arith.constant 0 : i32
      %dma_wait3A_454 = arith.constant 0 : i32
      %dma_wait3A_455 = tpu.memref_slice %arg2[%dma_wait3A_453, %dma_wait3A_454] : memref<100000x32xf32, #tpu.memory_space<hbm>> -> memref<100000x32xf32, #tpu.memory_space<hbm>>
      tpu.wait_indirect_dma semaphore(%arg16 : memref<!tpu.dma_semaphore, #tpu.memory_space<semaphore_mem>>) src(%dma_wait3A_455 : memref<100000x32xf32, #tpu.memory_space<hbm>>) dst(%dma_wait3A_449 : memref<128x32xf32, #tpu.memory_space<vmem>>)
      %add3A_456 = arith.constant 1 : i32
      %add3A_457 = arith.addi %add3A_375, %add3A_456 : i32
      %mul3A_458 = arith.constant 8 : i32
      %mul3A_459 = arith.muli %add3A_457, %mul3A_458 : i32
      %add3A_460 = arith.constant 0 : i32
      %add3A_461 = arith.addi %mul3A_459, %add3A_460 : i32
      %dma_start3A_462 = arith.constant 0 : i32
      %dma_start3A_463 = arith.constant 0 : i32
      %dma_start3A_464 = tpu.memref_slice %arg12[%dma_start3A_462, %dma_start3A_463] : memref<1024x32xf32, #tpu.memory_space<vmem>> -> memref<128x32xf32, #tpu.memory_space<vmem>>
      %dma_start3A_465 = arith.constant 0 : i32
      %dma_start3A_466 = tpu.memref_slice %arg11[%add3A_461, %dma_start3A_465] : memref<200x128xi32, #tpu.memory_space<vmem>> -> memref<1x128xi32, #tpu.memory_space<vmem>>
      %dma_start3A_467 = tpu.memref_squeeze %dma_start3A_466 : memref<1x128xi32, #tpu.memory_space<vmem>> -> memref<128xi32, #tpu.memory_space<vmem>>
      %dma_start3A_468 = arith.constant 0 : i32
      %dma_start3A_469 = arith.constant 0 : i32
      %dma_start3A_470 = tpu.memref_slice %arg2[%dma_start3A_468, %dma_start3A_469] : memref<100000x32xf32, #tpu.memory_space<hbm>> -> memref<100000x32xf32, #tpu.memory_space<hbm>>
      tpu.enqueue_indirect_dma source(%dma_start3A_470 : memref<100000x32xf32, #tpu.memory_space<hbm>>) target(%dma_start3A_464 : memref<128x32xf32, #tpu.memory_space<vmem>>) offsets(%dma_start3A_467 : memref<128xi32, #tpu.memory_space<vmem>>) semaphore(%arg15 : memref<!tpu.dma_semaphore, #tpu.memory_space<semaphore_mem>>)
      %mul3A_471 = arith.constant 8 : i32
      %mul3A_472 = arith.muli %add3A_457, %mul3A_471 : i32
      %add3A_473 = arith.constant 1 : i32
      %add3A_474 = arith.addi %mul3A_472, %add3A_473 : i32
      %dma_start3A_475 = arith.constant 128 : i32
      %dma_start3A_476 = arith.constant 0 : i32
      %dma_start3A_477 = tpu.memref_slice %arg12[%dma_start3A_475, %dma_start3A_476] : memref<1024x32xf32, #tpu.memory_space<vmem>> -> memref<128x32xf32, #tpu.memory_space<vmem>>
      %dma_start3A_478 = arith.constant 0 : i32
      %dma_start3A_479 = tpu.memref_slice %arg11[%add3A_474, %dma_start3A_478] : memref<200x128xi32, #tpu.memory_space<vmem>> -> memref<1x128xi32, #tpu.memory_space<vmem>>
      %dma_start3A_480 = tpu.memref_squeeze %dma_start3A_479 : memref<1x128xi32, #tpu.memory_space<vmem>> -> memref<128xi32, #tpu.memory_space<vmem>>
      %dma_start3A_481 = arith.constant 0 : i32
      %dma_start3A_482 = arith.constant 0 : i32
      %dma_start3A_483 = tpu.memref_slice %arg2[%dma_start3A_481, %dma_start3A_482] : memref<100000x32xf32, #tpu.memory_space<hbm>> -> memref<100000x32xf32, #tpu.memory_space<hbm>>
      tpu.enqueue_indirect_dma source(%dma_start3A_483 : memref<100000x32xf32, #tpu.memory_space<hbm>>) target(%dma_start3A_477 : memref<128x32xf32, #tpu.memory_space<vmem>>) offsets(%dma_start3A_480 : memref<128xi32, #tpu.memory_space<vmem>>) semaphore(%arg15 : memref<!tpu.dma_semaphore, #tpu.memory_space<semaphore_mem>>)
      %mul3A_484 = arith.constant 8 : i32
      %mul3A_485 = arith.muli %add3A_457, %mul3A_484 : i32
      %add3A_486 = arith.constant 2 : i32
      %add3A_487 = arith.addi %mul3A_485, %add3A_486 : i32
      %dma_start3A_488 = arith.constant 256 : i32
      %dma_start3A_489 = arith.constant 0 : i32
      %dma_start3A_490 = tpu.memref_slice %arg12[%dma_start3A_488, %dma_start3A_489] : memref<1024x32xf32, #tpu.memory_space<vmem>> -> memref<128x32xf32, #tpu.memory_space<vmem>>
      %dma_start3A_491 = arith.constant 0 : i32
      %dma_start3A_492 = tpu.memref_slice %arg11[%add3A_487, %dma_start3A_491] : memref<200x128xi32, #tpu.memory_space<vmem>> -> memref<1x128xi32, #tpu.memory_space<vmem>>
      %dma_start3A_493 = tpu.memref_squeeze %dma_start3A_492 : memref<1x128xi32, #tpu.memory_space<vmem>> -> memref<128xi32, #tpu.memory_space<vmem>>
      %dma_start3A_494 = arith.constant 0 : i32
      %dma_start3A_495 = arith.constant 0 : i32
      %dma_start3A_496 = tpu.memref_slice %arg2[%dma_start3A_494, %dma_start3A_495] : memref<100000x32xf32, #tpu.memory_space<hbm>> -> memref<100000x32xf32, #tpu.memory_space<hbm>>
      tpu.enqueue_indirect_dma source(%dma_start3A_496 : memref<100000x32xf32, #tpu.memory_space<hbm>>) target(%dma_start3A_490 : memref<128x32xf32, #tpu.memory_space<vmem>>) offsets(%dma_start3A_493 : memref<128xi32, #tpu.memory_space<vmem>>) semaphore(%arg15 : memref<!tpu.dma_semaphore, #tpu.memory_space<semaphore_mem>>)
      %mul3A_497 = arith.constant 8 : i32
      %mul3A_498 = arith.muli %add3A_457, %mul3A_497 : i32
      %add3A_499 = arith.constant 3 : i32
      %add3A_500 = arith.addi %mul3A_498, %add3A_499 : i32
      %dma_start3A_501 = arith.constant 384 : i32
      %dma_start3A_502 = arith.constant 0 : i32
      %dma_start3A_503 = tpu.memref_slice %arg12[%dma_start3A_501, %dma_start3A_502] : memref<1024x32xf32, #tpu.memory_space<vmem>> -> memref<128x32xf32, #tpu.memory_space<vmem>>
      %dma_start3A_504 = arith.constant 0 : i32
      %dma_start3A_505 = tpu.memref_slice %arg11[%add3A_500, %dma_start3A_504] : memref<200x128xi32, #tpu.memory_space<vmem>> -> memref<1x128xi32, #tpu.memory_space<vmem>>
      %dma_start3A_506 = tpu.memref_squeeze %dma_start3A_505 : memref<1x128xi32, #tpu.memory_space<vmem>> -> memref<128xi32, #tpu.memory_space<vmem>>
      %dma_start3A_507 = arith.constant 0 : i32
      %dma_start3A_508 = arith.constant 0 : i32
      %dma_start3A_509 = tpu.memref_slice %arg2[%dma_start3A_507, %dma_start3A_508] : memref<100000x32xf32, #tpu.memory_space<hbm>> -> memref<100000x32xf32, #tpu.memory_space<hbm>>
      tpu.enqueue_indirect_dma source(%dma_start3A_509 : memref<100000x32xf32, #tpu.memory_space<hbm>>) target(%dma_start3A_503 : memref<128x32xf32, #tpu.memory_space<vmem>>) offsets(%dma_start3A_506 : memref<128xi32, #tpu.memory_space<vmem>>) semaphore(%arg15 : memref<!tpu.dma_semaphore, #tpu.memory_space<semaphore_mem>>)
      %mul3A_510 = arith.constant 8 : i32
      %mul3A_511 = arith.muli %add3A_457, %mul3A_510 : i32
      %add3A_512 = arith.constant 4 : i32
      %add3A_513 = arith.addi %mul3A_511, %add3A_512 : i32
      %dma_start3A_514 = arith.constant 512 : i32
      %dma_start3A_515 = arith.constant 0 : i32
      %dma_start3A_516 = tpu.memref_slice %arg12[%dma_start3A_514, %dma_start3A_515] : memref<1024x32xf32, #tpu.memory_space<vmem>> -> memref<128x32xf32, #tpu.memory_space<vmem>>
      %dma_start3A_517 = arith.constant 0 : i32
      %dma_start3A_518 = tpu.memref_slice %arg11[%add3A_513, %dma_start3A_517] : memref<200x128xi32, #tpu.memory_space<vmem>> -> memref<1x128xi32, #tpu.memory_space<vmem>>
      %dma_start3A_519 = tpu.memref_squeeze %dma_start3A_518 : memref<1x128xi32, #tpu.memory_space<vmem>> -> memref<128xi32, #tpu.memory_space<vmem>>
      %dma_start3A_520 = arith.constant 0 : i32
      %dma_start3A_521 = arith.constant 0 : i32
      %dma_start3A_522 = tpu.memref_slice %arg2[%dma_start3A_520, %dma_start3A_521] : memref<100000x32xf32, #tpu.memory_space<hbm>> -> memref<100000x32xf32, #tpu.memory_space<hbm>>
      tpu.enqueue_indirect_dma source(%dma_start3A_522 : memref<100000x32xf32, #tpu.memory_space<hbm>>) target(%dma_start3A_516 : memref<128x32xf32, #tpu.memory_space<vmem>>) offsets(%dma_start3A_519 : memref<128xi32, #tpu.memory_space<vmem>>) semaphore(%arg15 : memref<!tpu.dma_semaphore, #tpu.memory_space<semaphore_mem>>)
      %mul3A_523 = arith.constant 8 : i32
      %mul3A_524 = arith.muli %add3A_457, %mul3A_523 : i32
      %add3A_525 = arith.constant 5 : i32
      %add3A_526 = arith.addi %mul3A_524, %add3A_525 : i32
      %dma_start3A_527 = arith.constant 640 : i32
      %dma_start3A_528 = arith.constant 0 : i32
      %dma_start3A_529 = tpu.memref_slice %arg12[%dma_start3A_527, %dma_start3A_528] : memref<1024x32xf32, #tpu.memory_space<vmem>> -> memref<128x32xf32, #tpu.memory_space<vmem>>
      %dma_start3A_530 = arith.constant 0 : i32
      %dma_start3A_531 = tpu.memref_slice %arg11[%add3A_526, %dma_start3A_530] : memref<200x128xi32, #tpu.memory_space<vmem>> -> memref<1x128xi32, #tpu.memory_space<vmem>>
      %dma_start3A_532 = tpu.memref_squeeze %dma_start3A_531 : memref<1x128xi32, #tpu.memory_space<vmem>> -> memref<128xi32, #tpu.memory_space<vmem>>
      %dma_start3A_533 = arith.constant 0 : i32
      %dma_start3A_534 = arith.constant 0 : i32
      %dma_start3A_535 = tpu.memref_slice %arg2[%dma_start3A_533, %dma_start3A_534] : memref<100000x32xf32, #tpu.memory_space<hbm>> -> memref<100000x32xf32, #tpu.memory_space<hbm>>
      tpu.enqueue_indirect_dma source(%dma_start3A_535 : memref<100000x32xf32, #tpu.memory_space<hbm>>) target(%dma_start3A_529 : memref<128x32xf32, #tpu.memory_space<vmem>>) offsets(%dma_start3A_532 : memref<128xi32, #tpu.memory_space<vmem>>) semaphore(%arg15 : memref<!tpu.dma_semaphore, #tpu.memory_space<semaphore_mem>>)
      %mul3A_536 = arith.constant 8 : i32
      %mul3A_537 = arith.muli %add3A_457, %mul3A_536 : i32
      %add3A_538 = arith.constant 6 : i32
      %add3A_539 = arith.addi %mul3A_537, %add3A_538 : i32
      %dma_start3A_540 = arith.constant 768 : i32
      %dma_start3A_541 = arith.constant 0 : i32
      %dma_start3A_542 = tpu.memref_slice %arg12[%dma_start3A_540, %dma_start3A_541] : memref<1024x32xf32, #tpu.memory_space<vmem>> -> memref<128x32xf32, #tpu.memory_space<vmem>>
      %dma_start3A_543 = arith.constant 0 : i32
      %dma_start3A_544 = tpu.memref_slice %arg11[%add3A_539, %dma_start3A_543] : memref<200x128xi32, #tpu.memory_space<vmem>> -> memref<1x128xi32, #tpu.memory_space<vmem>>
      %dma_start3A_545 = tpu.memref_squeeze %dma_start3A_544 : memref<1x128xi32, #tpu.memory_space<vmem>> -> memref<128xi32, #tpu.memory_space<vmem>>
      %dma_start3A_546 = arith.constant 0 : i32
      %dma_start3A_547 = arith.constant 0 : i32
      %dma_start3A_548 = tpu.memref_slice %arg2[%dma_start3A_546, %dma_start3A_547] : memref<100000x32xf32, #tpu.memory_space<hbm>> -> memref<100000x32xf32, #tpu.memory_space<hbm>>
      tpu.enqueue_indirect_dma source(%dma_start3A_548 : memref<100000x32xf32, #tpu.memory_space<hbm>>) target(%dma_start3A_542 : memref<128x32xf32, #tpu.memory_space<vmem>>) offsets(%dma_start3A_545 : memref<128xi32, #tpu.memory_space<vmem>>) semaphore(%arg15 : memref<!tpu.dma_semaphore, #tpu.memory_space<semaphore_mem>>)
      %mul3A_549 = arith.constant 8 : i32
      %mul3A_550 = arith.muli %add3A_457, %mul3A_549 : i32
      %add3A_551 = arith.constant 7 : i32
      %add3A_552 = arith.addi %mul3A_550, %add3A_551 : i32
      %dma_start3A_553 = arith.constant 896 : i32
      %dma_start3A_554 = arith.constant 0 : i32
      %dma_start3A_555 = tpu.memref_slice %arg12[%dma_start3A_553, %dma_start3A_554] : memref<1024x32xf32, #tpu.memory_space<vmem>> -> memref<128x32xf32, #tpu.memory_space<vmem>>
      %dma_start3A_556 = arith.constant 0 : i32
      %dma_start3A_557 = tpu.memref_slice %arg11[%add3A_552, %dma_start3A_556] : memref<200x128xi32, #tpu.memory_space<vmem>> -> memref<1x128xi32, #tpu.memory_space<vmem>>
      %dma_start3A_558 = tpu.memref_squeeze %dma_start3A_557 : memref<1x128xi32, #tpu.memory_space<vmem>> -> memref<128xi32, #tpu.memory_space<vmem>>
      %dma_start3A_559 = arith.constant 0 : i32
      %dma_start3A_560 = arith.constant 0 : i32
      %dma_start3A_561 = tpu.memref_slice %arg2[%dma_start3A_559, %dma_start3A_560] : memref<100000x32xf32, #tpu.memory_space<hbm>> -> memref<100000x32xf32, #tpu.memory_space<hbm>>
      tpu.enqueue_indirect_dma source(%dma_start3A_561 : memref<100000x32xf32, #tpu.memory_space<hbm>>) target(%dma_start3A_555 : memref<128x32xf32, #tpu.memory_space<vmem>>) offsets(%dma_start3A_558 : memref<128xi32, #tpu.memory_space<vmem>>) semaphore(%arg15 : memref<!tpu.dma_semaphore, #tpu.memory_space<semaphore_mem>>)
      %mul3A_562 = arith.constant 25600 : i32
      %mul3A_563 = arith.muli %add3A, %mul3A_562 : i32
      %mul3A_564 = arith.constant 1024 : i32
      %mul3A_565 = arith.muli %add3A_375, %mul3A_564 : i32
      %add3A_566 = arith.addi %mul3A_563, %mul3A_565 : i32
      "tpu.region"() ({
        %run_scoped3A = tpu.sem_alloc : memref<!tpu.dma_semaphore, #tpu.memory_space<semaphore_mem>>
        %dma_start3A_567 = arith.constant 0 : i32
        %dma_start3A_568 = tpu.memref_slice %arg8[%add3A_566, %dma_start3A_567] : memref<819200x32xf32, #tpu.memory_space<hbm>> -> memref<1024x32xf32, #tpu.memory_space<hbm>>
        %dma_start3A_569 = arith.constant 0 : i32
        %dma_start3A_570 = tpu.memref_slice %arg8[%add3A_566, %dma_start3A_569] : memref<819200x32xf32, #tpu.memory_space<hbm>> -> memref<1024x32xf32, #tpu.memory_space<hbm>>
        tpu.enqueue_dma source(%arg13 : memref<1024x32xf32, #tpu.memory_space<vmem>>) target(%dma_start3A_570 : memref<1024x32xf32, #tpu.memory_space<hbm>>) target_semaphore(%run_scoped3A : memref<!tpu.dma_semaphore, #tpu.memory_space<semaphore_mem>>)
        %dma_wait3A_571 = arith.constant 0 : i32
        %dma_wait3A_572 = tpu.memref_slice %arg8[%add3A_566, %dma_wait3A_571] : memref<819200x32xf32, #tpu.memory_space<hbm>> -> memref<1024x32xf32, #tpu.memory_space<hbm>>
        %dma_wait3A_573 = arith.constant 0 : i32
        %dma_wait3A_574 = tpu.memref_slice %arg8[%add3A_566, %dma_wait3A_573] : memref<819200x32xf32, #tpu.memory_space<hbm>> -> memref<1024x32xf32, #tpu.memory_space<hbm>>
        tpu.wait_dma2 semaphore(%run_scoped3A : memref<!tpu.dma_semaphore, #tpu.memory_space<semaphore_mem>>) src(%arg13 : memref<1024x32xf32, #tpu.memory_space<vmem>>) dst(%dma_wait3A_574 : memref<1024x32xf32, #tpu.memory_space<hbm>>)
        tpu.yield
      }) : () -> ()
    }
    %scan3A_86 = arith.constant 12 : i32
    %dma_wait3A = arith.constant 0 : i32
    %dma_wait3A_87 = arith.constant 0 : i32
    %dma_wait3A_88 = arith.constant 0 : i32
    %dma_wait3A_89 = tpu.memref_slice %arg12[%dma_wait3A_87, %dma_wait3A_88] : memref<1024x32xf32, #tpu.memory_space<vmem>> -> memref<128x32xf32, #tpu.memory_space<vmem>>
    %dma_wait3A_90 = arith.constant 0 : i32
    %dma_wait3A_91 = tpu.memref_slice %arg11[%dma_wait3A, %dma_wait3A_90] : memref<200x128xi32, #tpu.memory_space<vmem>> -> memref<1x128xi32, #tpu.memory_space<vmem>>
    %dma_wait3A_92 = tpu.memref_squeeze %dma_wait3A_91 : memref<1x128xi32, #tpu.memory_space<vmem>> -> memref<128xi32, #tpu.memory_space<vmem>>
    %dma_wait3A_93 = arith.constant 0 : i32
    %dma_wait3A_94 = arith.constant 0 : i32
    %dma_wait3A_95 = tpu.memref_slice %arg2[%dma_wait3A_93, %dma_wait3A_94] : memref<100000x32xf32, #tpu.memory_space<hbm>> -> memref<100000x32xf32, #tpu.memory_space<hbm>>
    tpu.wait_indirect_dma semaphore(%arg15 : memref<!tpu.dma_semaphore, #tpu.memory_space<semaphore_mem>>) src(%dma_wait3A_95 : memref<100000x32xf32, #tpu.memory_space<hbm>>) dst(%dma_wait3A_89 : memref<128x32xf32, #tpu.memory_space<vmem>>)
    %dma_wait3A_96 = arith.constant 1 : i32
    %dma_wait3A_97 = arith.constant 128 : i32
    %dma_wait3A_98 = arith.constant 0 : i32
    %dma_wait3A_99 = tpu.memref_slice %arg12[%dma_wait3A_97, %dma_wait3A_98] : memref<1024x32xf32, #tpu.memory_space<vmem>> -> memref<128x32xf32, #tpu.memory_space<vmem>>
    %dma_wait3A_100 = arith.constant 0 : i32
    %dma_wait3A_101 = tpu.memref_slice %arg11[%dma_wait3A_96, %dma_wait3A_100] : memref<200x128xi32, #tpu.memory_space<vmem>> -> memref<1x128xi32, #tpu.memory_space<vmem>>
    %dma_wait3A_102 = tpu.memref_squeeze %dma_wait3A_101 : memref<1x128xi32, #tpu.memory_space<vmem>> -> memref<128xi32, #tpu.memory_space<vmem>>
    %dma_wait3A_103 = arith.constant 0 : i32
    %dma_wait3A_104 = arith.constant 0 : i32
    %dma_wait3A_105 = tpu.memref_slice %arg2[%dma_wait3A_103, %dma_wait3A_104] : memref<100000x32xf32, #tpu.memory_space<hbm>> -> memref<100000x32xf32, #tpu.memory_space<hbm>>
    tpu.wait_indirect_dma semaphore(%arg15 : memref<!tpu.dma_semaphore, #tpu.memory_space<semaphore_mem>>) src(%dma_wait3A_105 : memref<100000x32xf32, #tpu.memory_space<hbm>>) dst(%dma_wait3A_99 : memref<128x32xf32, #tpu.memory_space<vmem>>)
    %dma_wait3A_106 = arith.constant 2 : i32
    %dma_wait3A_107 = arith.constant 256 : i32
    %dma_wait3A_108 = arith.constant 0 : i32
    %dma_wait3A_109 = tpu.memref_slice %arg12[%dma_wait3A_107, %dma_wait3A_108] : memref<1024x32xf32, #tpu.memory_space<vmem>> -> memref<128x32xf32, #tpu.memory_space<vmem>>
    %dma_wait3A_110 = arith.constant 0 : i32
    %dma_wait3A_111 = tpu.memref_slice %arg11[%dma_wait3A_106, %dma_wait3A_110] : memref<200x128xi32, #tpu.memory_space<vmem>> -> memref<1x128xi32, #tpu.memory_space<vmem>>
    %dma_wait3A_112 = tpu.memref_squeeze %dma_wait3A_111 : memref<1x128xi32, #tpu.memory_space<vmem>> -> memref<128xi32, #tpu.memory_space<vmem>>
    %dma_wait3A_113 = arith.constant 0 : i32
    %dma_wait3A_114 = arith.constant 0 : i32
    %dma_wait3A_115 = tpu.memref_slice %arg2[%dma_wait3A_113, %dma_wait3A_114] : memref<100000x32xf32, #tpu.memory_space<hbm>> -> memref<100000x32xf32, #tpu.memory_space<hbm>>
    tpu.wait_indirect_dma semaphore(%arg15 : memref<!tpu.dma_semaphore, #tpu.memory_space<semaphore_mem>>) src(%dma_wait3A_115 : memref<100000x32xf32, #tpu.memory_space<hbm>>) dst(%dma_wait3A_109 : memref<128x32xf32, #tpu.memory_space<vmem>>)
    %dma_wait3A_116 = arith.constant 3 : i32
    %dma_wait3A_117 = arith.constant 384 : i32
    %dma_wait3A_118 = arith.constant 0 : i32
    %dma_wait3A_119 = tpu.memref_slice %arg12[%dma_wait3A_117, %dma_wait3A_118] : memref<1024x32xf32, #tpu.memory_space<vmem>> -> memref<128x32xf32, #tpu.memory_space<vmem>>
    %dma_wait3A_120 = arith.constant 0 : i32
    %dma_wait3A_121 = tpu.memref_slice %arg11[%dma_wait3A_116, %dma_wait3A_120] : memref<200x128xi32, #tpu.memory_space<vmem>> -> memref<1x128xi32, #tpu.memory_space<vmem>>
    %dma_wait3A_122 = tpu.memref_squeeze %dma_wait3A_121 : memref<1x128xi32, #tpu.memory_space<vmem>> -> memref<128xi32, #tpu.memory_space<vmem>>
    %dma_wait3A_123 = arith.constant 0 : i32
    %dma_wait3A_124 = arith.constant 0 : i32
    %dma_wait3A_125 = tpu.memref_slice %arg2[%dma_wait3A_123, %dma_wait3A_124] : memref<100000x32xf32, #tpu.memory_space<hbm>> -> memref<100000x32xf32, #tpu.memory_space<hbm>>
    tpu.wait_indirect_dma semaphore(%arg15 : memref<!tpu.dma_semaphore, #tpu.memory_space<semaphore_mem>>) src(%dma_wait3A_125 : memref<100000x32xf32, #tpu.memory_space<hbm>>) dst(%dma_wait3A_119 : memref<128x32xf32, #tpu.memory_space<vmem>>)
    %dma_wait3A_126 = arith.constant 4 : i32
    %dma_wait3A_127 = arith.constant 512 : i32
    %dma_wait3A_128 = arith.constant 0 : i32
    %dma_wait3A_129 = tpu.memref_slice %arg12[%dma_wait3A_127, %dma_wait3A_128] : memref<1024x32xf32, #tpu.memory_space<vmem>> -> memref<128x32xf32, #tpu.memory_space<vmem>>
    %dma_wait3A_130 = arith.constant 0 : i32
    %dma_wait3A_131 = tpu.memref_slice %arg11[%dma_wait3A_126, %dma_wait3A_130] : memref<200x128xi32, #tpu.memory_space<vmem>> -> memref<1x128xi32, #tpu.memory_space<vmem>>
    %dma_wait3A_132 = tpu.memref_squeeze %dma_wait3A_131 : memref<1x128xi32, #tpu.memory_space<vmem>> -> memref<128xi32, #tpu.memory_space<vmem>>
    %dma_wait3A_133 = arith.constant 0 : i32
    %dma_wait3A_134 = arith.constant 0 : i32
    %dma_wait3A_135 = tpu.memref_slice %arg2[%dma_wait3A_133, %dma_wait3A_134] : memref<100000x32xf32, #tpu.memory_space<hbm>> -> memref<100000x32xf32, #tpu.memory_space<hbm>>
    tpu.wait_indirect_dma semaphore(%arg15 : memref<!tpu.dma_semaphore, #tpu.memory_space<semaphore_mem>>) src(%dma_wait3A_135 : memref<100000x32xf32, #tpu.memory_space<hbm>>) dst(%dma_wait3A_129 : memref<128x32xf32, #tpu.memory_space<vmem>>)
    %dma_wait3A_136 = arith.constant 5 : i32
    %dma_wait3A_137 = arith.constant 640 : i32
    %dma_wait3A_138 = arith.constant 0 : i32
    %dma_wait3A_139 = tpu.memref_slice %arg12[%dma_wait3A_137, %dma_wait3A_138] : memref<1024x32xf32, #tpu.memory_space<vmem>> -> memref<128x32xf32, #tpu.memory_space<vmem>>
    %dma_wait3A_140 = arith.constant 0 : i32
    %dma_wait3A_141 = tpu.memref_slice %arg11[%dma_wait3A_136, %dma_wait3A_140] : memref<200x128xi32, #tpu.memory_space<vmem>> -> memref<1x128xi32, #tpu.memory_space<vmem>>
    %dma_wait3A_142 = tpu.memref_squeeze %dma_wait3A_141 : memref<1x128xi32, #tpu.memory_space<vmem>> -> memref<128xi32, #tpu.memory_space<vmem>>
    %dma_wait3A_143 = arith.constant 0 : i32
    %dma_wait3A_144 = arith.constant 0 : i32
    %dma_wait3A_145 = tpu.memref_slice %arg2[%dma_wait3A_143, %dma_wait3A_144] : memref<100000x32xf32, #tpu.memory_space<hbm>> -> memref<100000x32xf32, #tpu.memory_space<hbm>>
    tpu.wait_indirect_dma semaphore(%arg15 : memref<!tpu.dma_semaphore, #tpu.memory_space<semaphore_mem>>) src(%dma_wait3A_145 : memref<100000x32xf32, #tpu.memory_space<hbm>>) dst(%dma_wait3A_139 : memref<128x32xf32, #tpu.memory_space<vmem>>)
    %dma_wait3A_146 = arith.constant 6 : i32
    %dma_wait3A_147 = arith.constant 768 : i32
    %dma_wait3A_148 = arith.constant 0 : i32
    %dma_wait3A_149 = tpu.memref_slice %arg12[%dma_wait3A_147, %dma_wait3A_148] : memref<1024x32xf32, #tpu.memory_space<vmem>> -> memref<128x32xf32, #tpu.memory_space<vmem>>
    %dma_wait3A_150 = arith.constant 0 : i32
    %dma_wait3A_151 = tpu.memref_slice %arg11[%dma_wait3A_146, %dma_wait3A_150] : memref<200x128xi32, #tpu.memory_space<vmem>> -> memref<1x128xi32, #tpu.memory_space<vmem>>
    %dma_wait3A_152 = tpu.memref_squeeze %dma_wait3A_151 : memref<1x128xi32, #tpu.memory_space<vmem>> -> memref<128xi32, #tpu.memory_space<vmem>>
    %dma_wait3A_153 = arith.constant 0 : i32
    %dma_wait3A_154 = arith.constant 0 : i32
    %dma_wait3A_155 = tpu.memref_slice %arg2[%dma_wait3A_153, %dma_wait3A_154] : memref<100000x32xf32, #tpu.memory_space<hbm>> -> memref<100000x32xf32, #tpu.memory_space<hbm>>
    tpu.wait_indirect_dma semaphore(%arg15 : memref<!tpu.dma_semaphore, #tpu.memory_space<semaphore_mem>>) src(%dma_wait3A_155 : memref<100000x32xf32, #tpu.memory_space<hbm>>) dst(%dma_wait3A_149 : memref<128x32xf32, #tpu.memory_space<vmem>>)
    %dma_wait3A_156 = arith.constant 7 : i32
    %dma_wait3A_157 = arith.constant 896 : i32
    %dma_wait3A_158 = arith.constant 0 : i32
    %dma_wait3A_159 = tpu.memref_slice %arg12[%dma_wait3A_157, %dma_wait3A_158] : memref<1024x32xf32, #tpu.memory_space<vmem>> -> memref<128x32xf32, #tpu.memory_space<vmem>>
    %dma_wait3A_160 = arith.constant 0 : i32
    %dma_wait3A_161 = tpu.memref_slice %arg11[%dma_wait3A_156, %dma_wait3A_160] : memref<200x128xi32, #tpu.memory_space<vmem>> -> memref<1x128xi32, #tpu.memory_space<vmem>>
    %dma_wait3A_162 = tpu.memref_squeeze %dma_wait3A_161 : memref<1x128xi32, #tpu.memory_space<vmem>> -> memref<128xi32, #tpu.memory_space<vmem>>
    %dma_wait3A_163 = arith.constant 0 : i32
    %dma_wait3A_164 = arith.constant 0 : i32
    %dma_wait3A_165 = tpu.memref_slice %arg2[%dma_wait3A_163, %dma_wait3A_164] : memref<100000x32xf32, #tpu.memory_space<hbm>> -> memref<100000x32xf32, #tpu.memory_space<hbm>>
    tpu.wait_indirect_dma semaphore(%arg15 : memref<!tpu.dma_semaphore, #tpu.memory_space<semaphore_mem>>) src(%dma_wait3A_165 : memref<100000x32xf32, #tpu.memory_space<hbm>>) dst(%dma_wait3A_159 : memref<128x32xf32, #tpu.memory_space<vmem>>)
    %mul3A_166 = arith.constant 25600 : i32
    %mul3A_167 = arith.muli %add3A, %mul3A_166 : i32
    %add3A_168 = arith.constant 24576 : i32
    %add3A_169 = arith.addi %mul3A_167, %add3A_168 : i32
    "tpu.region"() ({
      %run_scoped3A = tpu.sem_alloc : memref<!tpu.dma_semaphore, #tpu.memory_space<semaphore_mem>>
      %dma_start3A_176 = arith.constant 0 : i32
      %dma_start3A_177 = tpu.memref_slice %arg8[%add3A_169, %dma_start3A_176] : memref<819200x32xf32, #tpu.memory_space<hbm>> -> memref<1024x32xf32, #tpu.memory_space<hbm>>
      %dma_start3A_178 = arith.constant 0 : i32
      %dma_start3A_179 = tpu.memref_slice %arg8[%add3A_169, %dma_start3A_178] : memref<819200x32xf32, #tpu.memory_space<hbm>> -> memref<1024x32xf32, #tpu.memory_space<hbm>>
      tpu.enqueue_dma source(%arg12 : memref<1024x32xf32, #tpu.memory_space<vmem>>) target(%dma_start3A_179 : memref<1024x32xf32, #tpu.memory_space<hbm>>) target_semaphore(%run_scoped3A : memref<!tpu.dma_semaphore, #tpu.memory_space<semaphore_mem>>)
      %dma_wait3A_180 = arith.constant 0 : i32
      %dma_wait3A_181 = tpu.memref_slice %arg8[%add3A_169, %dma_wait3A_180] : memref<819200x32xf32, #tpu.memory_space<hbm>> -> memref<1024x32xf32, #tpu.memory_space<hbm>>
      %dma_wait3A_182 = arith.constant 0 : i32
      %dma_wait3A_183 = tpu.memref_slice %arg8[%add3A_169, %dma_wait3A_182] : memref<819200x32xf32, #tpu.memory_space<hbm>> -> memref<1024x32xf32, #tpu.memory_space<hbm>>
      tpu.wait_dma2 semaphore(%run_scoped3A : memref<!tpu.dma_semaphore, #tpu.memory_space<semaphore_mem>>) src(%arg12 : memref<1024x32xf32, #tpu.memory_space<vmem>>) dst(%dma_wait3A_183 : memref<1024x32xf32, #tpu.memory_space<hbm>>)
      tpu.yield
    }) : () -> ()
    %lt3A = arith.constant 16 : i32
    %lt3A_170 = arith.cmpi slt, %add3A, %lt3A : i32
    %ge3A = arith.constant 16 : i32
    %ge3A_171 = arith.cmpi sge, %add3A, %ge3A : i32
    %convert_element_type3A = arith.extui %lt3A_170 : i1 to i32
    %cond3A = arith.constant 0 : i32
    %cond3A_172 = arith.cmpi ne, %convert_element_type3A, %cond3A : i32
    scf.if %cond3A_172 {
      %rem3A = arith.constant 16 : i32
      %rem3A_176 = arith.remsi %add3A, %rem3A : i32
      %mul3A_177 = arith.constant 8 : i32
      %mul3A_178 = arith.muli %rem3A_176, %mul3A_177 : i32
      "tpu.region"() ({
        %run_scoped3A = tpu.sem_alloc : memref<!tpu.dma_semaphore, #tpu.memory_space<semaphore_mem>>
        %dma_start3A_311 = arith.constant 0 : i32
        %dma_start3A_312 = arith.constant 0 : i32
        %dma_start3A_313 = tpu.memref_slice %arg11[%dma_start3A_311, %dma_start3A_312] : memref<200x128xi32, #tpu.memory_space<vmem>> -> memref<8x128xi32, #tpu.memory_space<vmem>>
        %dma_start3A_314 = arith.constant 0 : i32
        %dma_start3A_315 = tpu.memref_slice %arg4[%mul3A_178, %dma_start3A_314] : memref<128x128xi32, #tpu.memory_space<hbm>> -> memref<8x128xi32, #tpu.memory_space<hbm>>
        %dma_start3A_316 = arith.constant 0 : i32
        %dma_start3A_317 = arith.constant 0 : i32
        %dma_start3A_318 = tpu.memref_slice %arg11[%dma_start3A_316, %dma_start3A_317] : memref<200x128xi32, #tpu.memory_space<vmem>> -> memref<8x128xi32, #tpu.memory_space<vmem>>
        %dma_start3A_319 = arith.constant 0 : i32
        %dma_start3A_320 = tpu.memref_slice %arg4[%mul3A_178, %dma_start3A_319] : memref<128x128xi32, #tpu.memory_space<hbm>> -> memref<8x128xi32, #tpu.memory_space<hbm>>
        tpu.enqueue_dma source(%dma_start3A_320 : memref<8x128xi32, #tpu.memory_space<hbm>>) target(%dma_start3A_318 : memref<8x128xi32, #tpu.memory_space<vmem>>) target_semaphore(%run_scoped3A : memref<!tpu.dma_semaphore, #tpu.memory_space<semaphore_mem>>)
        %dma_wait3A_321 = arith.constant 0 : i32
        %dma_wait3A_322 = arith.constant 0 : i32
        %dma_wait3A_323 = tpu.memref_slice %arg11[%dma_wait3A_321, %dma_wait3A_322] : memref<200x128xi32, #tpu.memory_space<vmem>> -> memref<8x128xi32, #tpu.memory_space<vmem>>
        %dma_wait3A_324 = arith.constant 0 : i32
        %dma_wait3A_325 = tpu.memref_slice %arg4[%mul3A_178, %dma_wait3A_324] : memref<128x128xi32, #tpu.memory_space<hbm>> -> memref<8x128xi32, #tpu.memory_space<hbm>>
        %dma_wait3A_326 = arith.constant 0 : i32
        %dma_wait3A_327 = arith.constant 0 : i32
        %dma_wait3A_328 = tpu.memref_slice %arg11[%dma_wait3A_326, %dma_wait3A_327] : memref<200x128xi32, #tpu.memory_space<vmem>> -> memref<8x128xi32, #tpu.memory_space<vmem>>
        %dma_wait3A_329 = arith.constant 0 : i32
        %dma_wait3A_330 = tpu.memref_slice %arg4[%mul3A_178, %dma_wait3A_329] : memref<128x128xi32, #tpu.memory_space<hbm>> -> memref<8x128xi32, #tpu.memory_space<hbm>>
        tpu.wait_dma2 semaphore(%run_scoped3A : memref<!tpu.dma_semaphore, #tpu.memory_space<semaphore_mem>>) src(%dma_wait3A_330 : memref<8x128xi32, #tpu.memory_space<hbm>>) dst(%dma_wait3A_328 : memref<8x128xi32, #tpu.memory_space<vmem>>)
        tpu.yield
      }) : () -> ()
      %dma_start3A_179 = arith.constant 0 : i32
      %dma_start3A_180 = arith.constant 0 : i32
      %dma_start3A_181 = tpu.memref_slice %arg14[%dma_start3A_180] : memref<1024xf32, #tpu.memory_space<vmem>> -> memref<128xf32, #tpu.memory_space<vmem>>
      %dma_start3A_182 = arith.constant 0 : i32
      %dma_start3A_183 = tpu.memref_slice %arg11[%dma_start3A_179, %dma_start3A_182] : memref<200x128xi32, #tpu.memory_space<vmem>> -> memref<1x128xi32, #tpu.memory_space<vmem>>
      %dma_start3A_184 = tpu.memref_squeeze %dma_start3A_183 : memref<1x128xi32, #tpu.memory_space<vmem>> -> memref<128xi32, #tpu.memory_space<vmem>>
      %dma_start3A_185 = arith.constant 0 : i32
      %dma_start3A_186 = tpu.memref_slice %arg6[%dma_start3A_185] : memref<1000000xf32, #tpu.memory_space<hbm>> -> memref<1000000xf32, #tpu.memory_space<hbm>>
      tpu.enqueue_indirect_dma source(%dma_start3A_186 : memref<1000000xf32, #tpu.memory_space<hbm>>) target(%dma_start3A_181 : memref<128xf32, #tpu.memory_space<vmem>>) offsets(%dma_start3A_184 : memref<128xi32, #tpu.memory_space<vmem>>) semaphore(%arg15 : memref<!tpu.dma_semaphore, #tpu.memory_space<semaphore_mem>>)
      %dma_start3A_187 = arith.constant 1 : i32
      %dma_start3A_188 = arith.constant 128 : i32
      %dma_start3A_189 = tpu.memref_slice %arg14[%dma_start3A_188] : memref<1024xf32, #tpu.memory_space<vmem>> -> memref<128xf32, #tpu.memory_space<vmem>>
      %dma_start3A_190 = arith.constant 0 : i32
      %dma_start3A_191 = tpu.memref_slice %arg11[%dma_start3A_187, %dma_start3A_190] : memref<200x128xi32, #tpu.memory_space<vmem>> -> memref<1x128xi32, #tpu.memory_space<vmem>>
      %dma_start3A_192 = tpu.memref_squeeze %dma_start3A_191 : memref<1x128xi32, #tpu.memory_space<vmem>> -> memref<128xi32, #tpu.memory_space<vmem>>
      %dma_start3A_193 = arith.constant 0 : i32
      %dma_start3A_194 = tpu.memref_slice %arg6[%dma_start3A_193] : memref<1000000xf32, #tpu.memory_space<hbm>> -> memref<1000000xf32, #tpu.memory_space<hbm>>
      tpu.enqueue_indirect_dma source(%dma_start3A_194 : memref<1000000xf32, #tpu.memory_space<hbm>>) target(%dma_start3A_189 : memref<128xf32, #tpu.memory_space<vmem>>) offsets(%dma_start3A_192 : memref<128xi32, #tpu.memory_space<vmem>>) semaphore(%arg15 : memref<!tpu.dma_semaphore, #tpu.memory_space<semaphore_mem>>)
      %dma_start3A_195 = arith.constant 2 : i32
      %dma_start3A_196 = arith.constant 256 : i32
      %dma_start3A_197 = tpu.memref_slice %arg14[%dma_start3A_196] : memref<1024xf32, #tpu.memory_space<vmem>> -> memref<128xf32, #tpu.memory_space<vmem>>
      %dma_start3A_198 = arith.constant 0 : i32
      %dma_start3A_199 = tpu.memref_slice %arg11[%dma_start3A_195, %dma_start3A_198] : memref<200x128xi32, #tpu.memory_space<vmem>> -> memref<1x128xi32, #tpu.memory_space<vmem>>
      %dma_start3A_200 = tpu.memref_squeeze %dma_start3A_199 : memref<1x128xi32, #tpu.memory_space<vmem>> -> memref<128xi32, #tpu.memory_space<vmem>>
      %dma_start3A_201 = arith.constant 0 : i32
      %dma_start3A_202 = tpu.memref_slice %arg6[%dma_start3A_201] : memref<1000000xf32, #tpu.memory_space<hbm>> -> memref<1000000xf32, #tpu.memory_space<hbm>>
      tpu.enqueue_indirect_dma source(%dma_start3A_202 : memref<1000000xf32, #tpu.memory_space<hbm>>) target(%dma_start3A_197 : memref<128xf32, #tpu.memory_space<vmem>>) offsets(%dma_start3A_200 : memref<128xi32, #tpu.memory_space<vmem>>) semaphore(%arg15 : memref<!tpu.dma_semaphore, #tpu.memory_space<semaphore_mem>>)
      %dma_start3A_203 = arith.constant 3 : i32
      %dma_start3A_204 = arith.constant 384 : i32
      %dma_start3A_205 = tpu.memref_slice %arg14[%dma_start3A_204] : memref<1024xf32, #tpu.memory_space<vmem>> -> memref<128xf32, #tpu.memory_space<vmem>>
      %dma_start3A_206 = arith.constant 0 : i32
      %dma_start3A_207 = tpu.memref_slice %arg11[%dma_start3A_203, %dma_start3A_206] : memref<200x128xi32, #tpu.memory_space<vmem>> -> memref<1x128xi32, #tpu.memory_space<vmem>>
      %dma_start3A_208 = tpu.memref_squeeze %dma_start3A_207 : memref<1x128xi32, #tpu.memory_space<vmem>> -> memref<128xi32, #tpu.memory_space<vmem>>
      %dma_start3A_209 = arith.constant 0 : i32
      %dma_start3A_210 = tpu.memref_slice %arg6[%dma_start3A_209] : memref<1000000xf32, #tpu.memory_space<hbm>> -> memref<1000000xf32, #tpu.memory_space<hbm>>
      tpu.enqueue_indirect_dma source(%dma_start3A_210 : memref<1000000xf32, #tpu.memory_space<hbm>>) target(%dma_start3A_205 : memref<128xf32, #tpu.memory_space<vmem>>) offsets(%dma_start3A_208 : memref<128xi32, #tpu.memory_space<vmem>>) semaphore(%arg15 : memref<!tpu.dma_semaphore, #tpu.memory_space<semaphore_mem>>)
      %dma_start3A_211 = arith.constant 4 : i32
      %dma_start3A_212 = arith.constant 512 : i32
      %dma_start3A_213 = tpu.memref_slice %arg14[%dma_start3A_212] : memref<1024xf32, #tpu.memory_space<vmem>> -> memref<128xf32, #tpu.memory_space<vmem>>
      %dma_start3A_214 = arith.constant 0 : i32
      %dma_start3A_215 = tpu.memref_slice %arg11[%dma_start3A_211, %dma_start3A_214] : memref<200x128xi32, #tpu.memory_space<vmem>> -> memref<1x128xi32, #tpu.memory_space<vmem>>
      %dma_start3A_216 = tpu.memref_squeeze %dma_start3A_215 : memref<1x128xi32, #tpu.memory_space<vmem>> -> memref<128xi32, #tpu.memory_space<vmem>>
      %dma_start3A_217 = arith.constant 0 : i32
      %dma_start3A_218 = tpu.memref_slice %arg6[%dma_start3A_217] : memref<1000000xf32, #tpu.memory_space<hbm>> -> memref<1000000xf32, #tpu.memory_space<hbm>>
      tpu.enqueue_indirect_dma source(%dma_start3A_218 : memref<1000000xf32, #tpu.memory_space<hbm>>) target(%dma_start3A_213 : memref<128xf32, #tpu.memory_space<vmem>>) offsets(%dma_start3A_216 : memref<128xi32, #tpu.memory_space<vmem>>) semaphore(%arg15 : memref<!tpu.dma_semaphore, #tpu.memory_space<semaphore_mem>>)
      %dma_start3A_219 = arith.constant 5 : i32
      %dma_start3A_220 = arith.constant 640 : i32
      %dma_start3A_221 = tpu.memref_slice %arg14[%dma_start3A_220] : memref<1024xf32, #tpu.memory_space<vmem>> -> memref<128xf32, #tpu.memory_space<vmem>>
      %dma_start3A_222 = arith.constant 0 : i32
      %dma_start3A_223 = tpu.memref_slice %arg11[%dma_start3A_219, %dma_start3A_222] : memref<200x128xi32, #tpu.memory_space<vmem>> -> memref<1x128xi32, #tpu.memory_space<vmem>>
      %dma_start3A_224 = tpu.memref_squeeze %dma_start3A_223 : memref<1x128xi32, #tpu.memory_space<vmem>> -> memref<128xi32, #tpu.memory_space<vmem>>
      %dma_start3A_225 = arith.constant 0 : i32
      %dma_start3A_226 = tpu.memref_slice %arg6[%dma_start3A_225] : memref<1000000xf32, #tpu.memory_space<hbm>> -> memref<1000000xf32, #tpu.memory_space<hbm>>
      tpu.enqueue_indirect_dma source(%dma_start3A_226 : memref<1000000xf32, #tpu.memory_space<hbm>>) target(%dma_start3A_221 : memref<128xf32, #tpu.memory_space<vmem>>) offsets(%dma_start3A_224 : memref<128xi32, #tpu.memory_space<vmem>>) semaphore(%arg15 : memref<!tpu.dma_semaphore, #tpu.memory_space<semaphore_mem>>)
      %dma_start3A_227 = arith.constant 6 : i32
      %dma_start3A_228 = arith.constant 768 : i32
      %dma_start3A_229 = tpu.memref_slice %arg14[%dma_start3A_228] : memref<1024xf32, #tpu.memory_space<vmem>> -> memref<128xf32, #tpu.memory_space<vmem>>
      %dma_start3A_230 = arith.constant 0 : i32
      %dma_start3A_231 = tpu.memref_slice %arg11[%dma_start3A_227, %dma_start3A_230] : memref<200x128xi32, #tpu.memory_space<vmem>> -> memref<1x128xi32, #tpu.memory_space<vmem>>
      %dma_start3A_232 = tpu.memref_squeeze %dma_start3A_231 : memref<1x128xi32, #tpu.memory_space<vmem>> -> memref<128xi32, #tpu.memory_space<vmem>>
      %dma_start3A_233 = arith.constant 0 : i32
      %dma_start3A_234 = tpu.memref_slice %arg6[%dma_start3A_233] : memref<1000000xf32, #tpu.memory_space<hbm>> -> memref<1000000xf32, #tpu.memory_space<hbm>>
      tpu.enqueue_indirect_dma source(%dma_start3A_234 : memref<1000000xf32, #tpu.memory_space<hbm>>) target(%dma_start3A_229 : memref<128xf32, #tpu.memory_space<vmem>>) offsets(%dma_start3A_232 : memref<128xi32, #tpu.memory_space<vmem>>) semaphore(%arg15 : memref<!tpu.dma_semaphore, #tpu.memory_space<semaphore_mem>>)
      %dma_start3A_235 = arith.constant 7 : i32
      %dma_start3A_236 = arith.constant 896 : i32
      %dma_start3A_237 = tpu.memref_slice %arg14[%dma_start3A_236] : memref<1024xf32, #tpu.memory_space<vmem>> -> memref<128xf32, #tpu.memory_space<vmem>>
      %dma_start3A_238 = arith.constant 0 : i32
      %dma_start3A_239 = tpu.memref_slice %arg11[%dma_start3A_235, %dma_start3A_238] : memref<200x128xi32, #tpu.memory_space<vmem>> -> memref<1x128xi32, #tpu.memory_space<vmem>>
      %dma_start3A_240 = tpu.memref_squeeze %dma_start3A_239 : memref<1x128xi32, #tpu.memory_space<vmem>> -> memref<128xi32, #tpu.memory_space<vmem>>
      %dma_start3A_241 = arith.constant 0 : i32
      %dma_start3A_242 = tpu.memref_slice %arg6[%dma_start3A_241] : memref<1000000xf32, #tpu.memory_space<hbm>> -> memref<1000000xf32, #tpu.memory_space<hbm>>
      tpu.enqueue_indirect_dma source(%dma_start3A_242 : memref<1000000xf32, #tpu.memory_space<hbm>>) target(%dma_start3A_237 : memref<128xf32, #tpu.memory_space<vmem>>) offsets(%dma_start3A_240 : memref<128xi32, #tpu.memory_space<vmem>>) semaphore(%arg15 : memref<!tpu.dma_semaphore, #tpu.memory_space<semaphore_mem>>)
      %dma_wait3A_243 = arith.constant 0 : i32
      %dma_wait3A_244 = arith.constant 0 : i32
      %dma_wait3A_245 = tpu.memref_slice %arg14[%dma_wait3A_244] : memref<1024xf32, #tpu.memory_space<vmem>> -> memref<128xf32, #tpu.memory_space<vmem>>
      %dma_wait3A_246 = arith.constant 0 : i32
      %dma_wait3A_247 = tpu.memref_slice %arg11[%dma_wait3A_243, %dma_wait3A_246] : memref<200x128xi32, #tpu.memory_space<vmem>> -> memref<1x128xi32, #tpu.memory_space<vmem>>
      %dma_wait3A_248 = tpu.memref_squeeze %dma_wait3A_247 : memref<1x128xi32, #tpu.memory_space<vmem>> -> memref<128xi32, #tpu.memory_space<vmem>>
      %dma_wait3A_249 = arith.constant 0 : i32
      %dma_wait3A_250 = tpu.memref_slice %arg6[%dma_wait3A_249] : memref<1000000xf32, #tpu.memory_space<hbm>> -> memref<1000000xf32, #tpu.memory_space<hbm>>
      tpu.wait_indirect_dma semaphore(%arg15 : memref<!tpu.dma_semaphore, #tpu.memory_space<semaphore_mem>>) src(%dma_wait3A_250 : memref<1000000xf32, #tpu.memory_space<hbm>>) dst(%dma_wait3A_245 : memref<128xf32, #tpu.memory_space<vmem>>)
      %dma_wait3A_251 = arith.constant 1 : i32
      %dma_wait3A_252 = arith.constant 128 : i32
      %dma_wait3A_253 = tpu.memref_slice %arg14[%dma_wait3A_252] : memref<1024xf32, #tpu.memory_space<vmem>> -> memref<128xf32, #tpu.memory_space<vmem>>
      %dma_wait3A_254 = arith.constant 0 : i32
      %dma_wait3A_255 = tpu.memref_slice %arg11[%dma_wait3A_251, %dma_wait3A_254] : memref<200x128xi32, #tpu.memory_space<vmem>> -> memref<1x128xi32, #tpu.memory_space<vmem>>
      %dma_wait3A_256 = tpu.memref_squeeze %dma_wait3A_255 : memref<1x128xi32, #tpu.memory_space<vmem>> -> memref<128xi32, #tpu.memory_space<vmem>>
      %dma_wait3A_257 = arith.constant 0 : i32
      %dma_wait3A_258 = tpu.memref_slice %arg6[%dma_wait3A_257] : memref<1000000xf32, #tpu.memory_space<hbm>> -> memref<1000000xf32, #tpu.memory_space<hbm>>
      tpu.wait_indirect_dma semaphore(%arg15 : memref<!tpu.dma_semaphore, #tpu.memory_space<semaphore_mem>>) src(%dma_wait3A_258 : memref<1000000xf32, #tpu.memory_space<hbm>>) dst(%dma_wait3A_253 : memref<128xf32, #tpu.memory_space<vmem>>)
      %dma_wait3A_259 = arith.constant 2 : i32
      %dma_wait3A_260 = arith.constant 256 : i32
      %dma_wait3A_261 = tpu.memref_slice %arg14[%dma_wait3A_260] : memref<1024xf32, #tpu.memory_space<vmem>> -> memref<128xf32, #tpu.memory_space<vmem>>
      %dma_wait3A_262 = arith.constant 0 : i32
      %dma_wait3A_263 = tpu.memref_slice %arg11[%dma_wait3A_259, %dma_wait3A_262] : memref<200x128xi32, #tpu.memory_space<vmem>> -> memref<1x128xi32, #tpu.memory_space<vmem>>
      %dma_wait3A_264 = tpu.memref_squeeze %dma_wait3A_263 : memref<1x128xi32, #tpu.memory_space<vmem>> -> memref<128xi32, #tpu.memory_space<vmem>>
      %dma_wait3A_265 = arith.constant 0 : i32
      %dma_wait3A_266 = tpu.memref_slice %arg6[%dma_wait3A_265] : memref<1000000xf32, #tpu.memory_space<hbm>> -> memref<1000000xf32, #tpu.memory_space<hbm>>
      tpu.wait_indirect_dma semaphore(%arg15 : memref<!tpu.dma_semaphore, #tpu.memory_space<semaphore_mem>>) src(%dma_wait3A_266 : memref<1000000xf32, #tpu.memory_space<hbm>>) dst(%dma_wait3A_261 : memref<128xf32, #tpu.memory_space<vmem>>)
      %dma_wait3A_267 = arith.constant 3 : i32
      %dma_wait3A_268 = arith.constant 384 : i32
      %dma_wait3A_269 = tpu.memref_slice %arg14[%dma_wait3A_268] : memref<1024xf32, #tpu.memory_space<vmem>> -> memref<128xf32, #tpu.memory_space<vmem>>
      %dma_wait3A_270 = arith.constant 0 : i32
      %dma_wait3A_271 = tpu.memref_slice %arg11[%dma_wait3A_267, %dma_wait3A_270] : memref<200x128xi32, #tpu.memory_space<vmem>> -> memref<1x128xi32, #tpu.memory_space<vmem>>
      %dma_wait3A_272 = tpu.memref_squeeze %dma_wait3A_271 : memref<1x128xi32, #tpu.memory_space<vmem>> -> memref<128xi32, #tpu.memory_space<vmem>>
      %dma_wait3A_273 = arith.constant 0 : i32
      %dma_wait3A_274 = tpu.memref_slice %arg6[%dma_wait3A_273] : memref<1000000xf32, #tpu.memory_space<hbm>> -> memref<1000000xf32, #tpu.memory_space<hbm>>
      tpu.wait_indirect_dma semaphore(%arg15 : memref<!tpu.dma_semaphore, #tpu.memory_space<semaphore_mem>>) src(%dma_wait3A_274 : memref<1000000xf32, #tpu.memory_space<hbm>>) dst(%dma_wait3A_269 : memref<128xf32, #tpu.memory_space<vmem>>)
      %dma_wait3A_275 = arith.constant 4 : i32
      %dma_wait3A_276 = arith.constant 512 : i32
      %dma_wait3A_277 = tpu.memref_slice %arg14[%dma_wait3A_276] : memref<1024xf32, #tpu.memory_space<vmem>> -> memref<128xf32, #tpu.memory_space<vmem>>
      %dma_wait3A_278 = arith.constant 0 : i32
      %dma_wait3A_279 = tpu.memref_slice %arg11[%dma_wait3A_275, %dma_wait3A_278] : memref<200x128xi32, #tpu.memory_space<vmem>> -> memref<1x128xi32, #tpu.memory_space<vmem>>
      %dma_wait3A_280 = tpu.memref_squeeze %dma_wait3A_279 : memref<1x128xi32, #tpu.memory_space<vmem>> -> memref<128xi32, #tpu.memory_space<vmem>>
      %dma_wait3A_281 = arith.constant 0 : i32
      %dma_wait3A_282 = tpu.memref_slice %arg6[%dma_wait3A_281] : memref<1000000xf32, #tpu.memory_space<hbm>> -> memref<1000000xf32, #tpu.memory_space<hbm>>
      tpu.wait_indirect_dma semaphore(%arg15 : memref<!tpu.dma_semaphore, #tpu.memory_space<semaphore_mem>>) src(%dma_wait3A_282 : memref<1000000xf32, #tpu.memory_space<hbm>>) dst(%dma_wait3A_277 : memref<128xf32, #tpu.memory_space<vmem>>)
      %dma_wait3A_283 = arith.constant 5 : i32
      %dma_wait3A_284 = arith.constant 640 : i32
      %dma_wait3A_285 = tpu.memref_slice %arg14[%dma_wait3A_284] : memref<1024xf32, #tpu.memory_space<vmem>> -> memref<128xf32, #tpu.memory_space<vmem>>
      %dma_wait3A_286 = arith.constant 0 : i32
      %dma_wait3A_287 = tpu.memref_slice %arg11[%dma_wait3A_283, %dma_wait3A_286] : memref<200x128xi32, #tpu.memory_space<vmem>> -> memref<1x128xi32, #tpu.memory_space<vmem>>
      %dma_wait3A_288 = tpu.memref_squeeze %dma_wait3A_287 : memref<1x128xi32, #tpu.memory_space<vmem>> -> memref<128xi32, #tpu.memory_space<vmem>>
      %dma_wait3A_289 = arith.constant 0 : i32
      %dma_wait3A_290 = tpu.memref_slice %arg6[%dma_wait3A_289] : memref<1000000xf32, #tpu.memory_space<hbm>> -> memref<1000000xf32, #tpu.memory_space<hbm>>
      tpu.wait_indirect_dma semaphore(%arg15 : memref<!tpu.dma_semaphore, #tpu.memory_space<semaphore_mem>>) src(%dma_wait3A_290 : memref<1000000xf32, #tpu.memory_space<hbm>>) dst(%dma_wait3A_285 : memref<128xf32, #tpu.memory_space<vmem>>)
      %dma_wait3A_291 = arith.constant 6 : i32
      %dma_wait3A_292 = arith.constant 768 : i32
      %dma_wait3A_293 = tpu.memref_slice %arg14[%dma_wait3A_292] : memref<1024xf32, #tpu.memory_space<vmem>> -> memref<128xf32, #tpu.memory_space<vmem>>
      %dma_wait3A_294 = arith.constant 0 : i32
      %dma_wait3A_295 = tpu.memref_slice %arg11[%dma_wait3A_291, %dma_wait3A_294] : memref<200x128xi32, #tpu.memory_space<vmem>> -> memref<1x128xi32, #tpu.memory_space<vmem>>
      %dma_wait3A_296 = tpu.memref_squeeze %dma_wait3A_295 : memref<1x128xi32, #tpu.memory_space<vmem>> -> memref<128xi32, #tpu.memory_space<vmem>>
      %dma_wait3A_297 = arith.constant 0 : i32
      %dma_wait3A_298 = tpu.memref_slice %arg6[%dma_wait3A_297] : memref<1000000xf32, #tpu.memory_space<hbm>> -> memref<1000000xf32, #tpu.memory_space<hbm>>
      tpu.wait_indirect_dma semaphore(%arg15 : memref<!tpu.dma_semaphore, #tpu.memory_space<semaphore_mem>>) src(%dma_wait3A_298 : memref<1000000xf32, #tpu.memory_space<hbm>>) dst(%dma_wait3A_293 : memref<128xf32, #tpu.memory_space<vmem>>)
      %dma_wait3A_299 = arith.constant 7 : i32
      %dma_wait3A_300 = arith.constant 896 : i32
      %dma_wait3A_301 = tpu.memref_slice %arg14[%dma_wait3A_300] : memref<1024xf32, #tpu.memory_space<vmem>> -> memref<128xf32, #tpu.memory_space<vmem>>
      %dma_wait3A_302 = arith.constant 0 : i32
      %dma_wait3A_303 = tpu.memref_slice %arg11[%dma_wait3A_299, %dma_wait3A_302] : memref<200x128xi32, #tpu.memory_space<vmem>> -> memref<1x128xi32, #tpu.memory_space<vmem>>
      %dma_wait3A_304 = tpu.memref_squeeze %dma_wait3A_303 : memref<1x128xi32, #tpu.memory_space<vmem>> -> memref<128xi32, #tpu.memory_space<vmem>>
      %dma_wait3A_305 = arith.constant 0 : i32
      %dma_wait3A_306 = tpu.memref_slice %arg6[%dma_wait3A_305] : memref<1000000xf32, #tpu.memory_space<hbm>> -> memref<1000000xf32, #tpu.memory_space<hbm>>
      tpu.wait_indirect_dma semaphore(%arg15 : memref<!tpu.dma_semaphore, #tpu.memory_space<semaphore_mem>>) src(%dma_wait3A_306 : memref<1000000xf32, #tpu.memory_space<hbm>>) dst(%dma_wait3A_301 : memref<128xf32, #tpu.memory_space<vmem>>)
      %mul3A_307 = arith.constant 8 : i32
      %mul3A_308 = arith.muli %rem3A_176, %mul3A_307 : i32
      %mul3A_309 = arith.constant 128 : i32
      %mul3A_310 = arith.muli %mul3A_308, %mul3A_309 : i32
      "tpu.region"() ({
        %run_scoped3A = tpu.sem_alloc : memref<!tpu.dma_semaphore, #tpu.memory_space<semaphore_mem>>
        %dma_start3A_311 = tpu.memref_slice %arg9[%mul3A_310] : memref<16384xf32, #tpu.memory_space<hbm>> -> memref<1024xf32, #tpu.memory_space<hbm>>
        %dma_start3A_312 = tpu.memref_slice %arg9[%mul3A_310] : memref<16384xf32, #tpu.memory_space<hbm>> -> memref<1024xf32, #tpu.memory_space<hbm>>
        tpu.enqueue_dma source(%arg14 : memref<1024xf32, #tpu.memory_space<vmem>>) target(%dma_start3A_312 : memref<1024xf32, #tpu.memory_space<hbm>>) target_semaphore(%run_scoped3A : memref<!tpu.dma_semaphore, #tpu.memory_space<semaphore_mem>>)
        %dma_wait3A_313 = tpu.memref_slice %arg9[%mul3A_310] : memref<16384xf32, #tpu.memory_space<hbm>> -> memref<1024xf32, #tpu.memory_space<hbm>>
        %dma_wait3A_314 = tpu.memref_slice %arg9[%mul3A_310] : memref<16384xf32, #tpu.memory_space<hbm>> -> memref<1024xf32, #tpu.memory_space<hbm>>
        tpu.wait_dma2 semaphore(%run_scoped3A : memref<!tpu.dma_semaphore, #tpu.memory_space<semaphore_mem>>) src(%arg14 : memref<1024xf32, #tpu.memory_space<vmem>>) dst(%dma_wait3A_314 : memref<1024xf32, #tpu.memory_space<hbm>>)
        tpu.yield
      }) : () -> ()
    } else {
    }
    %convert_element_type3A_173 = arith.extui %ge3A_171 : i1 to i32
    %cond3A_174 = arith.constant 0 : i32
    %cond3A_175 = arith.cmpi ne, %convert_element_type3A_173, %cond3A_174 : i32
    scf.if %cond3A_175 {
      %rem3A = arith.constant 16 : i32
      %rem3A_176 = arith.remsi %add3A, %rem3A : i32
      %mul3A_177 = arith.constant 8 : i32
      %mul3A_178 = arith.muli %rem3A_176, %mul3A_177 : i32
      "tpu.region"() ({
        %run_scoped3A = tpu.sem_alloc : memref<!tpu.dma_semaphore, #tpu.memory_space<semaphore_mem>>
        %dma_start3A_311 = arith.constant 0 : i32
        %dma_start3A_312 = arith.constant 0 : i32
        %dma_start3A_313 = tpu.memref_slice %arg11[%dma_start3A_311, %dma_start3A_312] : memref<200x128xi32, #tpu.memory_space<vmem>> -> memref<8x128xi32, #tpu.memory_space<vmem>>
        %dma_start3A_314 = arith.constant 0 : i32
        %dma_start3A_315 = tpu.memref_slice %arg5[%mul3A_178, %dma_start3A_314] : memref<128x128xi32, #tpu.memory_space<hbm>> -> memref<8x128xi32, #tpu.memory_space<hbm>>
        %dma_start3A_316 = arith.constant 0 : i32
        %dma_start3A_317 = arith.constant 0 : i32
        %dma_start3A_318 = tpu.memref_slice %arg11[%dma_start3A_316, %dma_start3A_317] : memref<200x128xi32, #tpu.memory_space<vmem>> -> memref<8x128xi32, #tpu.memory_space<vmem>>
        %dma_start3A_319 = arith.constant 0 : i32
        %dma_start3A_320 = tpu.memref_slice %arg5[%mul3A_178, %dma_start3A_319] : memref<128x128xi32, #tpu.memory_space<hbm>> -> memref<8x128xi32, #tpu.memory_space<hbm>>
        tpu.enqueue_dma source(%dma_start3A_320 : memref<8x128xi32, #tpu.memory_space<hbm>>) target(%dma_start3A_318 : memref<8x128xi32, #tpu.memory_space<vmem>>) target_semaphore(%run_scoped3A : memref<!tpu.dma_semaphore, #tpu.memory_space<semaphore_mem>>)
        %dma_wait3A_321 = arith.constant 0 : i32
        %dma_wait3A_322 = arith.constant 0 : i32
        %dma_wait3A_323 = tpu.memref_slice %arg11[%dma_wait3A_321, %dma_wait3A_322] : memref<200x128xi32, #tpu.memory_space<vmem>> -> memref<8x128xi32, #tpu.memory_space<vmem>>
        %dma_wait3A_324 = arith.constant 0 : i32
        %dma_wait3A_325 = tpu.memref_slice %arg5[%mul3A_178, %dma_wait3A_324] : memref<128x128xi32, #tpu.memory_space<hbm>> -> memref<8x128xi32, #tpu.memory_space<hbm>>
        %dma_wait3A_326 = arith.constant 0 : i32
        %dma_wait3A_327 = arith.constant 0 : i32
        %dma_wait3A_328 = tpu.memref_slice %arg11[%dma_wait3A_326, %dma_wait3A_327] : memref<200x128xi32, #tpu.memory_space<vmem>> -> memref<8x128xi32, #tpu.memory_space<vmem>>
        %dma_wait3A_329 = arith.constant 0 : i32
        %dma_wait3A_330 = tpu.memref_slice %arg5[%mul3A_178, %dma_wait3A_329] : memref<128x128xi32, #tpu.memory_space<hbm>> -> memref<8x128xi32, #tpu.memory_space<hbm>>
        tpu.wait_dma2 semaphore(%run_scoped3A : memref<!tpu.dma_semaphore, #tpu.memory_space<semaphore_mem>>) src(%dma_wait3A_330 : memref<8x128xi32, #tpu.memory_space<hbm>>) dst(%dma_wait3A_328 : memref<8x128xi32, #tpu.memory_space<vmem>>)
        tpu.yield
      }) : () -> ()
      %dma_start3A_179 = arith.constant 0 : i32
      %dma_start3A_180 = arith.constant 0 : i32
      %dma_start3A_181 = tpu.memref_slice %arg14[%dma_start3A_180] : memref<1024xf32, #tpu.memory_space<vmem>> -> memref<128xf32, #tpu.memory_space<vmem>>
      %dma_start3A_182 = arith.constant 0 : i32
      %dma_start3A_183 = tpu.memref_slice %arg11[%dma_start3A_179, %dma_start3A_182] : memref<200x128xi32, #tpu.memory_space<vmem>> -> memref<1x128xi32, #tpu.memory_space<vmem>>
      %dma_start3A_184 = tpu.memref_squeeze %dma_start3A_183 : memref<1x128xi32, #tpu.memory_space<vmem>> -> memref<128xi32, #tpu.memory_space<vmem>>
      %dma_start3A_185 = arith.constant 0 : i32
      %dma_start3A_186 = tpu.memref_slice %arg7[%dma_start3A_185] : memref<1000000xf32, #tpu.memory_space<hbm>> -> memref<1000000xf32, #tpu.memory_space<hbm>>
      tpu.enqueue_indirect_dma source(%dma_start3A_186 : memref<1000000xf32, #tpu.memory_space<hbm>>) target(%dma_start3A_181 : memref<128xf32, #tpu.memory_space<vmem>>) offsets(%dma_start3A_184 : memref<128xi32, #tpu.memory_space<vmem>>) semaphore(%arg15 : memref<!tpu.dma_semaphore, #tpu.memory_space<semaphore_mem>>)
      %dma_start3A_187 = arith.constant 1 : i32
      %dma_start3A_188 = arith.constant 128 : i32
      %dma_start3A_189 = tpu.memref_slice %arg14[%dma_start3A_188] : memref<1024xf32, #tpu.memory_space<vmem>> -> memref<128xf32, #tpu.memory_space<vmem>>
      %dma_start3A_190 = arith.constant 0 : i32
      %dma_start3A_191 = tpu.memref_slice %arg11[%dma_start3A_187, %dma_start3A_190] : memref<200x128xi32, #tpu.memory_space<vmem>> -> memref<1x128xi32, #tpu.memory_space<vmem>>
      %dma_start3A_192 = tpu.memref_squeeze %dma_start3A_191 : memref<1x128xi32, #tpu.memory_space<vmem>> -> memref<128xi32, #tpu.memory_space<vmem>>
      %dma_start3A_193 = arith.constant 0 : i32
      %dma_start3A_194 = tpu.memref_slice %arg7[%dma_start3A_193] : memref<1000000xf32, #tpu.memory_space<hbm>> -> memref<1000000xf32, #tpu.memory_space<hbm>>
      tpu.enqueue_indirect_dma source(%dma_start3A_194 : memref<1000000xf32, #tpu.memory_space<hbm>>) target(%dma_start3A_189 : memref<128xf32, #tpu.memory_space<vmem>>) offsets(%dma_start3A_192 : memref<128xi32, #tpu.memory_space<vmem>>) semaphore(%arg15 : memref<!tpu.dma_semaphore, #tpu.memory_space<semaphore_mem>>)
      %dma_start3A_195 = arith.constant 2 : i32
      %dma_start3A_196 = arith.constant 256 : i32
      %dma_start3A_197 = tpu.memref_slice %arg14[%dma_start3A_196] : memref<1024xf32, #tpu.memory_space<vmem>> -> memref<128xf32, #tpu.memory_space<vmem>>
      %dma_start3A_198 = arith.constant 0 : i32
      %dma_start3A_199 = tpu.memref_slice %arg11[%dma_start3A_195, %dma_start3A_198] : memref<200x128xi32, #tpu.memory_space<vmem>> -> memref<1x128xi32, #tpu.memory_space<vmem>>
      %dma_start3A_200 = tpu.memref_squeeze %dma_start3A_199 : memref<1x128xi32, #tpu.memory_space<vmem>> -> memref<128xi32, #tpu.memory_space<vmem>>
      %dma_start3A_201 = arith.constant 0 : i32
      %dma_start3A_202 = tpu.memref_slice %arg7[%dma_start3A_201] : memref<1000000xf32, #tpu.memory_space<hbm>> -> memref<1000000xf32, #tpu.memory_space<hbm>>
      tpu.enqueue_indirect_dma source(%dma_start3A_202 : memref<1000000xf32, #tpu.memory_space<hbm>>) target(%dma_start3A_197 : memref<128xf32, #tpu.memory_space<vmem>>) offsets(%dma_start3A_200 : memref<128xi32, #tpu.memory_space<vmem>>) semaphore(%arg15 : memref<!tpu.dma_semaphore, #tpu.memory_space<semaphore_mem>>)
      %dma_start3A_203 = arith.constant 3 : i32
      %dma_start3A_204 = arith.constant 384 : i32
      %dma_start3A_205 = tpu.memref_slice %arg14[%dma_start3A_204] : memref<1024xf32, #tpu.memory_space<vmem>> -> memref<128xf32, #tpu.memory_space<vmem>>
      %dma_start3A_206 = arith.constant 0 : i32
      %dma_start3A_207 = tpu.memref_slice %arg11[%dma_start3A_203, %dma_start3A_206] : memref<200x128xi32, #tpu.memory_space<vmem>> -> memref<1x128xi32, #tpu.memory_space<vmem>>
      %dma_start3A_208 = tpu.memref_squeeze %dma_start3A_207 : memref<1x128xi32, #tpu.memory_space<vmem>> -> memref<128xi32, #tpu.memory_space<vmem>>
      %dma_start3A_209 = arith.constant 0 : i32
      %dma_start3A_210 = tpu.memref_slice %arg7[%dma_start3A_209] : memref<1000000xf32, #tpu.memory_space<hbm>> -> memref<1000000xf32, #tpu.memory_space<hbm>>
      tpu.enqueue_indirect_dma source(%dma_start3A_210 : memref<1000000xf32, #tpu.memory_space<hbm>>) target(%dma_start3A_205 : memref<128xf32, #tpu.memory_space<vmem>>) offsets(%dma_start3A_208 : memref<128xi32, #tpu.memory_space<vmem>>) semaphore(%arg15 : memref<!tpu.dma_semaphore, #tpu.memory_space<semaphore_mem>>)
      %dma_start3A_211 = arith.constant 4 : i32
      %dma_start3A_212 = arith.constant 512 : i32
      %dma_start3A_213 = tpu.memref_slice %arg14[%dma_start3A_212] : memref<1024xf32, #tpu.memory_space<vmem>> -> memref<128xf32, #tpu.memory_space<vmem>>
      %dma_start3A_214 = arith.constant 0 : i32
      %dma_start3A_215 = tpu.memref_slice %arg11[%dma_start3A_211, %dma_start3A_214] : memref<200x128xi32, #tpu.memory_space<vmem>> -> memref<1x128xi32, #tpu.memory_space<vmem>>
      %dma_start3A_216 = tpu.memref_squeeze %dma_start3A_215 : memref<1x128xi32, #tpu.memory_space<vmem>> -> memref<128xi32, #tpu.memory_space<vmem>>
      %dma_start3A_217 = arith.constant 0 : i32
      %dma_start3A_218 = tpu.memref_slice %arg7[%dma_start3A_217] : memref<1000000xf32, #tpu.memory_space<hbm>> -> memref<1000000xf32, #tpu.memory_space<hbm>>
      tpu.enqueue_indirect_dma source(%dma_start3A_218 : memref<1000000xf32, #tpu.memory_space<hbm>>) target(%dma_start3A_213 : memref<128xf32, #tpu.memory_space<vmem>>) offsets(%dma_start3A_216 : memref<128xi32, #tpu.memory_space<vmem>>) semaphore(%arg15 : memref<!tpu.dma_semaphore, #tpu.memory_space<semaphore_mem>>)
      %dma_start3A_219 = arith.constant 5 : i32
      %dma_start3A_220 = arith.constant 640 : i32
      %dma_start3A_221 = tpu.memref_slice %arg14[%dma_start3A_220] : memref<1024xf32, #tpu.memory_space<vmem>> -> memref<128xf32, #tpu.memory_space<vmem>>
      %dma_start3A_222 = arith.constant 0 : i32
      %dma_start3A_223 = tpu.memref_slice %arg11[%dma_start3A_219, %dma_start3A_222] : memref<200x128xi32, #tpu.memory_space<vmem>> -> memref<1x128xi32, #tpu.memory_space<vmem>>
      %dma_start3A_224 = tpu.memref_squeeze %dma_start3A_223 : memref<1x128xi32, #tpu.memory_space<vmem>> -> memref<128xi32, #tpu.memory_space<vmem>>
      %dma_start3A_225 = arith.constant 0 : i32
      %dma_start3A_226 = tpu.memref_slice %arg7[%dma_start3A_225] : memref<1000000xf32, #tpu.memory_space<hbm>> -> memref<1000000xf32, #tpu.memory_space<hbm>>
      tpu.enqueue_indirect_dma source(%dma_start3A_226 : memref<1000000xf32, #tpu.memory_space<hbm>>) target(%dma_start3A_221 : memref<128xf32, #tpu.memory_space<vmem>>) offsets(%dma_start3A_224 : memref<128xi32, #tpu.memory_space<vmem>>) semaphore(%arg15 : memref<!tpu.dma_semaphore, #tpu.memory_space<semaphore_mem>>)
      %dma_start3A_227 = arith.constant 6 : i32
      %dma_start3A_228 = arith.constant 768 : i32
      %dma_start3A_229 = tpu.memref_slice %arg14[%dma_start3A_228] : memref<1024xf32, #tpu.memory_space<vmem>> -> memref<128xf32, #tpu.memory_space<vmem>>
      %dma_start3A_230 = arith.constant 0 : i32
      %dma_start3A_231 = tpu.memref_slice %arg11[%dma_start3A_227, %dma_start3A_230] : memref<200x128xi32, #tpu.memory_space<vmem>> -> memref<1x128xi32, #tpu.memory_space<vmem>>
      %dma_start3A_232 = tpu.memref_squeeze %dma_start3A_231 : memref<1x128xi32, #tpu.memory_space<vmem>> -> memref<128xi32, #tpu.memory_space<vmem>>
      %dma_start3A_233 = arith.constant 0 : i32
      %dma_start3A_234 = tpu.memref_slice %arg7[%dma_start3A_233] : memref<1000000xf32, #tpu.memory_space<hbm>> -> memref<1000000xf32, #tpu.memory_space<hbm>>
      tpu.enqueue_indirect_dma source(%dma_start3A_234 : memref<1000000xf32, #tpu.memory_space<hbm>>) target(%dma_start3A_229 : memref<128xf32, #tpu.memory_space<vmem>>) offsets(%dma_start3A_232 : memref<128xi32, #tpu.memory_space<vmem>>) semaphore(%arg15 : memref<!tpu.dma_semaphore, #tpu.memory_space<semaphore_mem>>)
      %dma_start3A_235 = arith.constant 7 : i32
      %dma_start3A_236 = arith.constant 896 : i32
      %dma_start3A_237 = tpu.memref_slice %arg14[%dma_start3A_236] : memref<1024xf32, #tpu.memory_space<vmem>> -> memref<128xf32, #tpu.memory_space<vmem>>
      %dma_start3A_238 = arith.constant 0 : i32
      %dma_start3A_239 = tpu.memref_slice %arg11[%dma_start3A_235, %dma_start3A_238] : memref<200x128xi32, #tpu.memory_space<vmem>> -> memref<1x128xi32, #tpu.memory_space<vmem>>
      %dma_start3A_240 = tpu.memref_squeeze %dma_start3A_239 : memref<1x128xi32, #tpu.memory_space<vmem>> -> memref<128xi32, #tpu.memory_space<vmem>>
      %dma_start3A_241 = arith.constant 0 : i32
      %dma_start3A_242 = tpu.memref_slice %arg7[%dma_start3A_241] : memref<1000000xf32, #tpu.memory_space<hbm>> -> memref<1000000xf32, #tpu.memory_space<hbm>>
      tpu.enqueue_indirect_dma source(%dma_start3A_242 : memref<1000000xf32, #tpu.memory_space<hbm>>) target(%dma_start3A_237 : memref<128xf32, #tpu.memory_space<vmem>>) offsets(%dma_start3A_240 : memref<128xi32, #tpu.memory_space<vmem>>) semaphore(%arg15 : memref<!tpu.dma_semaphore, #tpu.memory_space<semaphore_mem>>)
      %dma_wait3A_243 = arith.constant 0 : i32
      %dma_wait3A_244 = arith.constant 0 : i32
      %dma_wait3A_245 = tpu.memref_slice %arg14[%dma_wait3A_244] : memref<1024xf32, #tpu.memory_space<vmem>> -> memref<128xf32, #tpu.memory_space<vmem>>
      %dma_wait3A_246 = arith.constant 0 : i32
      %dma_wait3A_247 = tpu.memref_slice %arg11[%dma_wait3A_243, %dma_wait3A_246] : memref<200x128xi32, #tpu.memory_space<vmem>> -> memref<1x128xi32, #tpu.memory_space<vmem>>
      %dma_wait3A_248 = tpu.memref_squeeze %dma_wait3A_247 : memref<1x128xi32, #tpu.memory_space<vmem>> -> memref<128xi32, #tpu.memory_space<vmem>>
      %dma_wait3A_249 = arith.constant 0 : i32
      %dma_wait3A_250 = tpu.memref_slice %arg7[%dma_wait3A_249] : memref<1000000xf32, #tpu.memory_space<hbm>> -> memref<1000000xf32, #tpu.memory_space<hbm>>
      tpu.wait_indirect_dma semaphore(%arg15 : memref<!tpu.dma_semaphore, #tpu.memory_space<semaphore_mem>>) src(%dma_wait3A_250 : memref<1000000xf32, #tpu.memory_space<hbm>>) dst(%dma_wait3A_245 : memref<128xf32, #tpu.memory_space<vmem>>)
      %dma_wait3A_251 = arith.constant 1 : i32
      %dma_wait3A_252 = arith.constant 128 : i32
      %dma_wait3A_253 = tpu.memref_slice %arg14[%dma_wait3A_252] : memref<1024xf32, #tpu.memory_space<vmem>> -> memref<128xf32, #tpu.memory_space<vmem>>
      %dma_wait3A_254 = arith.constant 0 : i32
      %dma_wait3A_255 = tpu.memref_slice %arg11[%dma_wait3A_251, %dma_wait3A_254] : memref<200x128xi32, #tpu.memory_space<vmem>> -> memref<1x128xi32, #tpu.memory_space<vmem>>
      %dma_wait3A_256 = tpu.memref_squeeze %dma_wait3A_255 : memref<1x128xi32, #tpu.memory_space<vmem>> -> memref<128xi32, #tpu.memory_space<vmem>>
      %dma_wait3A_257 = arith.constant 0 : i32
      %dma_wait3A_258 = tpu.memref_slice %arg7[%dma_wait3A_257] : memref<1000000xf32, #tpu.memory_space<hbm>> -> memref<1000000xf32, #tpu.memory_space<hbm>>
      tpu.wait_indirect_dma semaphore(%arg15 : memref<!tpu.dma_semaphore, #tpu.memory_space<semaphore_mem>>) src(%dma_wait3A_258 : memref<1000000xf32, #tpu.memory_space<hbm>>) dst(%dma_wait3A_253 : memref<128xf32, #tpu.memory_space<vmem>>)
      %dma_wait3A_259 = arith.constant 2 : i32
      %dma_wait3A_260 = arith.constant 256 : i32
      %dma_wait3A_261 = tpu.memref_slice %arg14[%dma_wait3A_260] : memref<1024xf32, #tpu.memory_space<vmem>> -> memref<128xf32, #tpu.memory_space<vmem>>
      %dma_wait3A_262 = arith.constant 0 : i32
      %dma_wait3A_263 = tpu.memref_slice %arg11[%dma_wait3A_259, %dma_wait3A_262] : memref<200x128xi32, #tpu.memory_space<vmem>> -> memref<1x128xi32, #tpu.memory_space<vmem>>
      %dma_wait3A_264 = tpu.memref_squeeze %dma_wait3A_263 : memref<1x128xi32, #tpu.memory_space<vmem>> -> memref<128xi32, #tpu.memory_space<vmem>>
      %dma_wait3A_265 = arith.constant 0 : i32
      %dma_wait3A_266 = tpu.memref_slice %arg7[%dma_wait3A_265] : memref<1000000xf32, #tpu.memory_space<hbm>> -> memref<1000000xf32, #tpu.memory_space<hbm>>
      tpu.wait_indirect_dma semaphore(%arg15 : memref<!tpu.dma_semaphore, #tpu.memory_space<semaphore_mem>>) src(%dma_wait3A_266 : memref<1000000xf32, #tpu.memory_space<hbm>>) dst(%dma_wait3A_261 : memref<128xf32, #tpu.memory_space<vmem>>)
      %dma_wait3A_267 = arith.constant 3 : i32
      %dma_wait3A_268 = arith.constant 384 : i32
      %dma_wait3A_269 = tpu.memref_slice %arg14[%dma_wait3A_268] : memref<1024xf32, #tpu.memory_space<vmem>> -> memref<128xf32, #tpu.memory_space<vmem>>
      %dma_wait3A_270 = arith.constant 0 : i32
      %dma_wait3A_271 = tpu.memref_slice %arg11[%dma_wait3A_267, %dma_wait3A_270] : memref<200x128xi32, #tpu.memory_space<vmem>> -> memref<1x128xi32, #tpu.memory_space<vmem>>
      %dma_wait3A_272 = tpu.memref_squeeze %dma_wait3A_271 : memref<1x128xi32, #tpu.memory_space<vmem>> -> memref<128xi32, #tpu.memory_space<vmem>>
      %dma_wait3A_273 = arith.constant 0 : i32
      %dma_wait3A_274 = tpu.memref_slice %arg7[%dma_wait3A_273] : memref<1000000xf32, #tpu.memory_space<hbm>> -> memref<1000000xf32, #tpu.memory_space<hbm>>
      tpu.wait_indirect_dma semaphore(%arg15 : memref<!tpu.dma_semaphore, #tpu.memory_space<semaphore_mem>>) src(%dma_wait3A_274 : memref<1000000xf32, #tpu.memory_space<hbm>>) dst(%dma_wait3A_269 : memref<128xf32, #tpu.memory_space<vmem>>)
      %dma_wait3A_275 = arith.constant 4 : i32
      %dma_wait3A_276 = arith.constant 512 : i32
      %dma_wait3A_277 = tpu.memref_slice %arg14[%dma_wait3A_276] : memref<1024xf32, #tpu.memory_space<vmem>> -> memref<128xf32, #tpu.memory_space<vmem>>
      %dma_wait3A_278 = arith.constant 0 : i32
      %dma_wait3A_279 = tpu.memref_slice %arg11[%dma_wait3A_275, %dma_wait3A_278] : memref<200x128xi32, #tpu.memory_space<vmem>> -> memref<1x128xi32, #tpu.memory_space<vmem>>
      %dma_wait3A_280 = tpu.memref_squeeze %dma_wait3A_279 : memref<1x128xi32, #tpu.memory_space<vmem>> -> memref<128xi32, #tpu.memory_space<vmem>>
      %dma_wait3A_281 = arith.constant 0 : i32
      %dma_wait3A_282 = tpu.memref_slice %arg7[%dma_wait3A_281] : memref<1000000xf32, #tpu.memory_space<hbm>> -> memref<1000000xf32, #tpu.memory_space<hbm>>
      tpu.wait_indirect_dma semaphore(%arg15 : memref<!tpu.dma_semaphore, #tpu.memory_space<semaphore_mem>>) src(%dma_wait3A_282 : memref<1000000xf32, #tpu.memory_space<hbm>>) dst(%dma_wait3A_277 : memref<128xf32, #tpu.memory_space<vmem>>)
      %dma_wait3A_283 = arith.constant 5 : i32
      %dma_wait3A_284 = arith.constant 640 : i32
      %dma_wait3A_285 = tpu.memref_slice %arg14[%dma_wait3A_284] : memref<1024xf32, #tpu.memory_space<vmem>> -> memref<128xf32, #tpu.memory_space<vmem>>
      %dma_wait3A_286 = arith.constant 0 : i32
      %dma_wait3A_287 = tpu.memref_slice %arg11[%dma_wait3A_283, %dma_wait3A_286] : memref<200x128xi32, #tpu.memory_space<vmem>> -> memref<1x128xi32, #tpu.memory_space<vmem>>
      %dma_wait3A_288 = tpu.memref_squeeze %dma_wait3A_287 : memref<1x128xi32, #tpu.memory_space<vmem>> -> memref<128xi32, #tpu.memory_space<vmem>>
      %dma_wait3A_289 = arith.constant 0 : i32
      %dma_wait3A_290 = tpu.memref_slice %arg7[%dma_wait3A_289] : memref<1000000xf32, #tpu.memory_space<hbm>> -> memref<1000000xf32, #tpu.memory_space<hbm>>
      tpu.wait_indirect_dma semaphore(%arg15 : memref<!tpu.dma_semaphore, #tpu.memory_space<semaphore_mem>>) src(%dma_wait3A_290 : memref<1000000xf32, #tpu.memory_space<hbm>>) dst(%dma_wait3A_285 : memref<128xf32, #tpu.memory_space<vmem>>)
      %dma_wait3A_291 = arith.constant 6 : i32
      %dma_wait3A_292 = arith.constant 768 : i32
      %dma_wait3A_293 = tpu.memref_slice %arg14[%dma_wait3A_292] : memref<1024xf32, #tpu.memory_space<vmem>> -> memref<128xf32, #tpu.memory_space<vmem>>
      %dma_wait3A_294 = arith.constant 0 : i32
      %dma_wait3A_295 = tpu.memref_slice %arg11[%dma_wait3A_291, %dma_wait3A_294] : memref<200x128xi32, #tpu.memory_space<vmem>> -> memref<1x128xi32, #tpu.memory_space<vmem>>
      %dma_wait3A_296 = tpu.memref_squeeze %dma_wait3A_295 : memref<1x128xi32, #tpu.memory_space<vmem>> -> memref<128xi32, #tpu.memory_space<vmem>>
      %dma_wait3A_297 = arith.constant 0 : i32
      %dma_wait3A_298 = tpu.memref_slice %arg7[%dma_wait3A_297] : memref<1000000xf32, #tpu.memory_space<hbm>> -> memref<1000000xf32, #tpu.memory_space<hbm>>
      tpu.wait_indirect_dma semaphore(%arg15 : memref<!tpu.dma_semaphore, #tpu.memory_space<semaphore_mem>>) src(%dma_wait3A_298 : memref<1000000xf32, #tpu.memory_space<hbm>>) dst(%dma_wait3A_293 : memref<128xf32, #tpu.memory_space<vmem>>)
      %dma_wait3A_299 = arith.constant 7 : i32
      %dma_wait3A_300 = arith.constant 896 : i32
      %dma_wait3A_301 = tpu.memref_slice %arg14[%dma_wait3A_300] : memref<1024xf32, #tpu.memory_space<vmem>> -> memref<128xf32, #tpu.memory_space<vmem>>
      %dma_wait3A_302 = arith.constant 0 : i32
      %dma_wait3A_303 = tpu.memref_slice %arg11[%dma_wait3A_299, %dma_wait3A_302] : memref<200x128xi32, #tpu.memory_space<vmem>> -> memref<1x128xi32, #tpu.memory_space<vmem>>
      %dma_wait3A_304 = tpu.memref_squeeze %dma_wait3A_303 : memref<1x128xi32, #tpu.memory_space<vmem>> -> memref<128xi32, #tpu.memory_space<vmem>>
      %dma_wait3A_305 = arith.constant 0 : i32
      %dma_wait3A_306 = tpu.memref_slice %arg7[%dma_wait3A_305] : memref<1000000xf32, #tpu.memory_space<hbm>> -> memref<1000000xf32, #tpu.memory_space<hbm>>
      tpu.wait_indirect_dma semaphore(%arg15 : memref<!tpu.dma_semaphore, #tpu.memory_space<semaphore_mem>>) src(%dma_wait3A_306 : memref<1000000xf32, #tpu.memory_space<hbm>>) dst(%dma_wait3A_301 : memref<128xf32, #tpu.memory_space<vmem>>)
      %mul3A_307 = arith.constant 8 : i32
      %mul3A_308 = arith.muli %rem3A_176, %mul3A_307 : i32
      %mul3A_309 = arith.constant 128 : i32
      %mul3A_310 = arith.muli %mul3A_308, %mul3A_309 : i32
      "tpu.region"() ({
        %run_scoped3A = tpu.sem_alloc : memref<!tpu.dma_semaphore, #tpu.memory_space<semaphore_mem>>
        %dma_start3A_311 = tpu.memref_slice %arg10[%mul3A_310] : memref<16384xf32, #tpu.memory_space<hbm>> -> memref<1024xf32, #tpu.memory_space<hbm>>
        %dma_start3A_312 = tpu.memref_slice %arg10[%mul3A_310] : memref<16384xf32, #tpu.memory_space<hbm>> -> memref<1024xf32, #tpu.memory_space<hbm>>
        tpu.enqueue_dma source(%arg14 : memref<1024xf32, #tpu.memory_space<vmem>>) target(%dma_start3A_312 : memref<1024xf32, #tpu.memory_space<hbm>>) target_semaphore(%run_scoped3A : memref<!tpu.dma_semaphore, #tpu.memory_space<semaphore_mem>>)
        %dma_wait3A_313 = tpu.memref_slice %arg10[%mul3A_310] : memref<16384xf32, #tpu.memory_space<hbm>> -> memref<1024xf32, #tpu.memory_space<hbm>>
        %dma_wait3A_314 = tpu.memref_slice %arg10[%mul3A_310] : memref<16384xf32, #tpu.memory_space<hbm>> -> memref<1024xf32, #tpu.memory_space<hbm>>
        tpu.wait_dma2 semaphore(%run_scoped3A : memref<!tpu.dma_semaphore, #tpu.memory_space<semaphore_mem>>) src(%arg14 : memref<1024xf32, #tpu.memory_space<vmem>>) dst(%dma_wait3A_314 : memref<1024xf32, #tpu.memory_space<hbm>>)
        tpu.yield
      }) : () -> ()
    } else {
    }
    return
  }
}

#map = affine_map<(d0, d1) -> (0, 0)>
#map1 = affine_map<(d0, d1) -> (0)>
module attributes {stable_mosaic.version = 14 : i64} {
  func.func @sc_gather_table(%arg0: i32, %arg1: i32, %arg2: memref<100000x32xf32, #tpu.memory_space<hbm>>, %arg3: memref<6400x128xi32, #tpu.memory_space<hbm>>, %arg4: memref<128x128xi32, #tpu.memory_space<hbm>>, %arg5: memref<128x128xi32, #tpu.memory_space<hbm>>, %arg6: memref<1000000xf32, #tpu.memory_space<hbm>>, %arg7: memref<1000000xf32, #tpu.memory_space<hbm>>, %arg8: memref<819200x32xf32, #tpu.memory_space<hbm>>, %arg9: memref<16384xf32, #tpu.memory_space<hbm>>, %arg10: memref<16384xf32, #tpu.memory_space<hbm>>, %arg11: memref<200x128xi32, #tpu.memory_space<vmem>>, %arg12: memref<1024x32xf32, #tpu.memory_space<vmem>>, %arg13: memref<1024x32xf32, #tpu.memory_space<vmem>>, %arg14: memref<1024xf32, #tpu.memory_space<vmem>>, %arg15: memref<!tpu.dma_semaphore, #tpu.memory_space<semaphore_mem>>, %arg16: memref<!tpu.dma_semaphore, #tpu.memory_space<semaphore_mem>>) attributes {dimension_semantics = [#tpu.dimension_semantics<core_parallel>, #tpu.dimension_semantics<subcore_parallel>], iteration_bounds = array<i64: 2, 16>, scalar_prefetch = 0 : i64, scratch_operands = 6 : i64, tpu.core_type = #tpu.core_type<sc_vector_subcore>, window_params = [{transform_indices = #map}, {transform_indices = #map}, {transform_indices = #map}, {transform_indices = #map}, {transform_indices = #map1}, {transform_indices = #map1}, {transform_indices = #map}, {transform_indices = #map1}, {transform_indices = #map1}]} {
    %mul3A = arith.constant 2 : i32
    %mul3A_0 = arith.muli %arg1, %mul3A : i32
    %add3A = arith.addi %mul3A_0, %arg0 : i32
    %mul3A_1 = arith.constant 200 : i32
    %mul3A_2 = arith.muli %add3A, %mul3A_1 : i32
    "tpu.region"() ({
      %run_scoped3A = tpu.sem_alloc : memref<!tpu.dma_semaphore, #tpu.memory_space<semaphore_mem>>
      %dma_start3A_170 = arith.constant 0 : i32
      %dma_start3A_171 = tpu.memref_slice %arg3[%mul3A_2, %dma_start3A_170] : memref<6400x128xi32, #tpu.memory_space<hbm>> -> memref<200x128xi32, #tpu.memory_space<hbm>>
      %dma_start3A_172 = arith.constant 0 : i32
      %dma_start3A_173 = tpu.memref_slice %arg3[%mul3A_2, %dma_start3A_172] : memref<6400x128xi32, #tpu.memory_space<hbm>> -> memref<200x128xi32, #tpu.memory_space<hbm>>
      tpu.enqueue_dma source(%dma_start3A_173 : memref<200x128xi32, #tpu.memory_space<hbm>>) target(%arg11 : memref<200x128xi32, #tpu.memory_space<vmem>>) target_semaphore(%run_scoped3A : memref<!tpu.dma_semaphore, #tpu.memory_space<semaphore_mem>>)
      %dma_wait3A_174 = arith.constant 0 : i32
      %dma_wait3A_175 = tpu.memref_slice %arg3[%mul3A_2, %dma_wait3A_174] : memref<6400x128xi32, #tpu.memory_space<hbm>> -> memref<200x128xi32, #tpu.memory_space<hbm>>
      %dma_wait3A_176 = arith.constant 0 : i32
      %dma_wait3A_177 = tpu.memref_slice %arg3[%mul3A_2, %dma_wait3A_176] : memref<6400x128xi32, #tpu.memory_space<hbm>> -> memref<200x128xi32, #tpu.memory_space<hbm>>
      tpu.wait_dma2 semaphore(%run_scoped3A : memref<!tpu.dma_semaphore, #tpu.memory_space<semaphore_mem>>) src(%dma_wait3A_177 : memref<200x128xi32, #tpu.memory_space<hbm>>) dst(%arg11 : memref<200x128xi32, #tpu.memory_space<vmem>>)
      tpu.yield
    }) : () -> ()
    %dma_start3A = arith.constant 0 : i32
    %dma_start3A_3 = arith.constant 0 : i32
    %dma_start3A_4 = arith.constant 0 : i32
    %dma_start3A_5 = tpu.memref_slice %arg12[%dma_start3A_3, %dma_start3A_4] : memref<1024x32xf32, #tpu.memory_space<vmem>> -> memref<128x32xf32, #tpu.memory_space<vmem>>
    %dma_start3A_6 = arith.constant 0 : i32
    %dma_start3A_7 = tpu.memref_slice %arg11[%dma_start3A, %dma_start3A_6] : memref<200x128xi32, #tpu.memory_space<vmem>> -> memref<1x128xi32, #tpu.memory_space<vmem>>
    %dma_start3A_8 = tpu.memref_squeeze %dma_start3A_7 : memref<1x128xi32, #tpu.memory_space<vmem>> -> memref<128xi32, #tpu.memory_space<vmem>>
    %dma_start3A_9 = arith.constant 0 : i32
    %dma_start3A_10 = arith.constant 0 : i32
    %dma_start3A_11 = tpu.memref_slice %arg2[%dma_start3A_9, %dma_start3A_10] : memref<100000x32xf32, #tpu.memory_space<hbm>> -> memref<100000x32xf32, #tpu.memory_space<hbm>>
    tpu.enqueue_indirect_dma source(%dma_start3A_11 : memref<100000x32xf32, #tpu.memory_space<hbm>>) target(%dma_start3A_5 : memref<128x32xf32, #tpu.memory_space<vmem>>) offsets(%dma_start3A_8 : memref<128xi32, #tpu.memory_space<vmem>>) semaphore(%arg15 : memref<!tpu.dma_semaphore, #tpu.memory_space<semaphore_mem>>)
    %dma_start3A_12 = arith.constant 1 : i32
    %dma_start3A_13 = arith.constant 128 : i32
    %dma_start3A_14 = arith.constant 0 : i32
    %dma_start3A_15 = tpu.memref_slice %arg12[%dma_start3A_13, %dma_start3A_14] : memref<1024x32xf32, #tpu.memory_space<vmem>> -> memref<128x32xf32, #tpu.memory_space<vmem>>
    %dma_start3A_16 = arith.constant 0 : i32
    %dma_start3A_17 = tpu.memref_slice %arg11[%dma_start3A_12, %dma_start3A_16] : memref<200x128xi32, #tpu.memory_space<vmem>> -> memref<1x128xi32, #tpu.memory_space<vmem>>
    %dma_start3A_18 = tpu.memref_squeeze %dma_start3A_17 : memref<1x128xi32, #tpu.memory_space<vmem>> -> memref<128xi32, #tpu.memory_space<vmem>>
    %dma_start3A_19 = arith.constant 0 : i32
    %dma_start3A_20 = arith.constant 0 : i32
    %dma_start3A_21 = tpu.memref_slice %arg2[%dma_start3A_19, %dma_start3A_20] : memref<100000x32xf32, #tpu.memory_space<hbm>> -> memref<100000x32xf32, #tpu.memory_space<hbm>>
    tpu.enqueue_indirect_dma source(%dma_start3A_21 : memref<100000x32xf32, #tpu.memory_space<hbm>>) target(%dma_start3A_15 : memref<128x32xf32, #tpu.memory_space<vmem>>) offsets(%dma_start3A_18 : memref<128xi32, #tpu.memory_space<vmem>>) semaphore(%arg15 : memref<!tpu.dma_semaphore, #tpu.memory_space<semaphore_mem>>)
    %dma_start3A_22 = arith.constant 2 : i32
    %dma_start3A_23 = arith.constant 256 : i32
    %dma_start3A_24 = arith.constant 0 : i32
    %dma_start3A_25 = tpu.memref_slice %arg12[%dma_start3A_23, %dma_start3A_24] : memref<1024x32xf32, #tpu.memory_space<vmem>> -> memref<128x32xf32, #tpu.memory_space<vmem>>
    %dma_start3A_26 = arith.constant 0 : i32
    %dma_start3A_27 = tpu.memref_slice %arg11[%dma_start3A_22, %dma_start3A_26] : memref<200x128xi32, #tpu.memory_space<vmem>> -> memref<1x128xi32, #tpu.memory_space<vmem>>
    %dma_start3A_28 = tpu.memref_squeeze %dma_start3A_27 : memref<1x128xi32, #tpu.memory_space<vmem>> -> memref<128xi32, #tpu.memory_space<vmem>>
    %dma_start3A_29 = arith.constant 0 : i32
    %dma_start3A_30 = arith.constant 0 : i32
    %dma_start3A_31 = tpu.memref_slice %arg2[%dma_start3A_29, %dma_start3A_30] : memref<100000x32xf32, #tpu.memory_space<hbm>> -> memref<100000x32xf32, #tpu.memory_space<hbm>>
    tpu.enqueue_indirect_dma source(%dma_start3A_31 : memref<100000x32xf32, #tpu.memory_space<hbm>>) target(%dma_start3A_25 : memref<128x32xf32, #tpu.memory_space<vmem>>) offsets(%dma_start3A_28 : memref<128xi32, #tpu.memory_space<vmem>>) semaphore(%arg15 : memref<!tpu.dma_semaphore, #tpu.memory_space<semaphore_mem>>)
    %dma_start3A_32 = arith.constant 3 : i32
    %dma_start3A_33 = arith.constant 384 : i32
    %dma_start3A_34 = arith.constant 0 : i32
    %dma_start3A_35 = tpu.memref_slice %arg12[%dma_start3A_33, %dma_start3A_34] : memref<1024x32xf32, #tpu.memory_space<vmem>> -> memref<128x32xf32, #tpu.memory_space<vmem>>
    %dma_start3A_36 = arith.constant 0 : i32
    %dma_start3A_37 = tpu.memref_slice %arg11[%dma_start3A_32, %dma_start3A_36] : memref<200x128xi32, #tpu.memory_space<vmem>> -> memref<1x128xi32, #tpu.memory_space<vmem>>
    %dma_start3A_38 = tpu.memref_squeeze %dma_start3A_37 : memref<1x128xi32, #tpu.memory_space<vmem>> -> memref<128xi32, #tpu.memory_space<vmem>>
    %dma_start3A_39 = arith.constant 0 : i32
    %dma_start3A_40 = arith.constant 0 : i32
    %dma_start3A_41 = tpu.memref_slice %arg2[%dma_start3A_39, %dma_start3A_40] : memref<100000x32xf32, #tpu.memory_space<hbm>> -> memref<100000x32xf32, #tpu.memory_space<hbm>>
    tpu.enqueue_indirect_dma source(%dma_start3A_41 : memref<100000x32xf32, #tpu.memory_space<hbm>>) target(%dma_start3A_35 : memref<128x32xf32, #tpu.memory_space<vmem>>) offsets(%dma_start3A_38 : memref<128xi32, #tpu.memory_space<vmem>>) semaphore(%arg15 : memref<!tpu.dma_semaphore, #tpu.memory_space<semaphore_mem>>)
    %dma_start3A_42 = arith.constant 4 : i32
    %dma_start3A_43 = arith.constant 512 : i32
    %dma_start3A_44 = arith.constant 0 : i32
    %dma_start3A_45 = tpu.memref_slice %arg12[%dma_start3A_43, %dma_start3A_44] : memref<1024x32xf32, #tpu.memory_space<vmem>> -> memref<128x32xf32, #tpu.memory_space<vmem>>
    %dma_start3A_46 = arith.constant 0 : i32
    %dma_start3A_47 = tpu.memref_slice %arg11[%dma_start3A_42, %dma_start3A_46] : memref<200x128xi32, #tpu.memory_space<vmem>> -> memref<1x128xi32, #tpu.memory_space<vmem>>
    %dma_start3A_48 = tpu.memref_squeeze %dma_start3A_47 : memref<1x128xi32, #tpu.memory_space<vmem>> -> memref<128xi32, #tpu.memory_space<vmem>>
    %dma_start3A_49 = arith.constant 0 : i32
    %dma_start3A_50 = arith.constant 0 : i32
    %dma_start3A_51 = tpu.memref_slice %arg2[%dma_start3A_49, %dma_start3A_50] : memref<100000x32xf32, #tpu.memory_space<hbm>> -> memref<100000x32xf32, #tpu.memory_space<hbm>>
    tpu.enqueue_indirect_dma source(%dma_start3A_51 : memref<100000x32xf32, #tpu.memory_space<hbm>>) target(%dma_start3A_45 : memref<128x32xf32, #tpu.memory_space<vmem>>) offsets(%dma_start3A_48 : memref<128xi32, #tpu.memory_space<vmem>>) semaphore(%arg15 : memref<!tpu.dma_semaphore, #tpu.memory_space<semaphore_mem>>)
    %dma_start3A_52 = arith.constant 5 : i32
    %dma_start3A_53 = arith.constant 640 : i32
    %dma_start3A_54 = arith.constant 0 : i32
    %dma_start3A_55 = tpu.memref_slice %arg12[%dma_start3A_53, %dma_start3A_54] : memref<1024x32xf32, #tpu.memory_space<vmem>> -> memref<128x32xf32, #tpu.memory_space<vmem>>
    %dma_start3A_56 = arith.constant 0 : i32
    %dma_start3A_57 = tpu.memref_slice %arg11[%dma_start3A_52, %dma_start3A_56] : memref<200x128xi32, #tpu.memory_space<vmem>> -> memref<1x128xi32, #tpu.memory_space<vmem>>
    %dma_start3A_58 = tpu.memref_squeeze %dma_start3A_57 : memref<1x128xi32, #tpu.memory_space<vmem>> -> memref<128xi32, #tpu.memory_space<vmem>>
    %dma_start3A_59 = arith.constant 0 : i32
    %dma_start3A_60 = arith.constant 0 : i32
    %dma_start3A_61 = tpu.memref_slice %arg2[%dma_start3A_59, %dma_start3A_60] : memref<100000x32xf32, #tpu.memory_space<hbm>> -> memref<100000x32xf32, #tpu.memory_space<hbm>>
    tpu.enqueue_indirect_dma source(%dma_start3A_61 : memref<100000x32xf32, #tpu.memory_space<hbm>>) target(%dma_start3A_55 : memref<128x32xf32, #tpu.memory_space<vmem>>) offsets(%dma_start3A_58 : memref<128xi32, #tpu.memory_space<vmem>>) semaphore(%arg15 : memref<!tpu.dma_semaphore, #tpu.memory_space<semaphore_mem>>)
    %dma_start3A_62 = arith.constant 6 : i32
    %dma_start3A_63 = arith.constant 768 : i32
    %dma_start3A_64 = arith.constant 0 : i32
    %dma_start3A_65 = tpu.memref_slice %arg12[%dma_start3A_63, %dma_start3A_64] : memref<1024x32xf32, #tpu.memory_space<vmem>> -> memref<128x32xf32, #tpu.memory_space<vmem>>
    %dma_start3A_66 = arith.constant 0 : i32
    %dma_start3A_67 = tpu.memref_slice %arg11[%dma_start3A_62, %dma_start3A_66] : memref<200x128xi32, #tpu.memory_space<vmem>> -> memref<1x128xi32, #tpu.memory_space<vmem>>
    %dma_start3A_68 = tpu.memref_squeeze %dma_start3A_67 : memref<1x128xi32, #tpu.memory_space<vmem>> -> memref<128xi32, #tpu.memory_space<vmem>>
    %dma_start3A_69 = arith.constant 0 : i32
    %dma_start3A_70 = arith.constant 0 : i32
    %dma_start3A_71 = tpu.memref_slice %arg2[%dma_start3A_69, %dma_start3A_70] : memref<100000x32xf32, #tpu.memory_space<hbm>> -> memref<100000x32xf32, #tpu.memory_space<hbm>>
    tpu.enqueue_indirect_dma source(%dma_start3A_71 : memref<100000x32xf32, #tpu.memory_space<hbm>>) target(%dma_start3A_65 : memref<128x32xf32, #tpu.memory_space<vmem>>) offsets(%dma_start3A_68 : memref<128xi32, #tpu.memory_space<vmem>>) semaphore(%arg15 : memref<!tpu.dma_semaphore, #tpu.memory_space<semaphore_mem>>)
    %dma_start3A_72 = arith.constant 7 : i32
    %dma_start3A_73 = arith.constant 896 : i32
    %dma_start3A_74 = arith.constant 0 : i32
    %dma_start3A_75 = tpu.memref_slice %arg12[%dma_start3A_73, %dma_start3A_74] : memref<1024x32xf32, #tpu.memory_space<vmem>> -> memref<128x32xf32, #tpu.memory_space<vmem>>
    %dma_start3A_76 = arith.constant 0 : i32
    %dma_start3A_77 = tpu.memref_slice %arg11[%dma_start3A_72, %dma_start3A_76] : memref<200x128xi32, #tpu.memory_space<vmem>> -> memref<1x128xi32, #tpu.memory_space<vmem>>
    %dma_start3A_78 = tpu.memref_squeeze %dma_start3A_77 : memref<1x128xi32, #tpu.memory_space<vmem>> -> memref<128xi32, #tpu.memory_space<vmem>>
    %dma_start3A_79 = arith.constant 0 : i32
    %dma_start3A_80 = arith.constant 0 : i32
    %dma_start3A_81 = tpu.memref_slice %arg2[%dma_start3A_79, %dma_start3A_80] : memref<100000x32xf32, #tpu.memory_space<hbm>> -> memref<100000x32xf32, #tpu.memory_space<hbm>>
    tpu.enqueue_indirect_dma source(%dma_start3A_81 : memref<100000x32xf32, #tpu.memory_space<hbm>>) target(%dma_start3A_75 : memref<128x32xf32, #tpu.memory_space<vmem>>) offsets(%dma_start3A_78 : memref<128xi32, #tpu.memory_space<vmem>>) semaphore(%arg15 : memref<!tpu.dma_semaphore, #tpu.memory_space<semaphore_mem>>)
    %scan3A = arith.constant 0 : i32
    %scan3A_82 = arith.constant 0 : i32
    %scan3A_83 = arith.constant 12 : i32
    %scan3A_84 = arith.addi %scan3A_82, %scan3A_83 : i32
    %scan3A_85 = arith.constant 1 : i32
    scf.for %scan3A_170 = %scan3A_82 to %scan3A_84 step %scan3A_85  : i32 {
      %mul3A_171 = arith.constant 2 : i32
      %mul3A_172 = arith.muli %mul3A_171, %scan3A_170 : i32
      %add3A_173 = arith.constant 0 : i32
      %add3A_174 = arith.addi %mul3A_172, %add3A_173 : i32
      %dma_wait3A_175 = arith.constant 0 : i32
      %dma_wait3A_176 = arith.constant 0 : i32
      %dma_wait3A_177 = arith.constant 0 : i32
      %dma_wait3A_178 = tpu.memref_slice %arg12[%dma_wait3A_176, %dma_wait3A_177] : memref<1024x32xf32, #tpu.memory_space<vmem>> -> memref<128x32xf32, #tpu.memory_space<vmem>>
      %dma_wait3A_179 = arith.constant 0 : i32
      %dma_wait3A_180 = tpu.memref_slice %arg11[%dma_wait3A_175, %dma_wait3A_179] : memref<200x128xi32, #tpu.memory_space<vmem>> -> memref<1x128xi32, #tpu.memory_space<vmem>>
      %dma_wait3A_181 = tpu.memref_squeeze %dma_wait3A_180 : memref<1x128xi32, #tpu.memory_space<vmem>> -> memref<128xi32, #tpu.memory_space<vmem>>
      %dma_wait3A_182 = arith.constant 0 : i32
      %dma_wait3A_183 = arith.constant 0 : i32
      %dma_wait3A_184 = tpu.memref_slice %arg2[%dma_wait3A_182, %dma_wait3A_183] : memref<100000x32xf32, #tpu.memory_space<hbm>> -> memref<100000x32xf32, #tpu.memory_space<hbm>>
      tpu.wait_indirect_dma semaphore(%arg15 : memref<!tpu.dma_semaphore, #tpu.memory_space<semaphore_mem>>) src(%dma_wait3A_184 : memref<100000x32xf32, #tpu.memory_space<hbm>>) dst(%dma_wait3A_178 : memref<128x32xf32, #tpu.memory_space<vmem>>)
      %dma_wait3A_185 = arith.constant 1 : i32
      %dma_wait3A_186 = arith.constant 128 : i32
      %dma_wait3A_187 = arith.constant 0 : i32
      %dma_wait3A_188 = tpu.memref_slice %arg12[%dma_wait3A_186, %dma_wait3A_187] : memref<1024x32xf32, #tpu.memory_space<vmem>> -> memref<128x32xf32, #tpu.memory_space<vmem>>
      %dma_wait3A_189 = arith.constant 0 : i32
      %dma_wait3A_190 = tpu.memref_slice %arg11[%dma_wait3A_185, %dma_wait3A_189] : memref<200x128xi32, #tpu.memory_space<vmem>> -> memref<1x128xi32, #tpu.memory_space<vmem>>
      %dma_wait3A_191 = tpu.memref_squeeze %dma_wait3A_190 : memref<1x128xi32, #tpu.memory_space<vmem>> -> memref<128xi32, #tpu.memory_space<vmem>>
      %dma_wait3A_192 = arith.constant 0 : i32
      %dma_wait3A_193 = arith.constant 0 : i32
      %dma_wait3A_194 = tpu.memref_slice %arg2[%dma_wait3A_192, %dma_wait3A_193] : memref<100000x32xf32, #tpu.memory_space<hbm>> -> memref<100000x32xf32, #tpu.memory_space<hbm>>
      tpu.wait_indirect_dma semaphore(%arg15 : memref<!tpu.dma_semaphore, #tpu.memory_space<semaphore_mem>>) src(%dma_wait3A_194 : memref<100000x32xf32, #tpu.memory_space<hbm>>) dst(%dma_wait3A_188 : memref<128x32xf32, #tpu.memory_space<vmem>>)
      %dma_wait3A_195 = arith.constant 2 : i32
      %dma_wait3A_196 = arith.constant 256 : i32
      %dma_wait3A_197 = arith.constant 0 : i32
      %dma_wait3A_198 = tpu.memref_slice %arg12[%dma_wait3A_196, %dma_wait3A_197] : memref<1024x32xf32, #tpu.memory_space<vmem>> -> memref<128x32xf32, #tpu.memory_space<vmem>>
      %dma_wait3A_199 = arith.constant 0 : i32
      %dma_wait3A_200 = tpu.memref_slice %arg11[%dma_wait3A_195, %dma_wait3A_199] : memref<200x128xi32, #tpu.memory_space<vmem>> -> memref<1x128xi32, #tpu.memory_space<vmem>>
      %dma_wait3A_201 = tpu.memref_squeeze %dma_wait3A_200 : memref<1x128xi32, #tpu.memory_space<vmem>> -> memref<128xi32, #tpu.memory_space<vmem>>
      %dma_wait3A_202 = arith.constant 0 : i32
      %dma_wait3A_203 = arith.constant 0 : i32
      %dma_wait3A_204 = tpu.memref_slice %arg2[%dma_wait3A_202, %dma_wait3A_203] : memref<100000x32xf32, #tpu.memory_space<hbm>> -> memref<100000x32xf32, #tpu.memory_space<hbm>>
      tpu.wait_indirect_dma semaphore(%arg15 : memref<!tpu.dma_semaphore, #tpu.memory_space<semaphore_mem>>) src(%dma_wait3A_204 : memref<100000x32xf32, #tpu.memory_space<hbm>>) dst(%dma_wait3A_198 : memref<128x32xf32, #tpu.memory_space<vmem>>)
      %dma_wait3A_205 = arith.constant 3 : i32
      %dma_wait3A_206 = arith.constant 384 : i32
      %dma_wait3A_207 = arith.constant 0 : i32
      %dma_wait3A_208 = tpu.memref_slice %arg12[%dma_wait3A_206, %dma_wait3A_207] : memref<1024x32xf32, #tpu.memory_space<vmem>> -> memref<128x32xf32, #tpu.memory_space<vmem>>
      %dma_wait3A_209 = arith.constant 0 : i32
      %dma_wait3A_210 = tpu.memref_slice %arg11[%dma_wait3A_205, %dma_wait3A_209] : memref<200x128xi32, #tpu.memory_space<vmem>> -> memref<1x128xi32, #tpu.memory_space<vmem>>
      %dma_wait3A_211 = tpu.memref_squeeze %dma_wait3A_210 : memref<1x128xi32, #tpu.memory_space<vmem>> -> memref<128xi32, #tpu.memory_space<vmem>>
      %dma_wait3A_212 = arith.constant 0 : i32
      %dma_wait3A_213 = arith.constant 0 : i32
      %dma_wait3A_214 = tpu.memref_slice %arg2[%dma_wait3A_212, %dma_wait3A_213] : memref<100000x32xf32, #tpu.memory_space<hbm>> -> memref<100000x32xf32, #tpu.memory_space<hbm>>
      tpu.wait_indirect_dma semaphore(%arg15 : memref<!tpu.dma_semaphore, #tpu.memory_space<semaphore_mem>>) src(%dma_wait3A_214 : memref<100000x32xf32, #tpu.memory_space<hbm>>) dst(%dma_wait3A_208 : memref<128x32xf32, #tpu.memory_space<vmem>>)
      %dma_wait3A_215 = arith.constant 4 : i32
      %dma_wait3A_216 = arith.constant 512 : i32
      %dma_wait3A_217 = arith.constant 0 : i32
      %dma_wait3A_218 = tpu.memref_slice %arg12[%dma_wait3A_216, %dma_wait3A_217] : memref<1024x32xf32, #tpu.memory_space<vmem>> -> memref<128x32xf32, #tpu.memory_space<vmem>>
      %dma_wait3A_219 = arith.constant 0 : i32
      %dma_wait3A_220 = tpu.memref_slice %arg11[%dma_wait3A_215, %dma_wait3A_219] : memref<200x128xi32, #tpu.memory_space<vmem>> -> memref<1x128xi32, #tpu.memory_space<vmem>>
      %dma_wait3A_221 = tpu.memref_squeeze %dma_wait3A_220 : memref<1x128xi32, #tpu.memory_space<vmem>> -> memref<128xi32, #tpu.memory_space<vmem>>
      %dma_wait3A_222 = arith.constant 0 : i32
      %dma_wait3A_223 = arith.constant 0 : i32
      %dma_wait3A_224 = tpu.memref_slice %arg2[%dma_wait3A_222, %dma_wait3A_223] : memref<100000x32xf32, #tpu.memory_space<hbm>> -> memref<100000x32xf32, #tpu.memory_space<hbm>>
      tpu.wait_indirect_dma semaphore(%arg15 : memref<!tpu.dma_semaphore, #tpu.memory_space<semaphore_mem>>) src(%dma_wait3A_224 : memref<100000x32xf32, #tpu.memory_space<hbm>>) dst(%dma_wait3A_218 : memref<128x32xf32, #tpu.memory_space<vmem>>)
      %dma_wait3A_225 = arith.constant 5 : i32
      %dma_wait3A_226 = arith.constant 640 : i32
      %dma_wait3A_227 = arith.constant 0 : i32
      %dma_wait3A_228 = tpu.memref_slice %arg12[%dma_wait3A_226, %dma_wait3A_227] : memref<1024x32xf32, #tpu.memory_space<vmem>> -> memref<128x32xf32, #tpu.memory_space<vmem>>
      %dma_wait3A_229 = arith.constant 0 : i32
      %dma_wait3A_230 = tpu.memref_slice %arg11[%dma_wait3A_225, %dma_wait3A_229] : memref<200x128xi32, #tpu.memory_space<vmem>> -> memref<1x128xi32, #tpu.memory_space<vmem>>
      %dma_wait3A_231 = tpu.memref_squeeze %dma_wait3A_230 : memref<1x128xi32, #tpu.memory_space<vmem>> -> memref<128xi32, #tpu.memory_space<vmem>>
      %dma_wait3A_232 = arith.constant 0 : i32
      %dma_wait3A_233 = arith.constant 0 : i32
      %dma_wait3A_234 = tpu.memref_slice %arg2[%dma_wait3A_232, %dma_wait3A_233] : memref<100000x32xf32, #tpu.memory_space<hbm>> -> memref<100000x32xf32, #tpu.memory_space<hbm>>
      tpu.wait_indirect_dma semaphore(%arg15 : memref<!tpu.dma_semaphore, #tpu.memory_space<semaphore_mem>>) src(%dma_wait3A_234 : memref<100000x32xf32, #tpu.memory_space<hbm>>) dst(%dma_wait3A_228 : memref<128x32xf32, #tpu.memory_space<vmem>>)
      %dma_wait3A_235 = arith.constant 6 : i32
      %dma_wait3A_236 = arith.constant 768 : i32
      %dma_wait3A_237 = arith.constant 0 : i32
      %dma_wait3A_238 = tpu.memref_slice %arg12[%dma_wait3A_236, %dma_wait3A_237] : memref<1024x32xf32, #tpu.memory_space<vmem>> -> memref<128x32xf32, #tpu.memory_space<vmem>>
      %dma_wait3A_239 = arith.constant 0 : i32
      %dma_wait3A_240 = tpu.memref_slice %arg11[%dma_wait3A_235, %dma_wait3A_239] : memref<200x128xi32, #tpu.memory_space<vmem>> -> memref<1x128xi32, #tpu.memory_space<vmem>>
      %dma_wait3A_241 = tpu.memref_squeeze %dma_wait3A_240 : memref<1x128xi32, #tpu.memory_space<vmem>> -> memref<128xi32, #tpu.memory_space<vmem>>
      %dma_wait3A_242 = arith.constant 0 : i32
      %dma_wait3A_243 = arith.constant 0 : i32
      %dma_wait3A_244 = tpu.memref_slice %arg2[%dma_wait3A_242, %dma_wait3A_243] : memref<100000x32xf32, #tpu.memory_space<hbm>> -> memref<100000x32xf32, #tpu.memory_space<hbm>>
      tpu.wait_indirect_dma semaphore(%arg15 : memref<!tpu.dma_semaphore, #tpu.memory_space<semaphore_mem>>) src(%dma_wait3A_244 : memref<100000x32xf32, #tpu.memory_space<hbm>>) dst(%dma_wait3A_238 : memref<128x32xf32, #tpu.memory_space<vmem>>)
      %dma_wait3A_245 = arith.constant 7 : i32
      %dma_wait3A_246 = arith.constant 896 : i32
      %dma_wait3A_247 = arith.constant 0 : i32
      %dma_wait3A_248 = tpu.memref_slice %arg12[%dma_wait3A_246, %dma_wait3A_247] : memref<1024x32xf32, #tpu.memory_space<vmem>> -> memref<128x32xf32, #tpu.memory_space<vmem>>
      %dma_wait3A_249 = arith.constant 0 : i32
      %dma_wait3A_250 = tpu.memref_slice %arg11[%dma_wait3A_245, %dma_wait3A_249] : memref<200x128xi32, #tpu.memory_space<vmem>> -> memref<1x128xi32, #tpu.memory_space<vmem>>
      %dma_wait3A_251 = tpu.memref_squeeze %dma_wait3A_250 : memref<1x128xi32, #tpu.memory_space<vmem>> -> memref<128xi32, #tpu.memory_space<vmem>>
      %dma_wait3A_252 = arith.constant 0 : i32
      %dma_wait3A_253 = arith.constant 0 : i32
      %dma_wait3A_254 = tpu.memref_slice %arg2[%dma_wait3A_252, %dma_wait3A_253] : memref<100000x32xf32, #tpu.memory_space<hbm>> -> memref<100000x32xf32, #tpu.memory_space<hbm>>
      tpu.wait_indirect_dma semaphore(%arg15 : memref<!tpu.dma_semaphore, #tpu.memory_space<semaphore_mem>>) src(%dma_wait3A_254 : memref<100000x32xf32, #tpu.memory_space<hbm>>) dst(%dma_wait3A_248 : memref<128x32xf32, #tpu.memory_space<vmem>>)
      %add3A_255 = arith.constant 1 : i32
      %add3A_256 = arith.addi %add3A_174, %add3A_255 : i32
      %mul3A_257 = arith.constant 8 : i32
      %mul3A_258 = arith.muli %add3A_256, %mul3A_257 : i32
      %add3A_259 = arith.constant 0 : i32
      %add3A_260 = arith.addi %mul3A_258, %add3A_259 : i32
      %dma_start3A_261 = arith.constant 0 : i32
      %dma_start3A_262 = arith.constant 0 : i32
      %dma_start3A_263 = tpu.memref_slice %arg13[%dma_start3A_261, %dma_start3A_262] : memref<1024x32xf32, #tpu.memory_space<vmem>> -> memref<128x32xf32, #tpu.memory_space<vmem>>
      %dma_start3A_264 = arith.constant 0 : i32
      %dma_start3A_265 = tpu.memref_slice %arg11[%add3A_260, %dma_start3A_264] : memref<200x128xi32, #tpu.memory_space<vmem>> -> memref<1x128xi32, #tpu.memory_space<vmem>>
      %dma_start3A_266 = tpu.memref_squeeze %dma_start3A_265 : memref<1x128xi32, #tpu.memory_space<vmem>> -> memref<128xi32, #tpu.memory_space<vmem>>
      %dma_start3A_267 = arith.constant 0 : i32
      %dma_start3A_268 = arith.constant 0 : i32
      %dma_start3A_269 = tpu.memref_slice %arg2[%dma_start3A_267, %dma_start3A_268] : memref<100000x32xf32, #tpu.memory_space<hbm>> -> memref<100000x32xf32, #tpu.memory_space<hbm>>
      tpu.enqueue_indirect_dma source(%dma_start3A_269 : memref<100000x32xf32, #tpu.memory_space<hbm>>) target(%dma_start3A_263 : memref<128x32xf32, #tpu.memory_space<vmem>>) offsets(%dma_start3A_266 : memref<128xi32, #tpu.memory_space<vmem>>) semaphore(%arg16 : memref<!tpu.dma_semaphore, #tpu.memory_space<semaphore_mem>>)
      %mul3A_270 = arith.constant 8 : i32
      %mul3A_271 = arith.muli %add3A_256, %mul3A_270 : i32
      %add3A_272 = arith.constant 1 : i32
      %add3A_273 = arith.addi %mul3A_271, %add3A_272 : i32
      %dma_start3A_274 = arith.constant 128 : i32
      %dma_start3A_275 = arith.constant 0 : i32
      %dma_start3A_276 = tpu.memref_slice %arg13[%dma_start3A_274, %dma_start3A_275] : memref<1024x32xf32, #tpu.memory_space<vmem>> -> memref<128x32xf32, #tpu.memory_space<vmem>>
      %dma_start3A_277 = arith.constant 0 : i32
      %dma_start3A_278 = tpu.memref_slice %arg11[%add3A_273, %dma_start3A_277] : memref<200x128xi32, #tpu.memory_space<vmem>> -> memref<1x128xi32, #tpu.memory_space<vmem>>
      %dma_start3A_279 = tpu.memref_squeeze %dma_start3A_278 : memref<1x128xi32, #tpu.memory_space<vmem>> -> memref<128xi32, #tpu.memory_space<vmem>>
      %dma_start3A_280 = arith.constant 0 : i32
      %dma_start3A_281 = arith.constant 0 : i32
      %dma_start3A_282 = tpu.memref_slice %arg2[%dma_start3A_280, %dma_start3A_281] : memref<100000x32xf32, #tpu.memory_space<hbm>> -> memref<100000x32xf32, #tpu.memory_space<hbm>>
      tpu.enqueue_indirect_dma source(%dma_start3A_282 : memref<100000x32xf32, #tpu.memory_space<hbm>>) target(%dma_start3A_276 : memref<128x32xf32, #tpu.memory_space<vmem>>) offsets(%dma_start3A_279 : memref<128xi32, #tpu.memory_space<vmem>>) semaphore(%arg16 : memref<!tpu.dma_semaphore, #tpu.memory_space<semaphore_mem>>)
      %mul3A_283 = arith.constant 8 : i32
      %mul3A_284 = arith.muli %add3A_256, %mul3A_283 : i32
      %add3A_285 = arith.constant 2 : i32
      %add3A_286 = arith.addi %mul3A_284, %add3A_285 : i32
      %dma_start3A_287 = arith.constant 256 : i32
      %dma_start3A_288 = arith.constant 0 : i32
      %dma_start3A_289 = tpu.memref_slice %arg13[%dma_start3A_287, %dma_start3A_288] : memref<1024x32xf32, #tpu.memory_space<vmem>> -> memref<128x32xf32, #tpu.memory_space<vmem>>
      %dma_start3A_290 = arith.constant 0 : i32
      %dma_start3A_291 = tpu.memref_slice %arg11[%add3A_286, %dma_start3A_290] : memref<200x128xi32, #tpu.memory_space<vmem>> -> memref<1x128xi32, #tpu.memory_space<vmem>>
      %dma_start3A_292 = tpu.memref_squeeze %dma_start3A_291 : memref<1x128xi32, #tpu.memory_space<vmem>> -> memref<128xi32, #tpu.memory_space<vmem>>
      %dma_start3A_293 = arith.constant 0 : i32
      %dma_start3A_294 = arith.constant 0 : i32
      %dma_start3A_295 = tpu.memref_slice %arg2[%dma_start3A_293, %dma_start3A_294] : memref<100000x32xf32, #tpu.memory_space<hbm>> -> memref<100000x32xf32, #tpu.memory_space<hbm>>
      tpu.enqueue_indirect_dma source(%dma_start3A_295 : memref<100000x32xf32, #tpu.memory_space<hbm>>) target(%dma_start3A_289 : memref<128x32xf32, #tpu.memory_space<vmem>>) offsets(%dma_start3A_292 : memref<128xi32, #tpu.memory_space<vmem>>) semaphore(%arg16 : memref<!tpu.dma_semaphore, #tpu.memory_space<semaphore_mem>>)
      %mul3A_296 = arith.constant 8 : i32
      %mul3A_297 = arith.muli %add3A_256, %mul3A_296 : i32
      %add3A_298 = arith.constant 3 : i32
      %add3A_299 = arith.addi %mul3A_297, %add3A_298 : i32
      %dma_start3A_300 = arith.constant 384 : i32
      %dma_start3A_301 = arith.constant 0 : i32
      %dma_start3A_302 = tpu.memref_slice %arg13[%dma_start3A_300, %dma_start3A_301] : memref<1024x32xf32, #tpu.memory_space<vmem>> -> memref<128x32xf32, #tpu.memory_space<vmem>>
      %dma_start3A_303 = arith.constant 0 : i32
      %dma_start3A_304 = tpu.memref_slice %arg11[%add3A_299, %dma_start3A_303] : memref<200x128xi32, #tpu.memory_space<vmem>> -> memref<1x128xi32, #tpu.memory_space<vmem>>
      %dma_start3A_305 = tpu.memref_squeeze %dma_start3A_304 : memref<1x128xi32, #tpu.memory_space<vmem>> -> memref<128xi32, #tpu.memory_space<vmem>>
      %dma_start3A_306 = arith.constant 0 : i32
      %dma_start3A_307 = arith.constant 0 : i32
      %dma_start3A_308 = tpu.memref_slice %arg2[%dma_start3A_306, %dma_start3A_307] : memref<100000x32xf32, #tpu.memory_space<hbm>> -> memref<100000x32xf32, #tpu.memory_space<hbm>>
      tpu.enqueue_indirect_dma source(%dma_start3A_308 : memref<100000x32xf32, #tpu.memory_space<hbm>>) target(%dma_start3A_302 : memref<128x32xf32, #tpu.memory_space<vmem>>) offsets(%dma_start3A_305 : memref<128xi32, #tpu.memory_space<vmem>>) semaphore(%arg16 : memref<!tpu.dma_semaphore, #tpu.memory_space<semaphore_mem>>)
      %mul3A_309 = arith.constant 8 : i32
      %mul3A_310 = arith.muli %add3A_256, %mul3A_309 : i32
      %add3A_311 = arith.constant 4 : i32
      %add3A_312 = arith.addi %mul3A_310, %add3A_311 : i32
      %dma_start3A_313 = arith.constant 512 : i32
      %dma_start3A_314 = arith.constant 0 : i32
      %dma_start3A_315 = tpu.memref_slice %arg13[%dma_start3A_313, %dma_start3A_314] : memref<1024x32xf32, #tpu.memory_space<vmem>> -> memref<128x32xf32, #tpu.memory_space<vmem>>
      %dma_start3A_316 = arith.constant 0 : i32
      %dma_start3A_317 = tpu.memref_slice %arg11[%add3A_312, %dma_start3A_316] : memref<200x128xi32, #tpu.memory_space<vmem>> -> memref<1x128xi32, #tpu.memory_space<vmem>>
      %dma_start3A_318 = tpu.memref_squeeze %dma_start3A_317 : memref<1x128xi32, #tpu.memory_space<vmem>> -> memref<128xi32, #tpu.memory_space<vmem>>
      %dma_start3A_319 = arith.constant 0 : i32
      %dma_start3A_320 = arith.constant 0 : i32
      %dma_start3A_321 = tpu.memref_slice %arg2[%dma_start3A_319, %dma_start3A_320] : memref<100000x32xf32, #tpu.memory_space<hbm>> -> memref<100000x32xf32, #tpu.memory_space<hbm>>
      tpu.enqueue_indirect_dma source(%dma_start3A_321 : memref<100000x32xf32, #tpu.memory_space<hbm>>) target(%dma_start3A_315 : memref<128x32xf32, #tpu.memory_space<vmem>>) offsets(%dma_start3A_318 : memref<128xi32, #tpu.memory_space<vmem>>) semaphore(%arg16 : memref<!tpu.dma_semaphore, #tpu.memory_space<semaphore_mem>>)
      %mul3A_322 = arith.constant 8 : i32
      %mul3A_323 = arith.muli %add3A_256, %mul3A_322 : i32
      %add3A_324 = arith.constant 5 : i32
      %add3A_325 = arith.addi %mul3A_323, %add3A_324 : i32
      %dma_start3A_326 = arith.constant 640 : i32
      %dma_start3A_327 = arith.constant 0 : i32
      %dma_start3A_328 = tpu.memref_slice %arg13[%dma_start3A_326, %dma_start3A_327] : memref<1024x32xf32, #tpu.memory_space<vmem>> -> memref<128x32xf32, #tpu.memory_space<vmem>>
      %dma_start3A_329 = arith.constant 0 : i32
      %dma_start3A_330 = tpu.memref_slice %arg11[%add3A_325, %dma_start3A_329] : memref<200x128xi32, #tpu.memory_space<vmem>> -> memref<1x128xi32, #tpu.memory_space<vmem>>
      %dma_start3A_331 = tpu.memref_squeeze %dma_start3A_330 : memref<1x128xi32, #tpu.memory_space<vmem>> -> memref<128xi32, #tpu.memory_space<vmem>>
      %dma_start3A_332 = arith.constant 0 : i32
      %dma_start3A_333 = arith.constant 0 : i32
      %dma_start3A_334 = tpu.memref_slice %arg2[%dma_start3A_332, %dma_start3A_333] : memref<100000x32xf32, #tpu.memory_space<hbm>> -> memref<100000x32xf32, #tpu.memory_space<hbm>>
      tpu.enqueue_indirect_dma source(%dma_start3A_334 : memref<100000x32xf32, #tpu.memory_space<hbm>>) target(%dma_start3A_328 : memref<128x32xf32, #tpu.memory_space<vmem>>) offsets(%dma_start3A_331 : memref<128xi32, #tpu.memory_space<vmem>>) semaphore(%arg16 : memref<!tpu.dma_semaphore, #tpu.memory_space<semaphore_mem>>)
      %mul3A_335 = arith.constant 8 : i32
      %mul3A_336 = arith.muli %add3A_256, %mul3A_335 : i32
      %add3A_337 = arith.constant 6 : i32
      %add3A_338 = arith.addi %mul3A_336, %add3A_337 : i32
      %dma_start3A_339 = arith.constant 768 : i32
      %dma_start3A_340 = arith.constant 0 : i32
      %dma_start3A_341 = tpu.memref_slice %arg13[%dma_start3A_339, %dma_start3A_340] : memref<1024x32xf32, #tpu.memory_space<vmem>> -> memref<128x32xf32, #tpu.memory_space<vmem>>
      %dma_start3A_342 = arith.constant 0 : i32
      %dma_start3A_343 = tpu.memref_slice %arg11[%add3A_338, %dma_start3A_342] : memref<200x128xi32, #tpu.memory_space<vmem>> -> memref<1x128xi32, #tpu.memory_space<vmem>>
      %dma_start3A_344 = tpu.memref_squeeze %dma_start3A_343 : memref<1x128xi32, #tpu.memory_space<vmem>> -> memref<128xi32, #tpu.memory_space<vmem>>
      %dma_start3A_345 = arith.constant 0 : i32
      %dma_start3A_346 = arith.constant 0 : i32
      %dma_start3A_347 = tpu.memref_slice %arg2[%dma_start3A_345, %dma_start3A_346] : memref<100000x32xf32, #tpu.memory_space<hbm>> -> memref<100000x32xf32, #tpu.memory_space<hbm>>
      tpu.enqueue_indirect_dma source(%dma_start3A_347 : memref<100000x32xf32, #tpu.memory_space<hbm>>) target(%dma_start3A_341 : memref<128x32xf32, #tpu.memory_space<vmem>>) offsets(%dma_start3A_344 : memref<128xi32, #tpu.memory_space<vmem>>) semaphore(%arg16 : memref<!tpu.dma_semaphore, #tpu.memory_space<semaphore_mem>>)
      %mul3A_348 = arith.constant 8 : i32
      %mul3A_349 = arith.muli %add3A_256, %mul3A_348 : i32
      %add3A_350 = arith.constant 7 : i32
      %add3A_351 = arith.addi %mul3A_349, %add3A_350 : i32
      %dma_start3A_352 = arith.constant 896 : i32
      %dma_start3A_353 = arith.constant 0 : i32
      %dma_start3A_354 = tpu.memref_slice %arg13[%dma_start3A_352, %dma_start3A_353] : memref<1024x32xf32, #tpu.memory_space<vmem>> -> memref<128x32xf32, #tpu.memory_space<vmem>>
      %dma_start3A_355 = arith.constant 0 : i32
      %dma_start3A_356 = tpu.memref_slice %arg11[%add3A_351, %dma_start3A_355] : memref<200x128xi32, #tpu.memory_space<vmem>> -> memref<1x128xi32, #tpu.memory_space<vmem>>
      %dma_start3A_357 = tpu.memref_squeeze %dma_start3A_356 : memref<1x128xi32, #tpu.memory_space<vmem>> -> memref<128xi32, #tpu.memory_space<vmem>>
      %dma_start3A_358 = arith.constant 0 : i32
      %dma_start3A_359 = arith.constant 0 : i32
      %dma_start3A_360 = tpu.memref_slice %arg2[%dma_start3A_358, %dma_start3A_359] : memref<100000x32xf32, #tpu.memory_space<hbm>> -> memref<100000x32xf32, #tpu.memory_space<hbm>>
      tpu.enqueue_indirect_dma source(%dma_start3A_360 : memref<100000x32xf32, #tpu.memory_space<hbm>>) target(%dma_start3A_354 : memref<128x32xf32, #tpu.memory_space<vmem>>) offsets(%dma_start3A_357 : memref<128xi32, #tpu.memory_space<vmem>>) semaphore(%arg16 : memref<!tpu.dma_semaphore, #tpu.memory_space<semaphore_mem>>)
      %mul3A_361 = arith.constant 25600 : i32
      %mul3A_362 = arith.muli %add3A, %mul3A_361 : i32
      %mul3A_363 = arith.constant 1024 : i32
      %mul3A_364 = arith.muli %add3A_174, %mul3A_363 : i32
      %add3A_365 = arith.addi %mul3A_362, %mul3A_364 : i32
      "tpu.region"() ({
        %run_scoped3A = tpu.sem_alloc : memref<!tpu.dma_semaphore, #tpu.memory_space<semaphore_mem>>
        %dma_start3A_561 = arith.constant 0 : i32
        %dma_start3A_562 = tpu.memref_slice %arg8[%add3A_365, %dma_start3A_561] : memref<819200x32xf32, #tpu.memory_space<hbm>> -> memref<1024x32xf32, #tpu.memory_space<hbm>>
        %dma_start3A_563 = arith.constant 0 : i32
        %dma_start3A_564 = tpu.memref_slice %arg8[%add3A_365, %dma_start3A_563] : memref<819200x32xf32, #tpu.memory_space<hbm>> -> memref<1024x32xf32, #tpu.memory_space<hbm>>
        tpu.enqueue_dma source(%arg12 : memref<1024x32xf32, #tpu.memory_space<vmem>>) target(%dma_start3A_564 : memref<1024x32xf32, #tpu.memory_space<hbm>>) target_semaphore(%run_scoped3A : memref<!tpu.dma_semaphore, #tpu.memory_space<semaphore_mem>>)
        %dma_wait3A_565 = arith.constant 0 : i32
        %dma_wait3A_566 = tpu.memref_slice %arg8[%add3A_365, %dma_wait3A_565] : memref<819200x32xf32, #tpu.memory_space<hbm>> -> memref<1024x32xf32, #tpu.memory_space<hbm>>
        %dma_wait3A_567 = arith.constant 0 : i32
        %dma_wait3A_568 = tpu.memref_slice %arg8[%add3A_365, %dma_wait3A_567] : memref<819200x32xf32, #tpu.memory_space<hbm>> -> memref<1024x32xf32, #tpu.memory_space<hbm>>
        tpu.wait_dma2 semaphore(%run_scoped3A : memref<!tpu.dma_semaphore, #tpu.memory_space<semaphore_mem>>) src(%arg12 : memref<1024x32xf32, #tpu.memory_space<vmem>>) dst(%dma_wait3A_568 : memref<1024x32xf32, #tpu.memory_space<hbm>>)
        tpu.yield
      }) : () -> ()
      %mul3A_366 = arith.constant 2 : i32
      %mul3A_367 = arith.muli %mul3A_366, %scan3A_170 : i32
      %add3A_368 = arith.constant 1 : i32
      %add3A_369 = arith.addi %mul3A_367, %add3A_368 : i32
      %dma_wait3A_370 = arith.constant 0 : i32
      %dma_wait3A_371 = arith.constant 0 : i32
      %dma_wait3A_372 = arith.constant 0 : i32
      %dma_wait3A_373 = tpu.memref_slice %arg13[%dma_wait3A_371, %dma_wait3A_372] : memref<1024x32xf32, #tpu.memory_space<vmem>> -> memref<128x32xf32, #tpu.memory_space<vmem>>
      %dma_wait3A_374 = arith.constant 0 : i32
      %dma_wait3A_375 = tpu.memref_slice %arg11[%dma_wait3A_370, %dma_wait3A_374] : memref<200x128xi32, #tpu.memory_space<vmem>> -> memref<1x128xi32, #tpu.memory_space<vmem>>
      %dma_wait3A_376 = tpu.memref_squeeze %dma_wait3A_375 : memref<1x128xi32, #tpu.memory_space<vmem>> -> memref<128xi32, #tpu.memory_space<vmem>>
      %dma_wait3A_377 = arith.constant 0 : i32
      %dma_wait3A_378 = arith.constant 0 : i32
      %dma_wait3A_379 = tpu.memref_slice %arg2[%dma_wait3A_377, %dma_wait3A_378] : memref<100000x32xf32, #tpu.memory_space<hbm>> -> memref<100000x32xf32, #tpu.memory_space<hbm>>
      tpu.wait_indirect_dma semaphore(%arg16 : memref<!tpu.dma_semaphore, #tpu.memory_space<semaphore_mem>>) src(%dma_wait3A_379 : memref<100000x32xf32, #tpu.memory_space<hbm>>) dst(%dma_wait3A_373 : memref<128x32xf32, #tpu.memory_space<vmem>>)
      %dma_wait3A_380 = arith.constant 1 : i32
      %dma_wait3A_381 = arith.constant 128 : i32
      %dma_wait3A_382 = arith.constant 0 : i32
      %dma_wait3A_383 = tpu.memref_slice %arg13[%dma_wait3A_381, %dma_wait3A_382] : memref<1024x32xf32, #tpu.memory_space<vmem>> -> memref<128x32xf32, #tpu.memory_space<vmem>>
      %dma_wait3A_384 = arith.constant 0 : i32
      %dma_wait3A_385 = tpu.memref_slice %arg11[%dma_wait3A_380, %dma_wait3A_384] : memref<200x128xi32, #tpu.memory_space<vmem>> -> memref<1x128xi32, #tpu.memory_space<vmem>>
      %dma_wait3A_386 = tpu.memref_squeeze %dma_wait3A_385 : memref<1x128xi32, #tpu.memory_space<vmem>> -> memref<128xi32, #tpu.memory_space<vmem>>
      %dma_wait3A_387 = arith.constant 0 : i32
      %dma_wait3A_388 = arith.constant 0 : i32
      %dma_wait3A_389 = tpu.memref_slice %arg2[%dma_wait3A_387, %dma_wait3A_388] : memref<100000x32xf32, #tpu.memory_space<hbm>> -> memref<100000x32xf32, #tpu.memory_space<hbm>>
      tpu.wait_indirect_dma semaphore(%arg16 : memref<!tpu.dma_semaphore, #tpu.memory_space<semaphore_mem>>) src(%dma_wait3A_389 : memref<100000x32xf32, #tpu.memory_space<hbm>>) dst(%dma_wait3A_383 : memref<128x32xf32, #tpu.memory_space<vmem>>)
      %dma_wait3A_390 = arith.constant 2 : i32
      %dma_wait3A_391 = arith.constant 256 : i32
      %dma_wait3A_392 = arith.constant 0 : i32
      %dma_wait3A_393 = tpu.memref_slice %arg13[%dma_wait3A_391, %dma_wait3A_392] : memref<1024x32xf32, #tpu.memory_space<vmem>> -> memref<128x32xf32, #tpu.memory_space<vmem>>
      %dma_wait3A_394 = arith.constant 0 : i32
      %dma_wait3A_395 = tpu.memref_slice %arg11[%dma_wait3A_390, %dma_wait3A_394] : memref<200x128xi32, #tpu.memory_space<vmem>> -> memref<1x128xi32, #tpu.memory_space<vmem>>
      %dma_wait3A_396 = tpu.memref_squeeze %dma_wait3A_395 : memref<1x128xi32, #tpu.memory_space<vmem>> -> memref<128xi32, #tpu.memory_space<vmem>>
      %dma_wait3A_397 = arith.constant 0 : i32
      %dma_wait3A_398 = arith.constant 0 : i32
      %dma_wait3A_399 = tpu.memref_slice %arg2[%dma_wait3A_397, %dma_wait3A_398] : memref<100000x32xf32, #tpu.memory_space<hbm>> -> memref<100000x32xf32, #tpu.memory_space<hbm>>
      tpu.wait_indirect_dma semaphore(%arg16 : memref<!tpu.dma_semaphore, #tpu.memory_space<semaphore_mem>>) src(%dma_wait3A_399 : memref<100000x32xf32, #tpu.memory_space<hbm>>) dst(%dma_wait3A_393 : memref<128x32xf32, #tpu.memory_space<vmem>>)
      %dma_wait3A_400 = arith.constant 3 : i32
      %dma_wait3A_401 = arith.constant 384 : i32
      %dma_wait3A_402 = arith.constant 0 : i32
      %dma_wait3A_403 = tpu.memref_slice %arg13[%dma_wait3A_401, %dma_wait3A_402] : memref<1024x32xf32, #tpu.memory_space<vmem>> -> memref<128x32xf32, #tpu.memory_space<vmem>>
      %dma_wait3A_404 = arith.constant 0 : i32
      %dma_wait3A_405 = tpu.memref_slice %arg11[%dma_wait3A_400, %dma_wait3A_404] : memref<200x128xi32, #tpu.memory_space<vmem>> -> memref<1x128xi32, #tpu.memory_space<vmem>>
      %dma_wait3A_406 = tpu.memref_squeeze %dma_wait3A_405 : memref<1x128xi32, #tpu.memory_space<vmem>> -> memref<128xi32, #tpu.memory_space<vmem>>
      %dma_wait3A_407 = arith.constant 0 : i32
      %dma_wait3A_408 = arith.constant 0 : i32
      %dma_wait3A_409 = tpu.memref_slice %arg2[%dma_wait3A_407, %dma_wait3A_408] : memref<100000x32xf32, #tpu.memory_space<hbm>> -> memref<100000x32xf32, #tpu.memory_space<hbm>>
      tpu.wait_indirect_dma semaphore(%arg16 : memref<!tpu.dma_semaphore, #tpu.memory_space<semaphore_mem>>) src(%dma_wait3A_409 : memref<100000x32xf32, #tpu.memory_space<hbm>>) dst(%dma_wait3A_403 : memref<128x32xf32, #tpu.memory_space<vmem>>)
      %dma_wait3A_410 = arith.constant 4 : i32
      %dma_wait3A_411 = arith.constant 512 : i32
      %dma_wait3A_412 = arith.constant 0 : i32
      %dma_wait3A_413 = tpu.memref_slice %arg13[%dma_wait3A_411, %dma_wait3A_412] : memref<1024x32xf32, #tpu.memory_space<vmem>> -> memref<128x32xf32, #tpu.memory_space<vmem>>
      %dma_wait3A_414 = arith.constant 0 : i32
      %dma_wait3A_415 = tpu.memref_slice %arg11[%dma_wait3A_410, %dma_wait3A_414] : memref<200x128xi32, #tpu.memory_space<vmem>> -> memref<1x128xi32, #tpu.memory_space<vmem>>
      %dma_wait3A_416 = tpu.memref_squeeze %dma_wait3A_415 : memref<1x128xi32, #tpu.memory_space<vmem>> -> memref<128xi32, #tpu.memory_space<vmem>>
      %dma_wait3A_417 = arith.constant 0 : i32
      %dma_wait3A_418 = arith.constant 0 : i32
      %dma_wait3A_419 = tpu.memref_slice %arg2[%dma_wait3A_417, %dma_wait3A_418] : memref<100000x32xf32, #tpu.memory_space<hbm>> -> memref<100000x32xf32, #tpu.memory_space<hbm>>
      tpu.wait_indirect_dma semaphore(%arg16 : memref<!tpu.dma_semaphore, #tpu.memory_space<semaphore_mem>>) src(%dma_wait3A_419 : memref<100000x32xf32, #tpu.memory_space<hbm>>) dst(%dma_wait3A_413 : memref<128x32xf32, #tpu.memory_space<vmem>>)
      %dma_wait3A_420 = arith.constant 5 : i32
      %dma_wait3A_421 = arith.constant 640 : i32
      %dma_wait3A_422 = arith.constant 0 : i32
      %dma_wait3A_423 = tpu.memref_slice %arg13[%dma_wait3A_421, %dma_wait3A_422] : memref<1024x32xf32, #tpu.memory_space<vmem>> -> memref<128x32xf32, #tpu.memory_space<vmem>>
      %dma_wait3A_424 = arith.constant 0 : i32
      %dma_wait3A_425 = tpu.memref_slice %arg11[%dma_wait3A_420, %dma_wait3A_424] : memref<200x128xi32, #tpu.memory_space<vmem>> -> memref<1x128xi32, #tpu.memory_space<vmem>>
      %dma_wait3A_426 = tpu.memref_squeeze %dma_wait3A_425 : memref<1x128xi32, #tpu.memory_space<vmem>> -> memref<128xi32, #tpu.memory_space<vmem>>
      %dma_wait3A_427 = arith.constant 0 : i32
      %dma_wait3A_428 = arith.constant 0 : i32
      %dma_wait3A_429 = tpu.memref_slice %arg2[%dma_wait3A_427, %dma_wait3A_428] : memref<100000x32xf32, #tpu.memory_space<hbm>> -> memref<100000x32xf32, #tpu.memory_space<hbm>>
      tpu.wait_indirect_dma semaphore(%arg16 : memref<!tpu.dma_semaphore, #tpu.memory_space<semaphore_mem>>) src(%dma_wait3A_429 : memref<100000x32xf32, #tpu.memory_space<hbm>>) dst(%dma_wait3A_423 : memref<128x32xf32, #tpu.memory_space<vmem>>)
      %dma_wait3A_430 = arith.constant 6 : i32
      %dma_wait3A_431 = arith.constant 768 : i32
      %dma_wait3A_432 = arith.constant 0 : i32
      %dma_wait3A_433 = tpu.memref_slice %arg13[%dma_wait3A_431, %dma_wait3A_432] : memref<1024x32xf32, #tpu.memory_space<vmem>> -> memref<128x32xf32, #tpu.memory_space<vmem>>
      %dma_wait3A_434 = arith.constant 0 : i32
      %dma_wait3A_435 = tpu.memref_slice %arg11[%dma_wait3A_430, %dma_wait3A_434] : memref<200x128xi32, #tpu.memory_space<vmem>> -> memref<1x128xi32, #tpu.memory_space<vmem>>
      %dma_wait3A_436 = tpu.memref_squeeze %dma_wait3A_435 : memref<1x128xi32, #tpu.memory_space<vmem>> -> memref<128xi32, #tpu.memory_space<vmem>>
      %dma_wait3A_437 = arith.constant 0 : i32
      %dma_wait3A_438 = arith.constant 0 : i32
      %dma_wait3A_439 = tpu.memref_slice %arg2[%dma_wait3A_437, %dma_wait3A_438] : memref<100000x32xf32, #tpu.memory_space<hbm>> -> memref<100000x32xf32, #tpu.memory_space<hbm>>
      tpu.wait_indirect_dma semaphore(%arg16 : memref<!tpu.dma_semaphore, #tpu.memory_space<semaphore_mem>>) src(%dma_wait3A_439 : memref<100000x32xf32, #tpu.memory_space<hbm>>) dst(%dma_wait3A_433 : memref<128x32xf32, #tpu.memory_space<vmem>>)
      %dma_wait3A_440 = arith.constant 7 : i32
      %dma_wait3A_441 = arith.constant 896 : i32
      %dma_wait3A_442 = arith.constant 0 : i32
      %dma_wait3A_443 = tpu.memref_slice %arg13[%dma_wait3A_441, %dma_wait3A_442] : memref<1024x32xf32, #tpu.memory_space<vmem>> -> memref<128x32xf32, #tpu.memory_space<vmem>>
      %dma_wait3A_444 = arith.constant 0 : i32
      %dma_wait3A_445 = tpu.memref_slice %arg11[%dma_wait3A_440, %dma_wait3A_444] : memref<200x128xi32, #tpu.memory_space<vmem>> -> memref<1x128xi32, #tpu.memory_space<vmem>>
      %dma_wait3A_446 = tpu.memref_squeeze %dma_wait3A_445 : memref<1x128xi32, #tpu.memory_space<vmem>> -> memref<128xi32, #tpu.memory_space<vmem>>
      %dma_wait3A_447 = arith.constant 0 : i32
      %dma_wait3A_448 = arith.constant 0 : i32
      %dma_wait3A_449 = tpu.memref_slice %arg2[%dma_wait3A_447, %dma_wait3A_448] : memref<100000x32xf32, #tpu.memory_space<hbm>> -> memref<100000x32xf32, #tpu.memory_space<hbm>>
      tpu.wait_indirect_dma semaphore(%arg16 : memref<!tpu.dma_semaphore, #tpu.memory_space<semaphore_mem>>) src(%dma_wait3A_449 : memref<100000x32xf32, #tpu.memory_space<hbm>>) dst(%dma_wait3A_443 : memref<128x32xf32, #tpu.memory_space<vmem>>)
      %add3A_450 = arith.constant 1 : i32
      %add3A_451 = arith.addi %add3A_369, %add3A_450 : i32
      %mul3A_452 = arith.constant 8 : i32
      %mul3A_453 = arith.muli %add3A_451, %mul3A_452 : i32
      %add3A_454 = arith.constant 0 : i32
      %add3A_455 = arith.addi %mul3A_453, %add3A_454 : i32
      %dma_start3A_456 = arith.constant 0 : i32
      %dma_start3A_457 = arith.constant 0 : i32
      %dma_start3A_458 = tpu.memref_slice %arg12[%dma_start3A_456, %dma_start3A_457] : memref<1024x32xf32, #tpu.memory_space<vmem>> -> memref<128x32xf32, #tpu.memory_space<vmem>>
      %dma_start3A_459 = arith.constant 0 : i32
      %dma_start3A_460 = tpu.memref_slice %arg11[%add3A_455, %dma_start3A_459] : memref<200x128xi32, #tpu.memory_space<vmem>> -> memref<1x128xi32, #tpu.memory_space<vmem>>
      %dma_start3A_461 = tpu.memref_squeeze %dma_start3A_460 : memref<1x128xi32, #tpu.memory_space<vmem>> -> memref<128xi32, #tpu.memory_space<vmem>>
      %dma_start3A_462 = arith.constant 0 : i32
      %dma_start3A_463 = arith.constant 0 : i32
      %dma_start3A_464 = tpu.memref_slice %arg2[%dma_start3A_462, %dma_start3A_463] : memref<100000x32xf32, #tpu.memory_space<hbm>> -> memref<100000x32xf32, #tpu.memory_space<hbm>>
      tpu.enqueue_indirect_dma source(%dma_start3A_464 : memref<100000x32xf32, #tpu.memory_space<hbm>>) target(%dma_start3A_458 : memref<128x32xf32, #tpu.memory_space<vmem>>) offsets(%dma_start3A_461 : memref<128xi32, #tpu.memory_space<vmem>>) semaphore(%arg15 : memref<!tpu.dma_semaphore, #tpu.memory_space<semaphore_mem>>)
      %mul3A_465 = arith.constant 8 : i32
      %mul3A_466 = arith.muli %add3A_451, %mul3A_465 : i32
      %add3A_467 = arith.constant 1 : i32
      %add3A_468 = arith.addi %mul3A_466, %add3A_467 : i32
      %dma_start3A_469 = arith.constant 128 : i32
      %dma_start3A_470 = arith.constant 0 : i32
      %dma_start3A_471 = tpu.memref_slice %arg12[%dma_start3A_469, %dma_start3A_470] : memref<1024x32xf32, #tpu.memory_space<vmem>> -> memref<128x32xf32, #tpu.memory_space<vmem>>
      %dma_start3A_472 = arith.constant 0 : i32
      %dma_start3A_473 = tpu.memref_slice %arg11[%add3A_468, %dma_start3A_472] : memref<200x128xi32, #tpu.memory_space<vmem>> -> memref<1x128xi32, #tpu.memory_space<vmem>>
      %dma_start3A_474 = tpu.memref_squeeze %dma_start3A_473 : memref<1x128xi32, #tpu.memory_space<vmem>> -> memref<128xi32, #tpu.memory_space<vmem>>
      %dma_start3A_475 = arith.constant 0 : i32
      %dma_start3A_476 = arith.constant 0 : i32
      %dma_start3A_477 = tpu.memref_slice %arg2[%dma_start3A_475, %dma_start3A_476] : memref<100000x32xf32, #tpu.memory_space<hbm>> -> memref<100000x32xf32, #tpu.memory_space<hbm>>
      tpu.enqueue_indirect_dma source(%dma_start3A_477 : memref<100000x32xf32, #tpu.memory_space<hbm>>) target(%dma_start3A_471 : memref<128x32xf32, #tpu.memory_space<vmem>>) offsets(%dma_start3A_474 : memref<128xi32, #tpu.memory_space<vmem>>) semaphore(%arg15 : memref<!tpu.dma_semaphore, #tpu.memory_space<semaphore_mem>>)
      %mul3A_478 = arith.constant 8 : i32
      %mul3A_479 = arith.muli %add3A_451, %mul3A_478 : i32
      %add3A_480 = arith.constant 2 : i32
      %add3A_481 = arith.addi %mul3A_479, %add3A_480 : i32
      %dma_start3A_482 = arith.constant 256 : i32
      %dma_start3A_483 = arith.constant 0 : i32
      %dma_start3A_484 = tpu.memref_slice %arg12[%dma_start3A_482, %dma_start3A_483] : memref<1024x32xf32, #tpu.memory_space<vmem>> -> memref<128x32xf32, #tpu.memory_space<vmem>>
      %dma_start3A_485 = arith.constant 0 : i32
      %dma_start3A_486 = tpu.memref_slice %arg11[%add3A_481, %dma_start3A_485] : memref<200x128xi32, #tpu.memory_space<vmem>> -> memref<1x128xi32, #tpu.memory_space<vmem>>
      %dma_start3A_487 = tpu.memref_squeeze %dma_start3A_486 : memref<1x128xi32, #tpu.memory_space<vmem>> -> memref<128xi32, #tpu.memory_space<vmem>>
      %dma_start3A_488 = arith.constant 0 : i32
      %dma_start3A_489 = arith.constant 0 : i32
      %dma_start3A_490 = tpu.memref_slice %arg2[%dma_start3A_488, %dma_start3A_489] : memref<100000x32xf32, #tpu.memory_space<hbm>> -> memref<100000x32xf32, #tpu.memory_space<hbm>>
      tpu.enqueue_indirect_dma source(%dma_start3A_490 : memref<100000x32xf32, #tpu.memory_space<hbm>>) target(%dma_start3A_484 : memref<128x32xf32, #tpu.memory_space<vmem>>) offsets(%dma_start3A_487 : memref<128xi32, #tpu.memory_space<vmem>>) semaphore(%arg15 : memref<!tpu.dma_semaphore, #tpu.memory_space<semaphore_mem>>)
      %mul3A_491 = arith.constant 8 : i32
      %mul3A_492 = arith.muli %add3A_451, %mul3A_491 : i32
      %add3A_493 = arith.constant 3 : i32
      %add3A_494 = arith.addi %mul3A_492, %add3A_493 : i32
      %dma_start3A_495 = arith.constant 384 : i32
      %dma_start3A_496 = arith.constant 0 : i32
      %dma_start3A_497 = tpu.memref_slice %arg12[%dma_start3A_495, %dma_start3A_496] : memref<1024x32xf32, #tpu.memory_space<vmem>> -> memref<128x32xf32, #tpu.memory_space<vmem>>
      %dma_start3A_498 = arith.constant 0 : i32
      %dma_start3A_499 = tpu.memref_slice %arg11[%add3A_494, %dma_start3A_498] : memref<200x128xi32, #tpu.memory_space<vmem>> -> memref<1x128xi32, #tpu.memory_space<vmem>>
      %dma_start3A_500 = tpu.memref_squeeze %dma_start3A_499 : memref<1x128xi32, #tpu.memory_space<vmem>> -> memref<128xi32, #tpu.memory_space<vmem>>
      %dma_start3A_501 = arith.constant 0 : i32
      %dma_start3A_502 = arith.constant 0 : i32
      %dma_start3A_503 = tpu.memref_slice %arg2[%dma_start3A_501, %dma_start3A_502] : memref<100000x32xf32, #tpu.memory_space<hbm>> -> memref<100000x32xf32, #tpu.memory_space<hbm>>
      tpu.enqueue_indirect_dma source(%dma_start3A_503 : memref<100000x32xf32, #tpu.memory_space<hbm>>) target(%dma_start3A_497 : memref<128x32xf32, #tpu.memory_space<vmem>>) offsets(%dma_start3A_500 : memref<128xi32, #tpu.memory_space<vmem>>) semaphore(%arg15 : memref<!tpu.dma_semaphore, #tpu.memory_space<semaphore_mem>>)
      %mul3A_504 = arith.constant 8 : i32
      %mul3A_505 = arith.muli %add3A_451, %mul3A_504 : i32
      %add3A_506 = arith.constant 4 : i32
      %add3A_507 = arith.addi %mul3A_505, %add3A_506 : i32
      %dma_start3A_508 = arith.constant 512 : i32
      %dma_start3A_509 = arith.constant 0 : i32
      %dma_start3A_510 = tpu.memref_slice %arg12[%dma_start3A_508, %dma_start3A_509] : memref<1024x32xf32, #tpu.memory_space<vmem>> -> memref<128x32xf32, #tpu.memory_space<vmem>>
      %dma_start3A_511 = arith.constant 0 : i32
      %dma_start3A_512 = tpu.memref_slice %arg11[%add3A_507, %dma_start3A_511] : memref<200x128xi32, #tpu.memory_space<vmem>> -> memref<1x128xi32, #tpu.memory_space<vmem>>
      %dma_start3A_513 = tpu.memref_squeeze %dma_start3A_512 : memref<1x128xi32, #tpu.memory_space<vmem>> -> memref<128xi32, #tpu.memory_space<vmem>>
      %dma_start3A_514 = arith.constant 0 : i32
      %dma_start3A_515 = arith.constant 0 : i32
      %dma_start3A_516 = tpu.memref_slice %arg2[%dma_start3A_514, %dma_start3A_515] : memref<100000x32xf32, #tpu.memory_space<hbm>> -> memref<100000x32xf32, #tpu.memory_space<hbm>>
      tpu.enqueue_indirect_dma source(%dma_start3A_516 : memref<100000x32xf32, #tpu.memory_space<hbm>>) target(%dma_start3A_510 : memref<128x32xf32, #tpu.memory_space<vmem>>) offsets(%dma_start3A_513 : memref<128xi32, #tpu.memory_space<vmem>>) semaphore(%arg15 : memref<!tpu.dma_semaphore, #tpu.memory_space<semaphore_mem>>)
      %mul3A_517 = arith.constant 8 : i32
      %mul3A_518 = arith.muli %add3A_451, %mul3A_517 : i32
      %add3A_519 = arith.constant 5 : i32
      %add3A_520 = arith.addi %mul3A_518, %add3A_519 : i32
      %dma_start3A_521 = arith.constant 640 : i32
      %dma_start3A_522 = arith.constant 0 : i32
      %dma_start3A_523 = tpu.memref_slice %arg12[%dma_start3A_521, %dma_start3A_522] : memref<1024x32xf32, #tpu.memory_space<vmem>> -> memref<128x32xf32, #tpu.memory_space<vmem>>
      %dma_start3A_524 = arith.constant 0 : i32
      %dma_start3A_525 = tpu.memref_slice %arg11[%add3A_520, %dma_start3A_524] : memref<200x128xi32, #tpu.memory_space<vmem>> -> memref<1x128xi32, #tpu.memory_space<vmem>>
      %dma_start3A_526 = tpu.memref_squeeze %dma_start3A_525 : memref<1x128xi32, #tpu.memory_space<vmem>> -> memref<128xi32, #tpu.memory_space<vmem>>
      %dma_start3A_527 = arith.constant 0 : i32
      %dma_start3A_528 = arith.constant 0 : i32
      %dma_start3A_529 = tpu.memref_slice %arg2[%dma_start3A_527, %dma_start3A_528] : memref<100000x32xf32, #tpu.memory_space<hbm>> -> memref<100000x32xf32, #tpu.memory_space<hbm>>
      tpu.enqueue_indirect_dma source(%dma_start3A_529 : memref<100000x32xf32, #tpu.memory_space<hbm>>) target(%dma_start3A_523 : memref<128x32xf32, #tpu.memory_space<vmem>>) offsets(%dma_start3A_526 : memref<128xi32, #tpu.memory_space<vmem>>) semaphore(%arg15 : memref<!tpu.dma_semaphore, #tpu.memory_space<semaphore_mem>>)
      %mul3A_530 = arith.constant 8 : i32
      %mul3A_531 = arith.muli %add3A_451, %mul3A_530 : i32
      %add3A_532 = arith.constant 6 : i32
      %add3A_533 = arith.addi %mul3A_531, %add3A_532 : i32
      %dma_start3A_534 = arith.constant 768 : i32
      %dma_start3A_535 = arith.constant 0 : i32
      %dma_start3A_536 = tpu.memref_slice %arg12[%dma_start3A_534, %dma_start3A_535] : memref<1024x32xf32, #tpu.memory_space<vmem>> -> memref<128x32xf32, #tpu.memory_space<vmem>>
      %dma_start3A_537 = arith.constant 0 : i32
      %dma_start3A_538 = tpu.memref_slice %arg11[%add3A_533, %dma_start3A_537] : memref<200x128xi32, #tpu.memory_space<vmem>> -> memref<1x128xi32, #tpu.memory_space<vmem>>
      %dma_start3A_539 = tpu.memref_squeeze %dma_start3A_538 : memref<1x128xi32, #tpu.memory_space<vmem>> -> memref<128xi32, #tpu.memory_space<vmem>>
      %dma_start3A_540 = arith.constant 0 : i32
      %dma_start3A_541 = arith.constant 0 : i32
      %dma_start3A_542 = tpu.memref_slice %arg2[%dma_start3A_540, %dma_start3A_541] : memref<100000x32xf32, #tpu.memory_space<hbm>> -> memref<100000x32xf32, #tpu.memory_space<hbm>>
      tpu.enqueue_indirect_dma source(%dma_start3A_542 : memref<100000x32xf32, #tpu.memory_space<hbm>>) target(%dma_start3A_536 : memref<128x32xf32, #tpu.memory_space<vmem>>) offsets(%dma_start3A_539 : memref<128xi32, #tpu.memory_space<vmem>>) semaphore(%arg15 : memref<!tpu.dma_semaphore, #tpu.memory_space<semaphore_mem>>)
      %mul3A_543 = arith.constant 8 : i32
      %mul3A_544 = arith.muli %add3A_451, %mul3A_543 : i32
      %add3A_545 = arith.constant 7 : i32
      %add3A_546 = arith.addi %mul3A_544, %add3A_545 : i32
      %dma_start3A_547 = arith.constant 896 : i32
      %dma_start3A_548 = arith.constant 0 : i32
      %dma_start3A_549 = tpu.memref_slice %arg12[%dma_start3A_547, %dma_start3A_548] : memref<1024x32xf32, #tpu.memory_space<vmem>> -> memref<128x32xf32, #tpu.memory_space<vmem>>
      %dma_start3A_550 = arith.constant 0 : i32
      %dma_start3A_551 = tpu.memref_slice %arg11[%add3A_546, %dma_start3A_550] : memref<200x128xi32, #tpu.memory_space<vmem>> -> memref<1x128xi32, #tpu.memory_space<vmem>>
      %dma_start3A_552 = tpu.memref_squeeze %dma_start3A_551 : memref<1x128xi32, #tpu.memory_space<vmem>> -> memref<128xi32, #tpu.memory_space<vmem>>
      %dma_start3A_553 = arith.constant 0 : i32
      %dma_start3A_554 = arith.constant 0 : i32
      %dma_start3A_555 = tpu.memref_slice %arg2[%dma_start3A_553, %dma_start3A_554] : memref<100000x32xf32, #tpu.memory_space<hbm>> -> memref<100000x32xf32, #tpu.memory_space<hbm>>
      tpu.enqueue_indirect_dma source(%dma_start3A_555 : memref<100000x32xf32, #tpu.memory_space<hbm>>) target(%dma_start3A_549 : memref<128x32xf32, #tpu.memory_space<vmem>>) offsets(%dma_start3A_552 : memref<128xi32, #tpu.memory_space<vmem>>) semaphore(%arg15 : memref<!tpu.dma_semaphore, #tpu.memory_space<semaphore_mem>>)
      %mul3A_556 = arith.constant 25600 : i32
      %mul3A_557 = arith.muli %add3A, %mul3A_556 : i32
      %mul3A_558 = arith.constant 1024 : i32
      %mul3A_559 = arith.muli %add3A_369, %mul3A_558 : i32
      %add3A_560 = arith.addi %mul3A_557, %mul3A_559 : i32
      "tpu.region"() ({
        %run_scoped3A = tpu.sem_alloc : memref<!tpu.dma_semaphore, #tpu.memory_space<semaphore_mem>>
        %dma_start3A_561 = arith.constant 0 : i32
        %dma_start3A_562 = tpu.memref_slice %arg8[%add3A_560, %dma_start3A_561] : memref<819200x32xf32, #tpu.memory_space<hbm>> -> memref<1024x32xf32, #tpu.memory_space<hbm>>
        %dma_start3A_563 = arith.constant 0 : i32
        %dma_start3A_564 = tpu.memref_slice %arg8[%add3A_560, %dma_start3A_563] : memref<819200x32xf32, #tpu.memory_space<hbm>> -> memref<1024x32xf32, #tpu.memory_space<hbm>>
        tpu.enqueue_dma source(%arg13 : memref<1024x32xf32, #tpu.memory_space<vmem>>) target(%dma_start3A_564 : memref<1024x32xf32, #tpu.memory_space<hbm>>) target_semaphore(%run_scoped3A : memref<!tpu.dma_semaphore, #tpu.memory_space<semaphore_mem>>)
        %dma_wait3A_565 = arith.constant 0 : i32
        %dma_wait3A_566 = tpu.memref_slice %arg8[%add3A_560, %dma_wait3A_565] : memref<819200x32xf32, #tpu.memory_space<hbm>> -> memref<1024x32xf32, #tpu.memory_space<hbm>>
        %dma_wait3A_567 = arith.constant 0 : i32
        %dma_wait3A_568 = tpu.memref_slice %arg8[%add3A_560, %dma_wait3A_567] : memref<819200x32xf32, #tpu.memory_space<hbm>> -> memref<1024x32xf32, #tpu.memory_space<hbm>>
        tpu.wait_dma2 semaphore(%run_scoped3A : memref<!tpu.dma_semaphore, #tpu.memory_space<semaphore_mem>>) src(%arg13 : memref<1024x32xf32, #tpu.memory_space<vmem>>) dst(%dma_wait3A_568 : memref<1024x32xf32, #tpu.memory_space<hbm>>)
        tpu.yield
      }) : () -> ()
    }
    %scan3A_86 = arith.constant 12 : i32
    %dma_wait3A = arith.constant 0 : i32
    %dma_wait3A_87 = arith.constant 0 : i32
    %dma_wait3A_88 = arith.constant 0 : i32
    %dma_wait3A_89 = tpu.memref_slice %arg12[%dma_wait3A_87, %dma_wait3A_88] : memref<1024x32xf32, #tpu.memory_space<vmem>> -> memref<128x32xf32, #tpu.memory_space<vmem>>
    %dma_wait3A_90 = arith.constant 0 : i32
    %dma_wait3A_91 = tpu.memref_slice %arg11[%dma_wait3A, %dma_wait3A_90] : memref<200x128xi32, #tpu.memory_space<vmem>> -> memref<1x128xi32, #tpu.memory_space<vmem>>
    %dma_wait3A_92 = tpu.memref_squeeze %dma_wait3A_91 : memref<1x128xi32, #tpu.memory_space<vmem>> -> memref<128xi32, #tpu.memory_space<vmem>>
    %dma_wait3A_93 = arith.constant 0 : i32
    %dma_wait3A_94 = arith.constant 0 : i32
    %dma_wait3A_95 = tpu.memref_slice %arg2[%dma_wait3A_93, %dma_wait3A_94] : memref<100000x32xf32, #tpu.memory_space<hbm>> -> memref<100000x32xf32, #tpu.memory_space<hbm>>
    tpu.wait_indirect_dma semaphore(%arg15 : memref<!tpu.dma_semaphore, #tpu.memory_space<semaphore_mem>>) src(%dma_wait3A_95 : memref<100000x32xf32, #tpu.memory_space<hbm>>) dst(%dma_wait3A_89 : memref<128x32xf32, #tpu.memory_space<vmem>>)
    %dma_wait3A_96 = arith.constant 1 : i32
    %dma_wait3A_97 = arith.constant 128 : i32
    %dma_wait3A_98 = arith.constant 0 : i32
    %dma_wait3A_99 = tpu.memref_slice %arg12[%dma_wait3A_97, %dma_wait3A_98] : memref<1024x32xf32, #tpu.memory_space<vmem>> -> memref<128x32xf32, #tpu.memory_space<vmem>>
    %dma_wait3A_100 = arith.constant 0 : i32
    %dma_wait3A_101 = tpu.memref_slice %arg11[%dma_wait3A_96, %dma_wait3A_100] : memref<200x128xi32, #tpu.memory_space<vmem>> -> memref<1x128xi32, #tpu.memory_space<vmem>>
    %dma_wait3A_102 = tpu.memref_squeeze %dma_wait3A_101 : memref<1x128xi32, #tpu.memory_space<vmem>> -> memref<128xi32, #tpu.memory_space<vmem>>
    %dma_wait3A_103 = arith.constant 0 : i32
    %dma_wait3A_104 = arith.constant 0 : i32
    %dma_wait3A_105 = tpu.memref_slice %arg2[%dma_wait3A_103, %dma_wait3A_104] : memref<100000x32xf32, #tpu.memory_space<hbm>> -> memref<100000x32xf32, #tpu.memory_space<hbm>>
    tpu.wait_indirect_dma semaphore(%arg15 : memref<!tpu.dma_semaphore, #tpu.memory_space<semaphore_mem>>) src(%dma_wait3A_105 : memref<100000x32xf32, #tpu.memory_space<hbm>>) dst(%dma_wait3A_99 : memref<128x32xf32, #tpu.memory_space<vmem>>)
    %dma_wait3A_106 = arith.constant 2 : i32
    %dma_wait3A_107 = arith.constant 256 : i32
    %dma_wait3A_108 = arith.constant 0 : i32
    %dma_wait3A_109 = tpu.memref_slice %arg12[%dma_wait3A_107, %dma_wait3A_108] : memref<1024x32xf32, #tpu.memory_space<vmem>> -> memref<128x32xf32, #tpu.memory_space<vmem>>
    %dma_wait3A_110 = arith.constant 0 : i32
    %dma_wait3A_111 = tpu.memref_slice %arg11[%dma_wait3A_106, %dma_wait3A_110] : memref<200x128xi32, #tpu.memory_space<vmem>> -> memref<1x128xi32, #tpu.memory_space<vmem>>
    %dma_wait3A_112 = tpu.memref_squeeze %dma_wait3A_111 : memref<1x128xi32, #tpu.memory_space<vmem>> -> memref<128xi32, #tpu.memory_space<vmem>>
    %dma_wait3A_113 = arith.constant 0 : i32
    %dma_wait3A_114 = arith.constant 0 : i32
    %dma_wait3A_115 = tpu.memref_slice %arg2[%dma_wait3A_113, %dma_wait3A_114] : memref<100000x32xf32, #tpu.memory_space<hbm>> -> memref<100000x32xf32, #tpu.memory_space<hbm>>
    tpu.wait_indirect_dma semaphore(%arg15 : memref<!tpu.dma_semaphore, #tpu.memory_space<semaphore_mem>>) src(%dma_wait3A_115 : memref<100000x32xf32, #tpu.memory_space<hbm>>) dst(%dma_wait3A_109 : memref<128x32xf32, #tpu.memory_space<vmem>>)
    %dma_wait3A_116 = arith.constant 3 : i32
    %dma_wait3A_117 = arith.constant 384 : i32
    %dma_wait3A_118 = arith.constant 0 : i32
    %dma_wait3A_119 = tpu.memref_slice %arg12[%dma_wait3A_117, %dma_wait3A_118] : memref<1024x32xf32, #tpu.memory_space<vmem>> -> memref<128x32xf32, #tpu.memory_space<vmem>>
    %dma_wait3A_120 = arith.constant 0 : i32
    %dma_wait3A_121 = tpu.memref_slice %arg11[%dma_wait3A_116, %dma_wait3A_120] : memref<200x128xi32, #tpu.memory_space<vmem>> -> memref<1x128xi32, #tpu.memory_space<vmem>>
    %dma_wait3A_122 = tpu.memref_squeeze %dma_wait3A_121 : memref<1x128xi32, #tpu.memory_space<vmem>> -> memref<128xi32, #tpu.memory_space<vmem>>
    %dma_wait3A_123 = arith.constant 0 : i32
    %dma_wait3A_124 = arith.constant 0 : i32
    %dma_wait3A_125 = tpu.memref_slice %arg2[%dma_wait3A_123, %dma_wait3A_124] : memref<100000x32xf32, #tpu.memory_space<hbm>> -> memref<100000x32xf32, #tpu.memory_space<hbm>>
    tpu.wait_indirect_dma semaphore(%arg15 : memref<!tpu.dma_semaphore, #tpu.memory_space<semaphore_mem>>) src(%dma_wait3A_125 : memref<100000x32xf32, #tpu.memory_space<hbm>>) dst(%dma_wait3A_119 : memref<128x32xf32, #tpu.memory_space<vmem>>)
    %dma_wait3A_126 = arith.constant 4 : i32
    %dma_wait3A_127 = arith.constant 512 : i32
    %dma_wait3A_128 = arith.constant 0 : i32
    %dma_wait3A_129 = tpu.memref_slice %arg12[%dma_wait3A_127, %dma_wait3A_128] : memref<1024x32xf32, #tpu.memory_space<vmem>> -> memref<128x32xf32, #tpu.memory_space<vmem>>
    %dma_wait3A_130 = arith.constant 0 : i32
    %dma_wait3A_131 = tpu.memref_slice %arg11[%dma_wait3A_126, %dma_wait3A_130] : memref<200x128xi32, #tpu.memory_space<vmem>> -> memref<1x128xi32, #tpu.memory_space<vmem>>
    %dma_wait3A_132 = tpu.memref_squeeze %dma_wait3A_131 : memref<1x128xi32, #tpu.memory_space<vmem>> -> memref<128xi32, #tpu.memory_space<vmem>>
    %dma_wait3A_133 = arith.constant 0 : i32
    %dma_wait3A_134 = arith.constant 0 : i32
    %dma_wait3A_135 = tpu.memref_slice %arg2[%dma_wait3A_133, %dma_wait3A_134] : memref<100000x32xf32, #tpu.memory_space<hbm>> -> memref<100000x32xf32, #tpu.memory_space<hbm>>
    tpu.wait_indirect_dma semaphore(%arg15 : memref<!tpu.dma_semaphore, #tpu.memory_space<semaphore_mem>>) src(%dma_wait3A_135 : memref<100000x32xf32, #tpu.memory_space<hbm>>) dst(%dma_wait3A_129 : memref<128x32xf32, #tpu.memory_space<vmem>>)
    %dma_wait3A_136 = arith.constant 5 : i32
    %dma_wait3A_137 = arith.constant 640 : i32
    %dma_wait3A_138 = arith.constant 0 : i32
    %dma_wait3A_139 = tpu.memref_slice %arg12[%dma_wait3A_137, %dma_wait3A_138] : memref<1024x32xf32, #tpu.memory_space<vmem>> -> memref<128x32xf32, #tpu.memory_space<vmem>>
    %dma_wait3A_140 = arith.constant 0 : i32
    %dma_wait3A_141 = tpu.memref_slice %arg11[%dma_wait3A_136, %dma_wait3A_140] : memref<200x128xi32, #tpu.memory_space<vmem>> -> memref<1x128xi32, #tpu.memory_space<vmem>>
    %dma_wait3A_142 = tpu.memref_squeeze %dma_wait3A_141 : memref<1x128xi32, #tpu.memory_space<vmem>> -> memref<128xi32, #tpu.memory_space<vmem>>
    %dma_wait3A_143 = arith.constant 0 : i32
    %dma_wait3A_144 = arith.constant 0 : i32
    %dma_wait3A_145 = tpu.memref_slice %arg2[%dma_wait3A_143, %dma_wait3A_144] : memref<100000x32xf32, #tpu.memory_space<hbm>> -> memref<100000x32xf32, #tpu.memory_space<hbm>>
    tpu.wait_indirect_dma semaphore(%arg15 : memref<!tpu.dma_semaphore, #tpu.memory_space<semaphore_mem>>) src(%dma_wait3A_145 : memref<100000x32xf32, #tpu.memory_space<hbm>>) dst(%dma_wait3A_139 : memref<128x32xf32, #tpu.memory_space<vmem>>)
    %dma_wait3A_146 = arith.constant 6 : i32
    %dma_wait3A_147 = arith.constant 768 : i32
    %dma_wait3A_148 = arith.constant 0 : i32
    %dma_wait3A_149 = tpu.memref_slice %arg12[%dma_wait3A_147, %dma_wait3A_148] : memref<1024x32xf32, #tpu.memory_space<vmem>> -> memref<128x32xf32, #tpu.memory_space<vmem>>
    %dma_wait3A_150 = arith.constant 0 : i32
    %dma_wait3A_151 = tpu.memref_slice %arg11[%dma_wait3A_146, %dma_wait3A_150] : memref<200x128xi32, #tpu.memory_space<vmem>> -> memref<1x128xi32, #tpu.memory_space<vmem>>
    %dma_wait3A_152 = tpu.memref_squeeze %dma_wait3A_151 : memref<1x128xi32, #tpu.memory_space<vmem>> -> memref<128xi32, #tpu.memory_space<vmem>>
    %dma_wait3A_153 = arith.constant 0 : i32
    %dma_wait3A_154 = arith.constant 0 : i32
    %dma_wait3A_155 = tpu.memref_slice %arg2[%dma_wait3A_153, %dma_wait3A_154] : memref<100000x32xf32, #tpu.memory_space<hbm>> -> memref<100000x32xf32, #tpu.memory_space<hbm>>
    tpu.wait_indirect_dma semaphore(%arg15 : memref<!tpu.dma_semaphore, #tpu.memory_space<semaphore_mem>>) src(%dma_wait3A_155 : memref<100000x32xf32, #tpu.memory_space<hbm>>) dst(%dma_wait3A_149 : memref<128x32xf32, #tpu.memory_space<vmem>>)
    %dma_wait3A_156 = arith.constant 7 : i32
    %dma_wait3A_157 = arith.constant 896 : i32
    %dma_wait3A_158 = arith.constant 0 : i32
    %dma_wait3A_159 = tpu.memref_slice %arg12[%dma_wait3A_157, %dma_wait3A_158] : memref<1024x32xf32, #tpu.memory_space<vmem>> -> memref<128x32xf32, #tpu.memory_space<vmem>>
    %dma_wait3A_160 = arith.constant 0 : i32
    %dma_wait3A_161 = tpu.memref_slice %arg11[%dma_wait3A_156, %dma_wait3A_160] : memref<200x128xi32, #tpu.memory_space<vmem>> -> memref<1x128xi32, #tpu.memory_space<vmem>>
    %dma_wait3A_162 = tpu.memref_squeeze %dma_wait3A_161 : memref<1x128xi32, #tpu.memory_space<vmem>> -> memref<128xi32, #tpu.memory_space<vmem>>
    %dma_wait3A_163 = arith.constant 0 : i32
    %dma_wait3A_164 = arith.constant 0 : i32
    %dma_wait3A_165 = tpu.memref_slice %arg2[%dma_wait3A_163, %dma_wait3A_164] : memref<100000x32xf32, #tpu.memory_space<hbm>> -> memref<100000x32xf32, #tpu.memory_space<hbm>>
    tpu.wait_indirect_dma semaphore(%arg15 : memref<!tpu.dma_semaphore, #tpu.memory_space<semaphore_mem>>) src(%dma_wait3A_165 : memref<100000x32xf32, #tpu.memory_space<hbm>>) dst(%dma_wait3A_159 : memref<128x32xf32, #tpu.memory_space<vmem>>)
    %mul3A_166 = arith.constant 25600 : i32
    %mul3A_167 = arith.muli %add3A, %mul3A_166 : i32
    %add3A_168 = arith.constant 24576 : i32
    %add3A_169 = arith.addi %mul3A_167, %add3A_168 : i32
    "tpu.region"() ({
      %run_scoped3A = tpu.sem_alloc : memref<!tpu.dma_semaphore, #tpu.memory_space<semaphore_mem>>
      %dma_start3A_170 = arith.constant 0 : i32
      %dma_start3A_171 = tpu.memref_slice %arg8[%add3A_169, %dma_start3A_170] : memref<819200x32xf32, #tpu.memory_space<hbm>> -> memref<1024x32xf32, #tpu.memory_space<hbm>>
      %dma_start3A_172 = arith.constant 0 : i32
      %dma_start3A_173 = tpu.memref_slice %arg8[%add3A_169, %dma_start3A_172] : memref<819200x32xf32, #tpu.memory_space<hbm>> -> memref<1024x32xf32, #tpu.memory_space<hbm>>
      tpu.enqueue_dma source(%arg12 : memref<1024x32xf32, #tpu.memory_space<vmem>>) target(%dma_start3A_173 : memref<1024x32xf32, #tpu.memory_space<hbm>>) target_semaphore(%run_scoped3A : memref<!tpu.dma_semaphore, #tpu.memory_space<semaphore_mem>>)
      %dma_wait3A_174 = arith.constant 0 : i32
      %dma_wait3A_175 = tpu.memref_slice %arg8[%add3A_169, %dma_wait3A_174] : memref<819200x32xf32, #tpu.memory_space<hbm>> -> memref<1024x32xf32, #tpu.memory_space<hbm>>
      %dma_wait3A_176 = arith.constant 0 : i32
      %dma_wait3A_177 = tpu.memref_slice %arg8[%add3A_169, %dma_wait3A_176] : memref<819200x32xf32, #tpu.memory_space<hbm>> -> memref<1024x32xf32, #tpu.memory_space<hbm>>
      tpu.wait_dma2 semaphore(%run_scoped3A : memref<!tpu.dma_semaphore, #tpu.memory_space<semaphore_mem>>) src(%arg12 : memref<1024x32xf32, #tpu.memory_space<vmem>>) dst(%dma_wait3A_177 : memref<1024x32xf32, #tpu.memory_space<hbm>>)
      tpu.yield
    }) : () -> ()
    return
  }
}

module attributes {stable_mosaic.version = 14 : i64} {
  func.func @_tc_pool_kernel(%arg0: i32, %arg1: memref<256x1600xf32, #tpu.memory_space<vmem>>, %arg2: memref<256x50xi32, #tpu.memory_space<vmem>>, %arg3: memref<1600x50xf32, #tpu.memory_space<vmem>>, %arg4: memref<50x1600xf32, #tpu.memory_space<vmem>>, %arg5: memref<1600x32xf32, #tpu.memory_space<vmem>>, %arg6: memref<1x32xf32, #tpu.memory_space<vmem>>, %arg7: memref<1x256x32xf32, #tpu.memory_space<vmem>>) attributes {dimension_semantics = [#tpu.dimension_semantics<arbitrary>], iteration_bounds = array<i64: 64>, scalar_prefetch = 0 : i64, scratch_operands = 0 : i64, tpu.core_type = #tpu.core_type<tc>, window_params = [{transform_indices = @transform_0, window_bounds = array<i64: 256, 1600>}, {transform_indices = @transform_1, window_bounds = array<i64: 256, 50>}, {pipeline_mode = #tpu.pipeline_mode<synchronous>, transform_indices = @transform_2, window_bounds = array<i64: 1600, 50>}, {pipeline_mode = #tpu.pipeline_mode<synchronous>, transform_indices = @transform_3, window_bounds = array<i64: 50, 1600>}, {pipeline_mode = #tpu.pipeline_mode<synchronous>, transform_indices = @transform_4, window_bounds = array<i64: 1600, 32>}, {pipeline_mode = #tpu.pipeline_mode<synchronous>, transform_indices = @transform_5, window_bounds = array<i64: 1, 32>}, {transform_indices = @transform_6, window_bounds = array<i64: 1, 256, 32>}]} {
    %get3A = arith.constant 0 : index
    %get3A_0 = arith.constant 0 : index
    %get3A_1 = vector.load %arg6[%get3A, %get3A_0] : memref<1x32xf32, #tpu.memory_space<vmem>>, vector<1x32xf32>
    %reduce_sum3A = vector.shape_cast %get3A_1 : vector<1x32xf32> to vector<1x1x32xf32>
    %reduce_sum3A_2 = arith.constant dense<0.000000e+00> : vector<1xf32>
    %reduce_sum3A_3 = vector.multi_reduction <add>, %reduce_sum3A, %reduce_sum3A_2 [1, 2] : vector<1x1x32xf32> to vector<1xf32>
    %reduce_sum3A_4 = vector.shape_cast %reduce_sum3A_3 : vector<1xf32> to vector<1x1x1xf32>
    %reduce_sum3A_5 = vector.extract %reduce_sum3A_4[0, 0, 0] : f32 from vector<1x1x1xf32>
    %get3A_6 = arith.constant 0 : index
    %get3A_7 = arith.constant 0 : index
    %get3A_8 = vector.load %arg1[%get3A_6, %get3A_7] : memref<256x1600xf32, #tpu.memory_space<vmem>>, vector<256x1600xf32>
    %get3A_9 = arith.constant 0 : index
    %get3A_10 = arith.constant 0 : index
    %get3A_11 = vector.load %arg2[%get3A_9, %get3A_10] : memref<256x50xi32, #tpu.memory_space<vmem>>, vector<256x50xi32>
    %ne3A = arith.constant 0 : i32
    %ne3A_12 = vector.broadcast %ne3A : i32 to vector<256x50xi32>
    %ne3A_13 = arith.cmpi ne, %get3A_11, %ne3A_12 : vector<256x50xi32>
    %get3A_14 = arith.constant 0 : index
    %get3A_15 = arith.constant 0 : index
    %get3A_16 = vector.load %arg3[%get3A_14, %get3A_15] : memref<1600x50xf32, #tpu.memory_space<vmem>>, vector<1600x50xf32>
    %dot_general3A = arith.constant dense<0.000000e+00> : vector<256x50xf32>
    %dot_general3A_17 = tpu.matmul %get3A_8, %get3A_16, %dot_general3A {dimension_numbers = #tpu.dot_dimension_numbers<[1], [0], [0], [1], [0, 0, 1, 1], [], []>, transpose_lhs_hint = false} : vector<256x1600xf32>, vector<1600x50xf32>, vector<256x50xf32> -> vector<256x50xf32>
    %add3A = vector.broadcast %reduce_sum3A_5 : f32 to vector<256x50xf32>
    %add3A_18 = arith.addf %dot_general3A_17, %add3A : vector<256x50xf32>
    %jit3A = arith.constant -1.000000e+09 : f32
    %broadcast_in_dim3A = vector.broadcast %jit3A : f32 to vector<256x50xf32>
    %select_n3A = arith.select %ne3A_13, %add3A_18, %broadcast_in_dim3A : vector<256x50xi1>, vector<256x50xf32>
    %reduce_max3A = arith.constant dense<0xFF800000> : vector<256xf32>
    %reduce_max3A_19 = vector.multi_reduction <maximumf>, %select_n3A, %reduce_max3A [1] : vector<256x50xf32> to vector<256xf32>
    %broadcast_in_dim3A_20 = vector.shape_cast %reduce_max3A_19 : vector<256xf32> to vector<256x1xf32>
    %sub3A = vector.broadcast %broadcast_in_dim3A_20 : vector<256x1xf32> to vector<256x50xf32>
    %sub3A_21 = arith.subf %select_n3A, %sub3A : vector<256x50xf32>
    %exp3A = math.exp %sub3A_21 : vector<256x50xf32>
    %reduce_sum3A_22 = arith.constant dense<0.000000e+00> : vector<256xf32>
    %reduce_sum3A_23 = vector.multi_reduction <add>, %exp3A, %reduce_sum3A_22 [1] : vector<256x50xf32> to vector<256xf32>
    %broadcast_in_dim3A_24 = vector.shape_cast %reduce_sum3A_23 : vector<256xf32> to vector<256x1xf32>
    %div3A = vector.broadcast %broadcast_in_dim3A_24 : vector<256x1xf32> to vector<256x50xf32>
    %div3A_25 = arith.divf %exp3A, %div3A : vector<256x50xf32>
    %get3A_26 = arith.constant 0 : index
    %get3A_27 = arith.constant 0 : index
    %get3A_28 = vector.load %arg4[%get3A_26, %get3A_27] : memref<50x1600xf32, #tpu.memory_space<vmem>>, vector<50x1600xf32>
    %dot_general3A_29 = arith.constant dense<0.000000e+00> : vector<256x1600xf32>
    %dot_general3A_30 = tpu.matmul %div3A_25, %get3A_28, %dot_general3A_29 {dimension_numbers = #tpu.dot_dimension_numbers<[1], [0], [0], [1], [0, 0, 1, 1], [], []>, transpose_lhs_hint = false} : vector<256x50xf32>, vector<50x1600xf32>, vector<256x1600xf32> -> vector<256x1600xf32>
    %mul3A = arith.mulf %dot_general3A_30, %get3A_8 : vector<256x1600xf32>
    %get3A_31 = arith.constant 0 : index
    %get3A_32 = arith.constant 0 : index
    %get3A_33 = vector.load %arg5[%get3A_31, %get3A_32] : memref<1600x32xf32, #tpu.memory_space<vmem>>, vector<1600x32xf32>
    %dot_general3A_34 = arith.constant dense<0.000000e+00> : vector<256x32xf32>
    %dot_general3A_35 = tpu.matmul %mul3A, %get3A_33, %dot_general3A_34 {dimension_numbers = #tpu.dot_dimension_numbers<[1], [0], [0], [1], [0, 0, 1, 1], [], []>, transpose_lhs_hint = false} : vector<256x1600xf32>, vector<1600x32xf32>, vector<256x32xf32> -> vector<256x32xf32>
    %swap3A = arith.constant 0 : index
    %swap3A_36 = arith.constant 0 : index
    %swap3A_37 = arith.constant 0 : index
    %swap3A_38 = vector.load %arg7[%swap3A, %swap3A_36, %swap3A_37] : memref<1x256x32xf32, #tpu.memory_space<vmem>>, vector<1x256x32xf32>
    %swap3A_39 = vector.shape_cast %swap3A_38 : vector<1x256x32xf32> to vector<256x32xf32>
    %swap3A_40 = vector.shape_cast %dot_general3A_35 : vector<256x32xf32> to vector<1x256x32xf32>
    tpu.vector_store %arg7[%swap3A, %swap3A_36, %swap3A_37], %swap3A_40 {strides = array<i32>} : memref<1x256x32xf32, #tpu.memory_space<vmem>>, vector<1x256x32xf32>,
    return
  }
  func.func @transform_0(%arg0: i32) -> (i32, i32) {
    %c0_i32 = arith.constant 0 : i32
    %c0_i32_0 = arith.constant 0 : i32
    return %arg0, %c0_i32 : i32, i32
  }
  func.func @transform_1(%arg0: i32) -> (i32, i32) {
    %c0_i32 = arith.constant 0 : i32
    %c0_i32_0 = arith.constant 0 : i32
    return %arg0, %c0_i32 : i32, i32
  }
  func.func @transform_2(%arg0: i32) -> (i32, i32) {
    %c0_i32 = arith.constant 0 : i32
    %c0_i32_0 = arith.constant 0 : i32
    %c0_i32_1 = arith.constant 0 : i32
    return %c0_i32, %c0_i32_0 : i32, i32
  }
  func.func @transform_3(%arg0: i32) -> (i32, i32) {
    %c0_i32 = arith.constant 0 : i32
    %c0_i32_0 = arith.constant 0 : i32
    %c0_i32_1 = arith.constant 0 : i32
    return %c0_i32, %c0_i32_0 : i32, i32
  }
  func.func @transform_4(%arg0: i32) -> (i32, i32) {
    %c0_i32 = arith.constant 0 : i32
    %c0_i32_0 = arith.constant 0 : i32
    %c0_i32_1 = arith.constant 0 : i32
    return %c0_i32, %c0_i32_0 : i32, i32
  }
  func.func @transform_5(%arg0: i32) -> (i32, i32) {
    %c0_i32 = arith.constant 0 : i32
    %c0_i32_0 = arith.constant 0 : i32
    %c0_i32_1 = arith.constant 0 : i32
    return %c0_i32, %c0_i32_0 : i32, i32
  }
  func.func @transform_6(%arg0: i32) -> (i32, i32, i32) {
    %c0_i32 = arith.constant 0 : i32
    %c0_i32_0 = arith.constant 0 : i32
    %c0_i32_1 = arith.constant 0 : i32
    return %arg0, %c0_i32, %c0_i32_0 : i32, i32, i32
  }
}

module attributes {stable_mosaic.version = 14 : i64} {
  func.func @_tc_combine_kernel(%arg0: i32, %arg1: memref<1x256x32xf32, #tpu.memory_space<vmem>>, %arg2: memref<1x256x32xf32, #tpu.memory_space<vmem>>, %arg3: memref<1x256x1xf32, #tpu.memory_space<vmem>>, %arg4: memref<1x256x1xf32, #tpu.memory_space<vmem>>, %arg5: memref<1x1xf32, #tpu.memory_space<vmem>>, %arg6: memref<1x256x1xf32, #tpu.memory_space<vmem>>) attributes {dimension_semantics = [#tpu.dimension_semantics<arbitrary>], iteration_bounds = array<i64: 64>, scalar_prefetch = 0 : i64, scratch_operands = 0 : i64, tpu.core_type = #tpu.core_type<tc>, window_params = [{transform_indices = @transform_0, window_bounds = array<i64: 1, 256, 32>}, {transform_indices = @transform_1, window_bounds = array<i64: 1, 256, 32>}, {transform_indices = @transform_2, window_bounds = array<i64: 1, 256, 1>}, {transform_indices = @transform_3, window_bounds = array<i64: 1, 256, 1>}, {pipeline_mode = #tpu.pipeline_mode<synchronous>, transform_indices = @transform_4, window_bounds = array<i64: 1, 1>}, {transform_indices = @transform_5, window_bounds = array<i64: 1, 256, 1>}]} {
    %get3A = arith.constant 0 : index
    %get3A_0 = arith.constant 0 : index
    %get3A_1 = arith.constant 0 : index
    %get3A_2 = vector.load %arg1[%get3A, %get3A_0, %get3A_1] : memref<1x256x32xf32, #tpu.memory_space<vmem>>, vector<1x256x32xf32>
    %get3A_3 = vector.shape_cast %get3A_2 : vector<1x256x32xf32> to vector<256x32xf32>
    %get3A_4 = arith.constant 0 : index
    %get3A_5 = arith.constant 0 : index
    %get3A_6 = arith.constant 0 : index
    %get3A_7 = vector.load %arg2[%get3A_4, %get3A_5, %get3A_6] : memref<1x256x32xf32, #tpu.memory_space<vmem>>, vector<1x256x32xf32>
    %get3A_8 = vector.shape_cast %get3A_7 : vector<1x256x32xf32> to vector<256x32xf32>
    %mul3A = arith.mulf %get3A_3, %get3A_8 : vector<256x32xf32>
    %reduce_sum3A = arith.constant dense<0.000000e+00> : vector<256xf32>
    %reduce_sum3A_9 = vector.multi_reduction <add>, %mul3A, %reduce_sum3A [1] : vector<256x32xf32> to vector<256xf32>
    %broadcast_in_dim3A = vector.shape_cast %reduce_sum3A_9 : vector<256xf32> to vector<256x1xf32>
    %get3A_10 = arith.constant 0 : index
    %get3A_11 = arith.constant 0 : index
    %get3A_12 = arith.constant 0 : index
    %get3A_13 = vector.load %arg3[%get3A_10, %get3A_11, %get3A_12] : memref<1x256x1xf32, #tpu.memory_space<vmem>>, vector<1x256x1xf32>
    %get3A_14 = vector.shape_cast %get3A_13 : vector<1x256x1xf32> to vector<256x1xf32>
    %add3A = arith.addf %broadcast_in_dim3A, %get3A_14 : vector<256x1xf32>
    %get3A_15 = arith.constant 0 : index
    %get3A_16 = arith.constant 0 : index
    %get3A_17 = arith.constant 0 : index
    %get3A_18 = vector.load %arg4[%get3A_15, %get3A_16, %get3A_17] : memref<1x256x1xf32, #tpu.memory_space<vmem>>, vector<1x256x1xf32>
    %get3A_19 = vector.shape_cast %get3A_18 : vector<1x256x1xf32> to vector<256x1xf32>
    %add3A_20 = arith.addf %add3A, %get3A_19 : vector<256x1xf32>
    %get3A_21 = arith.constant 0 : index
    %get3A_22 = arith.constant 0 : index
    %get3A_23 = vector.load %arg5[%get3A_21, %get3A_22] : memref<1x1xf32, #tpu.memory_space<vmem>>, vector<1x1xf32>
    %get3A_24 = vector.extract %get3A_23[0, 0] : f32 from vector<1x1xf32>
    %add3A_25 = vector.broadcast %get3A_24 : f32 to vector<256x1xf32>
    %add3A_26 = arith.addf %add3A_20, %add3A_25 : vector<256x1xf32>
    %swap3A = arith.constant 0 : index
    %swap3A_27 = arith.constant 0 : index
    %swap3A_28 = arith.constant 0 : index
    %swap3A_29 = vector.load %arg6[%swap3A, %swap3A_27, %swap3A_28] : memref<1x256x1xf32, #tpu.memory_space<vmem>>, vector<1x256x1xf32>
    %swap3A_30 = vector.shape_cast %swap3A_29 : vector<1x256x1xf32> to vector<256x1xf32>
    %swap3A_31 = vector.shape_cast %add3A_26 : vector<256x1xf32> to vector<1x256x1xf32>
    tpu.vector_store %arg6[%swap3A, %swap3A_27, %swap3A_28], %swap3A_31 {strides = array<i32>} : memref<1x256x1xf32, #tpu.memory_space<vmem>>, vector<1x256x1xf32>,
    return
  }
  func.func @transform_0(%arg0: i32) -> (i32, i32, i32) {
    %c0_i32 = arith.constant 0 : i32
    %c0_i32_0 = arith.constant 0 : i32
    %c0_i32_1 = arith.constant 0 : i32
    return %arg0, %c0_i32, %c0_i32_0 : i32, i32, i32
  }
  func.func @transform_1(%arg0: i32) -> (i32, i32, i32) {
    %c0_i32 = arith.constant 0 : i32
    %c0_i32_0 = arith.constant 0 : i32
    %c0_i32_1 = arith.constant 0 : i32
    return %arg0, %c0_i32, %c0_i32_0 : i32, i32, i32
  }
  func.func @transform_2(%arg0: i32) -> (i32, i32, i32) {
    %c0_i32 = arith.constant 0 : i32
    %c0_i32_0 = arith.constant 0 : i32
    %c0_i32_1 = arith.constant 0 : i32
    return %arg0, %c0_i32, %c0_i32_0 : i32, i32, i32
  }
  func.func @transform_3(%arg0: i32) -> (i32, i32, i32) {
    %c0_i32 = arith.constant 0 : i32
    %c0_i32_0 = arith.constant 0 : i32
    %c0_i32_1 = arith.constant 0 : i32
    return %arg0, %c0_i32, %c0_i32_0 : i32, i32, i32
  }
  func.func @transform_4(%arg0: i32) -> (i32, i32) {
    %c0_i32 = arith.constant 0 : i32
    %c0_i32_0 = arith.constant 0 : i32
    %c0_i32_1 = arith.constant 0 : i32
    return %c0_i32, %c0_i32_0 : i32, i32
  }
  func.func @transform_5(%arg0: i32) -> (i32, i32, i32) {
    %c0_i32 = arith.constant 0 : i32
    %c0_i32_0 = arith.constant 0 : i32
    %c0_i32_1 = arith.constant 0 : i32
    return %arg0, %c0_i32, %c0_i32_0 : i32, i32, i32
  }
}

</mosaic_0001>

<sc_bundles>
// kernel: sc_gather_table.3.cloned.1.call-start
scs
__scs_entry_jumppad:
0x0: {  	(pc) =	sbr.rel $0x88, $3  }
0x1: {  	(tag) =	ssettag $0x0;
	lr =	simm.s32 $0x1  }
0x2: {  	[smem:$0x3F97] =	sst lr;
	_ =	strace $0xD0000000  }
0x3: {  	_ = 	snop  }
0x4: {  	_ = 	snop  }
0x5: {  	_ = 	snop  }
0x6: {  	_ = 	snop  }
0x7: {  	_ = 	snop  }
__scs_overlays_trampoline_lowered:
0x8: {  	[smem:$0x3FA6] =	sst s0  }
0x9: {  	[smem:$0x3FA7] =	sst s1  }
0xa: {  	[smem:$0x3FA8] =	sst s2  }
0xb: {  	[smem:$0x3FA9] =	sst s3  }
0xc: {  	[smem:$0x3FAA] =	sst s4  }
0xd: {  	[smem:$0x3FAB] =	sst s5  }
0xe: {  	[smem:$0x3FAC] =	sst s6  }
0xf: {  	[smem:$0x3FAD] =	sst s7  }
0x10: {  	[smem:$0x3FAE] =	sst s8  }
0x11: {  	[smem:$0x3FAF] =	sst s9;
	s0 =	simm.s32 @!p0 $0x0  }
0x12: {  	s1 =	sld [smem:$0x3F95];
	s0 =	simm.s32 @p0 $0x1  }
0x13: {  	[smem:$0x3FB0] =	sst s0;
	s0 =	simm.s32 @!p1 $0x0  }
0x14: {  	s2 =	sld [smem:$0x3F94];
	s0 =	simm.s32 @p1 $0x1  }
0x15: {  	[smem:$0x3FB1] =	sst s0;
	s0 =	simm.s32 @!p2 $0x0  }
0x16: {  	s3 =	sld [smem:$0x3FDB];
	s0 =	simm.s32 @p2 $0x1  }
0x17: {  	s4 =	simm.s32 $0x1BF5;
	[smem:$0x3FB3] =	sst s0  }
0x18: {  	s0 =	sld [smem:$0x3F96];
	_ =	swait.ge [sflag:s4], $0x0  }
0x19: {  	s7 =	sld [smem:$0x3F97]  }
0x1a: {  	s8 =	sadd.s32 $0xFFFFE003, lr  }
0x1b: {  	s9 =	sadd.s32 $0xFFFFFEF7, lr;
	s5 =	simm.s32 $0xFFFFFFFF;
	p2 =	slt.u32 s8, $0xFFFFF086  }
0x1c: {  	p1 =	slt.u32 s9, $0xF7A;
	s5 =	simm.s32 @!p2 $0x0  }
0x1d: {  	s5 =	simm.s32 @p1 $0x1;
	p0 =	seq.s32 s7, s2  }
0x1e: {  	s7 =	smul.u32 @!p0 $0xF7A, s2;
	p2 =	seq.s32 @!p0 s5, $0x0  }
0x1f: {  	s9 =	smul.u32 $0xF7A, s1;
	s8 =	simm.s32 @!p0 $0x1BF5;
	p2 =	por !p2, p0  }
0x20: {  	[sflag:s8] =	ssyncset.s32 @!p0 $0xFFFFF086;
	s6 =	sadd.s32 @!p0 s3, s7;
	s7 =	simm.s32 @!p0 $0x108  }
0x21: {  	s3 =	sadd.s32 s3, s9;
	s6 =	sadd.s32 @!p0 $0x88, s6;
	s7 =	simm.s32 @p2 $0x1082  }
0x22: {  	[simem:s7], [sflag:s8] =	dma.local @!p0 [hbm:s6], $0xF7A  }
0x23: {  	s9 =	sor.u32 $0xD0000000, s2;
	s6 =	simm.s32 $0x108;
	_ =	swait.ge @!p0 [sflag:s8], $0x0  }
0x24: {  	s3 =	sadd.s32 $0x88, s3;
	s6 =	simm.s32 @!p1 $0x1082;
	[sflag:s4] =	ssyncset.s32 $0xFFFFF086  }
0x25: {  	[simem:s6], [sflag:s4] =	dma.local [hbm:s3], $0xF7A  }
0x26: {  	[smem:$0x3F97] =	sst s1;
	(tag) =	ssettag s2;
	_ =	strace s9  }
0x27: {  	s1 =	sld [smem:$0x3FA7]  }
0x28: {  	s2 =	sld [smem:$0x3FA8]  }
0x29: {  	s4 =	sld [smem:$0x3FAA]  }
0x2a: {  	p0 =	seq.s32 s5, $0x0;
	s5 =	sld [smem:$0x3FAB]  }
0x2b: {  	s6 =	sld [smem:$0x3FAC]  }
0x2c: {  	s7 =	sld [smem:$0x3FAD]  }
0x2d: {  	s3 =	simm.s32 $0x108;
	s8 =	sld [smem:$0x3FAE]  }
0x2e: {  	s3 =	simm.s32 @!p0 $0x1082;
	s9 =	sld [smem:$0x3FAF]  }
0x2f: {  	lr =	sadd.s32 s0, s3;
	s0 =	sld [smem:$0x3FA6]  }
0x30: {  	s3 =	sld [smem:$0x3FA9]  }
0x31: {  	[smem:$0x3FB2] =	sst s10  }
0x32: {  	s10 =	sld [smem:$0x3FB0];
	_ =	sdelay $0x3  }
0x33: {  	p0 =	seq.s32 s10, $0x1;
	s10 =	sld [smem:$0x3FB2];
	_ =	sdelay $0x3  }
0x34: {  	[smem:$0x3FB2] =	sst s10  }
0x35: {  	s10 =	sld [smem:$0x3FB1];
	_ =	sdelay $0x3  }
0x36: {  	p1 =	seq.s32 s10, $0x1;
	s10 =	sld [smem:$0x3FB2];
	_ =	sdelay $0x3  }
0x37: {  	[smem:$0x3FB2] =	sst s10  }
0x38: {  	s10 =	sld [smem:$0x3FB3]  }
0x39: {  	_ = 	snop;
	(pc) =	sbr.ind lr, $3  }
0x3a: {  	_ = 	snop  }
0x3b: {  	_ = 	snop  }
0x3c: {  	p2 =	seq.s32 s10, $0x1;
	s10 =	sld [smem:$0x3FB2]  }
0x3d: {  	_ =	shalt  }
0x3e: {  	_ =	shalt  }
0x3f: {  	_ =	shalt  }
0x40: {  	_ =	shalt  }
0x41: {  	_ =	shalt  }
0x42: {  	_ =	shalt  }
0x43: {  	_ =	shalt  }
0x44: {  	_ =	shalt  }
0x45: {  	_ =	shalt  }
0x46: {  	_ =	shalt  }
0x47: {  	_ =	shalt  }
0x48: {  	_ =	shalt  }
0x49: {  	_ =	shalt  }
0x4a: {  	_ =	shalt  }
0x4b: {  	_ =	shalt  }
0x4c: {  	_ =	shalt  }
0x4d: {  	_ =	shalt  }
0x4e: {  	_ =	shalt  }
0x4f: {  	_ =	shalt  }
0x50: {  	_ =	shalt  }
0x51: {  	_ =	shalt  }
0x52: {  	_ =	shalt  }
0x53: {  	_ =	shalt  }
0x54: {  	_ =	shalt  }
0x55: {  	_ =	shalt  }
0x56: {  	_ =	shalt  }
0x57: {  	_ =	shalt  }
0x58: {  	_ =	shalt  }
0x59: {  	_ =	shalt  }
0x5a: {  	_ =	shalt  }
0x5b: {  	_ =	shalt  }
0x5c: {  	_ =	shalt  }
0x5d: {  	_ =	shalt  }
0x5e: {  	_ =	shalt  }
0x5f: {  	_ =	shalt  }
0x60: {  	_ =	shalt  }
0x61: {  	_ =	shalt  }
0x62: {  	_ =	shalt  }
0x63: {  	_ =	shalt  }
0x64: {  	_ =	shalt  }
0x65: {  	_ =	shalt  }
0x66: {  	_ =	shalt  }
0x67: {  	_ =	shalt  }
0x68: {  	_ =	shalt  }
0x69: {  	_ =	shalt  }
0x6a: {  	_ =	shalt  }
0x6b: {  	_ =	shalt  }
0x6c: {  	_ =	shalt  }
0x6d: {  	_ =	shalt  }
0x6e: {  	_ =	shalt  }
0x6f: {  	_ =	shalt  }
0x70: {  	_ =	shalt  }
0x71: {  	_ =	shalt  }
0x72: {  	_ =	shalt  }
0x73: {  	_ =	shalt  }
0x74: {  	_ =	shalt  }
0x75: {  	_ =	shalt  }
0x76: {  	_ =	shalt  }
0x77: {  	_ =	shalt  }
0x78: {  	_ =	shalt  }
0x79: {  	_ =	shalt  }
0x7a: {  	_ =	shalt  }
0x7b: {  	_ =	shalt  }
0x7c: {  	_ =	shalt  }
0x7d: {  	_ =	shalt  }
0x7e: {  	_ =	shalt  }
0x7f: {  	_ =	shalt  }
0x80: {  	_ =	shalt  }
0x81: {  	_ =	shalt  }
0x82: {  	_ =	shalt  }
0x83: {  	_ =	shalt  }
0x84: {  	_ =	shalt  }
0x85: {  	_ =	shalt  }
0x86: {  	_ =	shalt  }
0x87: {  	_ =	shalt  }
.Lfunc_end0:
.L_simem_size_0:
called_computation.1_lowered:
.L_overlay_start_0:
0x88: {  	s2 =	sld [smem:$0x3FD9]  }
0x89: {  	s3 =	sld [smem:$0x3FFE];
	_ =	sdelay $0x1  }
0x8a: {  	s1 =	srdreg.scid  }
0x8b: {  	s0 =	sand.u32 $0x1, s1  }
0x8c: {  	s17 =	sshll.u32 s0, $0xA;
	s2 =	sadd.s32 s3, s2  }
0x8d: {  	s2 =	sadd.s32 s2, s17  }
0x8e: {  	[smem:$0x3FBE] =	sst s2  }
0x8f: {  	_ = 	snop  }
0x90: {  	(tm) =	ssettm $0x1  }
0x91: {  	s18 =	sld [smem:$0x3FFB];
	_ =	sdelay $0x3  }
0x92: {  	_ =	strace s18  }
0x93: {  	s2 =	sld [smem:$0x3FFC];
	_ =	sdelay $0x3  }
0x94: {  	_ =	strace s2  }
0x95: {  	s2 =	sld [smem:$0x3FFD];
	_ =	sdelay $0x3  }
0x96: {  	_ =	strace s2  }
0x97: {  	_ =	strace $0x8FFFFFFF  }
0x98: {  	s19 =	sld [smem:$0x3FDB];
	_ =	sdelay $0x1  }
0x99: {  	s20 =	simm.s32 $_scs_section_size  }
0x9a: {  	s4 =	simm.s32 $_size__tile_overlayer_lowered;
	s5 =	simm.s32 $_tile_overlayer_lowered  }
0x9b: {  	s6 =	simm.s32 $0x1BFF;
	s21 =	sshll.u32 s5, $0x1;
	s3 =	sadd.s32 s20, s19  }
0x9c: {  	s22 =	simm.s32 $0x0;
	s4 =	sshll.u32 s4, $0x1;
	s5 =	sadd.s32 s21, s3  }
0x9d: {  	[timem:s22], [sflag:s6] =	dma.local [hbm:s5], s4  }
0x9e: {  	_ =	swait.ge [sflag:s6], s4  }
0x9f: {  	s4 =	ssub.s32 $0x0, s4;
	[sflag:s6] =	ssyncset.done $0x0  }
0xa0: {  	[sflag:s6] =	ssyncadd.s32 s4;
	_ =	sdelay $0x1  }
0xa1: {  	s23 =	simm.s32 $0x1B8B  }
0xa2: {  	_ =	swait.ge [sflag:s23], $0x1  }
0xa3: {  	[sflag:s23] =	ssyncset.done $0x0  }
0xa4: {  	[sflag:s23] =	ssyncadd.s32 $0xFFFFFFFF  }
0xa5: {  	s4 =	sld [smem:$0x0]  }
0xa6: {  	s5 =	sand.u32 $0xFFFFFFFE, s1  }
0xa7: {  	p0 =	sne.s32 s1, s5  }
0xa8: {  	s5 =	sshll.u32 @p0 s5, $0xE  }
0xa9: {  	s5 =	sadd.s32 @p0 $0x11B8D, s5;
	s6 =	sshll.u32 @p0 s4, $0x11  }
0xaa: {  	s5 =	sor.u32 @p0 s6, s5  }
0xab: {  	[sflag:s5] =	ssyncadd.remote.s32 @p0 $0x1;
	_ =	sdelay $0x1  }
0xac: {  	s5 =	simm.s32 @p0 $0x1B8D  }
0xad: {  	_ =	swait.eq @p0 [sflag:s5], $0x1  }
0xae: {  	[sflag:s5] =	ssyncadd.s32 @p0 $0xFFFFFFFF  }
0xaf: {  	s6 =	sshll.u32 @!p0 s1, $0xE  }
0xb0: {  	s6 =	sor.u32 @!p0 $0x4000, s6;
	s5 =	simm.s32 @!p0 $0x1B8D  }
0xb1: {  	s4 =	sshll.u32 @!p0 s4, $0x11;
	s6 =	sadd.s32 @!p0 $0x11B8D, s6;
	_ =	swait.eq @!p0 [sflag:s5], $0x1  }
0xb2: {  	s4 =	sor.u32 @!p0 s4, s6;
	[sflag:s5] =	ssyncadd.s32 @!p0 $0xFFFFFFFF  }
0xb3: {  	s25 =	simm.s32 $0x1B8E;
	s24 =	sld [smem:$0x3FFE];
	[sflag:s4] =	ssyncadd.remote.s32 @!p0 $0x1  }
0xb4: {  	s26 =	simm.s32 $execute0_lowered;
	[smem:$0x3FD2] =	sst s25  }
0xb5: {  	s5 =	sshll.u32 s26, $0x1;
	_ =	strace $0x80000049;
	[dreg:$0x1] =	wrdreg $0xFFFFFFFF  }
0xb6: {  	s28 =	simm.s32 $_size_execute0_lowered;
	s3 =	sadd.s32 s3, s5;
	[dreg:$0x0] =	wrdreg $0x0  }
0xb7: {  	s5 =	sshll.u32 s28, $0x1;
	[dreg:$0x2] =	wrdreg s3  }
0xb8: {  	[dreg:$0x3] =	wrdreg s5  }
0xb9: {  	[dreg:$0x4] =	wrdreg $0xC0  }
0xba: {  	_ =	task [dreg:s22], $0x5FFFF  }
0xbb: {  	[dreg:$0x1] =	wrdreg $0xFFFFFFFF  }
0xbc: {  	[dreg:$0x0] =	wrdreg $0x60  }
0xbd: {  	[dreg:$0x2] =	wrdreg s24  }
0xbe: {  	[dreg:$0x3] =	wrdreg $0xA  }
0xbf: {  	_ =	task.clear_ibuf [dreg:s22], $0x4FFFF;
	_ =	strace $0x90000049  }
0xc0: {  	s29 =	simm.s32 $0xA;
	_ =	strace $0x8000004B  }
0xc1: {  	_ =	swait.ge [sflag:s29], $0x1  }
0xc2: {  	[sflag:s29] =	ssyncadd.s32 $0xFFFFFFFF  }
0xc3: {  	_ =	strace $0x9000004B  }
0xc4: {  	_ =	sfence  }
0xc5: {  	s30 =	sld [smem:$0x0];
	_ =	sdelay $0x2  }
0xc6: {  	s31 =	sshll.u32 s1, $0xD;
	s1 =	sshrl.u32 s1, $0x2  }
0xc7: {  	s4 =	sand.u32 $0x4000, s31;
	s1 =	sadd.s32 s1, s30  }
0xc8: {  	s0 =	sor.u32 s4, s0;
	s1 =	sshll.u32 s1, $0x11  }
0xc9: {  	s0 =	sor.u32 s1, s0  }
0xca: {  	s0 =	sadd.s32 $0x8F2B, s0  }
0xcb: {  	[sflag:s0] =	ssyncadd.remote.s32 $0x1  }
0xcc: {  	_ =	sfence.sel $0xFFFF  }
0xcd: {  	[dreg:$0x0] =	wrdreg $0xFFFFFFFF;
	(pc) =	sbr.abs _section_cstart, $3  }
0xce: {  	[dreg:$0x1] =	wrdreg $0xFFFFFFFF  }
0xcf: {  	_ =	task.clear_ibuf [dreg:s22], $0x2FFFF;
	_ =	strace $0x9FFFFFFF  }
0xd0: {  	(tm) =	ssettm $0x7FFFFFFF  }
0xd1: {  	_ =	shalt  }
tec
execute0_lowered:
.L_overlay_start_1:
0x0: {  	(tag) =	ssettag $0x1  }
0x1: {  	s4 =	rddreg [dreg:$0x0];
	s3 =	srdreg.scid  }
0x2: {  	s0 =	stileid.u32;
	s2 =	simm.s32 $0x0;
	s12 =	simm.s32 $0x8400  }
0x3: {  	s13 =	simm.s32 $0x180;
	s14 =	simm.s32 $0x9400;
	s15 =	simm.s32 $0x200  }
0x4: {  	s16 =	simm.s32 $0xA400;
	s17 =	simm.s32 $0x280;
	s18 =	simm.s32 $0xB400  }
0x5: {  	s20 =	simm.s32 $0xF400;
	s19 =	simm.s32 $0x300;
	s21 =	simm.s32 $0x10400  }
0x6: {  	s22 =	simm.s32 $0x11400;
	s23 =	simm.s32 $0x12400;
	s24 =	simm.s32 $0x13400  }
0x7: {  	s31 =	simm.s32 $0x15400;
	s5 =	sand.u32 $0x1, s3;
	s25 =	sshll.u32 s0, $0x1  }
0x8: {  	[smem:$0x7FF] =	sst s2;
	s3 =	sadd.s32 $0x189400, s4;
	s8 =	smul.u32 $0x190000, s0  }
0x9: {  	s10 =	sadd.s32 $0x50B000, s4;
	_ =	strace $0x8000004A;
	[dreg:$0x4] =	wrdreg s20  }
0xa: {  	s6 =	sor.u32 s5, s25;
	s9 =	ssub.s32 $0x2, s5;
	[dreg:$0x5] =	wrdreg s21  }
0xb: {  	s5 =	smul.u32 $0xC8000, s5;
	s20 =	simm.s32 $0xC400;
	[dreg:$0x6] =	wrdreg s22  }
0xc: {  	s21 =	simm.s32 $0x380;
	s22 =	simm.s32 $0xD400;
	[dreg:$0x7] =	wrdreg s23  }
0xd: {  	s23 =	simm.s32 $0x1;
	[dreg:$0x8] =	wrdreg s24;
	s25 =	simm.s32 $0x14400  }
0xe: {  	s24 =	simm.s32 $0xE400;
	[dreg:$0xa] =	wrdreg s31;
	s7 =	smul.u32 $0xC80, s6  }
0xf: {  	s26 =	sshrl.u32 s9, $0x1;
	s6 =	smul.u32 $0xC8000, s6;
	[dreg:$0x9] =	wrdreg s25  }
0x10: {  	s25 =	simm.s32 $0x2;
	s9 =	ssub.s32 s9, s26;
	s5 =	sadd.s32 s5, s8  }
0x11: {  	s8 =	simm.s32 $0x80;
	s26 =	simm.s32 $0x0;
	s7 =	sadd.s32 s7, s4  }
0x12: {  	s6 =	sshrl.u32 s6, $0x3;
	s28 =	sshrl.u32 s5, $0x3;
	s5 =	sadd.s32 $0x8000, s5  }
0x13: {  	s4 =	sadd.s32 $0xD9E00, s7;
	s6 =	sadd.s32 s10, s6;
	s7 =	sadd.s32 s28, s10  }
0x14: {  	s29 =	sshrl.u32 s5, $0x3;
	s5 =	sadd.s32 $0x18000, s6;
	[dreg:$0x2] =	wrdreg s7  }
0x15: {  	s30 =	sadd.s32 s29, s10;
	s6 =	smax.u32 s9, $0x1;
	s7 =	simm.s32 $0x3  }
0x16: {  	s9 =	simm.s32 $0x6400;
	s10 =	simm.s32 $0x7400;
	[dreg:$0x3] =	wrdreg s30  }
.LBB2_1:
0x17: {  	[tilespmem:s2], [sflag:$0x3] =	stream.linear.gather [hbm4b:s4+s2], $0x6400, $0x38;
	[tilespmem:$0x16400] =	vst v63  }
0x18: {  	_ =	swait.ge [sflag:s7], $0x6400  }
0x19: {  	[sflag:s7] =	ssyncset.done $0x0  }
0x1a: {  	[sflag:s7] =	ssyncadd.s32 $0xFFFF9C00  }
0x1b: {  	[tilespmem:s9], [sflag:$0x1] =	stream.indirect.gather [hbm4b:s3+s8], $0x20, s2, s8, $0xb8;
	[tilespmem:$0x16400] =	vst v63  }
0x1c: {  	_ = 	snop  }
0x1d: {  	[tilespmem:s10], [sflag:$0x1] =	stream.indirect.gather [hbm4b:s3+s8], $0x20, s8, s8, $0xb8;
	[tilespmem:$0x16400] =	vst v63  }
0x1e: {  	s0 =	simm.s32 $0x100  }
0x1f: {  	[tilespmem:s12], [sflag:$0x1] =	stream.indirect.gather [hbm4b:s3+s8], $0x20, s0, s8, $0xb8;
	[tilespmem:$0x16400] =	vst v63  }
0x20: {  	_ = 	snop  }
0x21: {  	[tilespmem:s14], [sflag:$0x1] =	stream.indirect.gather [hbm4b:s3+s8], $0x20, s13, s8, $0xb8;
	[tilespmem:$0x16400] =	vst v63  }
0x22: {  	_ = 	snop  }
0x23: {  	[tilespmem:s16], [sflag:$0x1] =	stream.indirect.gather [hbm4b:s3+s8], $0x20, s15, s8, $0xb8;
	[tilespmem:$0x16400] =	vst v63  }
0x24: {  	_ = 	snop  }
0x25: {  	[tilespmem:s18], [sflag:$0x1] =	stream.indirect.gather [hbm4b:s3+s8], $0x20, s17, s8, $0xb8;
	[tilespmem:$0x16400] =	vst v63  }
0x26: {  	_ = 	snop  }
0x27: {  	[tilespmem:s20], [sflag:$0x1] =	stream.indirect.gather [hbm4b:s3+s8], $0x20, s19, s8, $0xb8;
	[tilespmem:$0x16400] =	vst v63  }
0x28: {  	_ = 	snop  }
0x29: {  	[tilespmem:s22], [sflag:$0x1] =	stream.indirect.gather [hbm4b:s3+s8], $0x20, s21, s8, $0xb8;
	[tilespmem:$0x16400] =	vst v63  }
0x2a: {  	_ =	swait.ge [sflag:s23], $0x1000  }
0x2b: {  	[sflag:s23] =	ssyncset.done $0x0  }
0x2c: {  	[sflag:s23] =	ssyncadd.s32 $0xFFFFF000  }
0x2d: {  	_ =	swait.ge [sflag:s23], $0x1000  }
0x2e: {  	[sflag:s23] =	ssyncset.done $0x0  }
0x2f: {  	[sflag:s23] =	ssyncadd.s32 $0xFFFFF000  }
0x30: {  	_ =	swait.ge [sflag:s23], $0x1000  }
0x31: {  	[sflag:s23] =	ssyncset.done $0x0  }
0x32: {  	[sflag:s23] =	ssyncadd.s32 $0xFFFFF000  }
0x33: {  	_ =	swait.ge [sflag:s23], $0x1000  }
0x34: {  	[sflag:s23] =	ssyncset.done $0x0  }
0x35: {  	[sflag:s23] =	ssyncadd.s32 $0xFFFFF000  }
0x36: {  	_ =	swait.ge [sflag:s23], $0x1000  }
0x37: {  	[sflag:s23] =	ssyncset.done $0x0  }
0x38: {  	[sflag:s23] =	ssyncadd.s32 $0xFFFFF000  }
0x39: {  	_ =	swait.ge [sflag:s23], $0x1000  }
0x3a: {  	[sflag:s23] =	ssyncset.done $0x0  }
0x3b: {  	[sflag:s23] =	ssyncadd.s32 $0xFFFFF000  }
0x3c: {  	_ =	swait.ge [sflag:s23], $0x1000  }
0x3d: {  	[sflag:s23] =	ssyncset.done $0x0  }
0x3e: {  	[sflag:s23] =	ssyncadd.s32 $0xFFFFF000  }
0x3f: {  	_ =	swait.ge [sflag:s23], $0x1000  }
0x40: {  	[sflag:s23] =	ssyncset.done $0x0  }
0x41: {  	s28 =	simm.s32 $0x400;
	s29 =	rddreg [dreg:$0x4];
	[sflag:s23] =	ssyncadd.s32 $0xFFFFF000  }
0x42: {  	[tilespmem:s24], [sflag:$0x2] =	stream.indirect.gather [hbm4b:s3+s8], $0x20, s28, s8, $0xb8;
	[tilespmem:$0x16400] =	vst v63  }
0x43: {  	s30 =	rddreg [dreg:$0x5];
	s28 =	simm.s32 $0x480  }
0x44: {  	[tilespmem:s29], [sflag:$0x2] =	stream.indirect.gather [hbm4b:s3+s8], $0x20, s28, s8, $0xb8;
	[tilespmem:$0x16400] =	vst v63  }
0x45: {  	s1 =	rddreg [dreg:$0x6];
	s28 =	simm.s32 $0x500  }
0x46: {  	[tilespmem:s30], [sflag:$0x2] =	stream.indirect.gather [hbm4b:s3+s8], $0x20, s28, s8, $0xb8;
	[tilespmem:$0x16400] =	vst v63  }
0x47: {  	s11 =	rddreg [dreg:$0x7];
	s28 =	simm.s32 $0x580  }
0x48: {  	[tilespmem:s1], [sflag:$0x2] =	stream.indirect.gather [hbm4b:s3+s8], $0x20, s28, s8, $0xb8;
	[tilespmem:$0x16400] =	vst v63  }
0x49: {  	s31 =	rddreg [dreg:$0x8];
	s28 =	simm.s32 $0x600  }
0x4a: {  	[tilespmem:s11], [sflag:$0x2] =	stream.indirect.gather [hbm4b:s3+s8], $0x20, s28, s8, $0xb8;
	[tilespmem:$0x16400] =	vst v63  }
0x4b: {  	s0 =	rddreg [dreg:$0x9];
	s28 =	simm.s32 $0x680  }
0x4c: {  	[tilespmem:s31], [sflag:$0x2] =	stream.indirect.gather [hbm4b:s3+s8], $0x20, s28, s8, $0xb8;
	[tilespmem:$0x16400] =	vst v63  }
0x4d: {  	s1 =	rddreg [dreg:$0xa];
	s28 =	simm.s32 $0x700  }
0x4e: {  	[tilespmem:s0], [sflag:$0x2] =	stream.indirect.gather [hbm4b:s3+s8], $0x20, s28, s8, $0xb8;
	[tilespmem:$0x16400] =	vst v63  }
0x4f: {  	s11 =	simm.s32 $0x780;
	s28 =	rddreg [dreg:$0x2]  }
0x50: {  	[tilespmem:s1], [sflag:$0x2] =	stream.indirect.gather [hbm4b:s3+s8], $0x20, s11, s8, $0xb8;
	[tilespmem:$0x16400] =	vst v63  }
0x51: {  	s28 =	sadd.s32 $0x0, s28  }
0x52: {  	[hbm4b:s28+s2] =	stream.linear.scatter [tilespmem:s9], [sflag:$0x3], $0x8000, $0x38;
	[tilespmem:$0x16400] =	vst v63  }
0x53: {  	_ =	swait.ge [sflag:s7], $0x8000  }
0x54: {  	[sflag:s7] =	ssyncset.done $0x0  }
0x55: {  	[sflag:s7] =	ssyncadd.s32 $0xFFFF8000  }
0x56: {  	_ =	swait.ge [sflag:s25], $0x1000  }
0x57: {  	[sflag:s25] =	ssyncset.done $0x0  }
0x58: {  	[sflag:s25] =	ssyncadd.s32 $0xFFFFF000  }
0x59: {  	_ =	swait.ge [sflag:s25], $0x1000  }
0x5a: {  	[sflag:s25] =	ssyncset.done $0x0  }
0x5b: {  	[sflag:s25] =	ssyncadd.s32 $0xFFFFF000  }
0x5c: {  	_ =	swait.ge [sflag:s25], $0x1000  }
0x5d: {  	[sflag:s25] =	ssyncset.done $0x0  }
0x5e: {  	[sflag:s25] =	ssyncadd.s32 $0xFFFFF000  }
0x5f: {  	_ =	swait.ge [sflag:s25], $0x1000  }
0x60: {  	[sflag:s25] =	ssyncset.done $0x0  }
0x61: {  	[sflag:s25] =	ssyncadd.s32 $0xFFFFF000  }
0x62: {  	_ =	swait.ge [sflag:s25], $0x1000  }
0x63: {  	[sflag:s25] =	ssyncset.done $0x0  }
0x64: {  	[sflag:s25] =	ssyncadd.s32 $0xFFFFF000  }
0x65: {  	_ =	swait.ge [sflag:s25], $0x1000  }
0x66: {  	[sflag:s25] =	ssyncset.done $0x0  }
0x67: {  	[sflag:s25] =	ssyncadd.s32 $0xFFFFF000  }
0x68: {  	_ =	swait.ge [sflag:s25], $0x1000  }
0x69: {  	[sflag:s25] =	ssyncset.done $0x0  }
0x6a: {  	[sflag:s25] =	ssyncadd.s32 $0xFFFFF000  }
0x6b: {  	_ =	swait.ge [sflag:s25], $0x1000  }
0x6c: {  	[sflag:s25] =	ssyncset.done $0x0  }
0x6d: {  	s28 =	simm.s32 $0x800;
	[sflag:s25] =	ssyncadd.s32 $0xFFFFF000  }
0x6e: {  	[tilespmem:s9], [sflag:$0x1] =	stream.indirect.gather [hbm4b:s3+s8], $0x20, s28, s8, $0xb8;
	[tilespmem:$0x16400] =	vst v63  }
0x6f: {  	s28 =	simm.s32 $0x880  }
0x70: {  	[tilespmem:s10], [sflag:$0x1] =	stream.indirect.gather [hbm4b:s3+s8], $0x20, s28, s8, $0xb8;
	[tilespmem:$0x16400] =	vst v63  }
0x71: {  	s28 =	simm.s32 $0x900  }
0x72: {  	[tilespmem:s12], [sflag:$0x1] =	stream.indirect.gather [hbm4b:s3+s8], $0x20, s28, s8, $0xb8;
	[tilespmem:$0x16400] =	vst v63  }
0x73: {  	s28 =	simm.s32 $0x980  }
0x74: {  	[tilespmem:s14], [sflag:$0x1] =	stream.indirect.gather [hbm4b:s3+s8], $0x20, s28, s8, $0xb8;
	[tilespmem:$0x16400] =	vst v63  }
0x75: {  	s28 =	simm.s32 $0xA00  }
0x76: {  	[tilespmem:s16], [sflag:$0x1] =	stream.indirect.gather [hbm4b:s3+s8], $0x20, s28, s8, $0xb8;
	[tilespmem:$0x16400] =	vst v63  }
0x77: {  	s28 =	simm.s32 $0xA80  }
0x78: {  	[tilespmem:s18], [sflag:$0x1] =	stream.indirect.gather [hbm4b:s3+s8], $0x20, s28, s8, $0xb8;
	[tilespmem:$0x16400] =	vst v63  }
0x79: {  	s28 =	simm.s32 $0xB00  }
0x7a: {  	[tilespmem:s20], [sflag:$0x1] =	stream.indirect.gather [hbm4b:s3+s8], $0x20, s28, s8, $0xb8;
	[tilespmem:$0x16400] =	vst v63  }
0x7b: {  	s31 =	rddreg [dreg:$0x3];
	s28 =	simm.s32 $0xB80  }
0x7c: {  	[tilespmem:s22], [sflag:$0x1] =	stream.indirect.gather [hbm4b:s3+s8], $0x20, s28, s8, $0xb8;
	[tilespmem:$0x16400] =	vst v63  }
0x7d: {  	s28 =	sadd.s32 $0x0, s31  }
0x7e: {  	[hbm4b:s28+s2] =	stream.linear.scatter [tilespmem:s24], [sflag:$0x3], $0x8000, $0x38;
	[tilespmem:$0x16400] =	vst v63  }
0x7f: {  	_ =	swait.ge [sflag:s7], $0x8000  }
0x80: {  	s28 =	simm.s32 $0x2000;
	[sflag:s7] =	ssyncset.done $0x0  }
.LBB2_2:
0x81: {  	[sflag:s7] =	ssyncadd.s32 $0xFFFF8000  }
0x82: {  	_ =	swait.ge [sflag:s23], $0x1000  }
0x83: {  	[sflag:s23] =	ssyncset.done $0x0  }
0x84: {  	[sflag:s23] =	ssyncadd.s32 $0xFFFFF000  }
0x85: {  	_ =	swait.ge [sflag:s23], $0x1000  }
0x86: {  	[sflag:s23] =	ssyncset.done $0x0  }
0x87: {  	[sflag:s23] =	ssyncadd.s32 $0xFFFFF000  }
0x88: {  	_ =	swait.ge [sflag:s23], $0x1000  }
0x89: {  	[sflag:s23] =	ssyncset.done $0x0  }
0x8a: {  	[sflag:s23] =	ssyncadd.s32 $0xFFFFF000  }
0x8b: {  	_ =	swait.ge [sflag:s23], $0x1000  }
0x8c: {  	[sflag:s23] =	ssyncset.done $0x0  }
0x8d: {  	[sflag:s23] =	ssyncadd.s32 $0xFFFFF000  }
0x8e: {  	_ =	swait.ge [sflag:s23], $0x1000  }
0x8f: {  	[sflag:s23] =	ssyncset.done $0x0  }
0x90: {  	[sflag:s23] =	ssyncadd.s32 $0xFFFFF000  }
0x91: {  	_ =	swait.ge [sflag:s23], $0x1000  }
0x92: {  	[sflag:s23] =	ssyncset.done $0x0  }
0x93: {  	[sflag:s23] =	ssyncadd.s32 $0xFFFFF000  }
0x94: {  	_ =	swait.ge [sflag:s23], $0x1000  }
0x95: {  	[sflag:s23] =	ssyncset.done $0x0  }
0x96: {  	[sflag:s23] =	ssyncadd.s32 $0xFFFFF000  }
0x97: {  	s29 =	smov.u32 s28;
	_ =	swait.ge [sflag:s23], $0x1000  }
0x98: {  	s30 =	sshra.s32 s29, $0x2;
	[sflag:s23] =	ssyncset.done $0x0  }
0x99: {  	s0 =	sadd.s32 $0x400, s30;
	s31 =	rddreg [dreg:$0x2];
	[sflag:s23] =	ssyncadd.s32 $0xFFFFF000  }
0x9a: {  	[tilespmem:s24], [sflag:$0x2] =	stream.indirect.gather [hbm4b:s3+s8], $0x20, s0, s8, $0xb8;
	[tilespmem:$0x16400] =	vst v63  }
0x9b: {  	s1 =	rddreg [dreg:$0x4];
	s0 =	sadd.s32 $0x480, s30  }
0x9c: {  	[tilespmem:s1], [sflag:$0x2] =	stream.indirect.gather [hbm4b:s3+s8], $0x20, s0, s8, $0xb8;
	[tilespmem:$0x16400] =	vst v63  }
0x9d: {  	s11 =	rddreg [dreg:$0x5];
	s0 =	sadd.s32 $0x500, s30  }
0x9e: {  	[tilespmem:s11], [sflag:$0x2] =	stream.indirect.gather [hbm4b:s3+s8], $0x20, s0, s8, $0xb8;
	[tilespmem:$0x16400] =	vst v63  }
0x9f: {  	s1 =	rddreg [dreg:$0x6];
	s0 =	sadd.s32 $0x580, s30  }
0xa0: {  	[tilespmem:s1], [sflag:$0x2] =	stream.indirect.gather [hbm4b:s3+s8], $0x20, s0, s8, $0xb8;
	[tilespmem:$0x16400] =	vst v63  }
0xa1: {  	s11 =	rddreg [dreg:$0x7];
	s0 =	sadd.s32 $0x600, s30  }
0xa2: {  	[tilespmem:s11], [sflag:$0x2] =	stream.indirect.gather [hbm4b:s3+s8], $0x20, s0, s8, $0xb8;
	[tilespmem:$0x16400] =	vst v63  }
0xa3: {  	s1 =	rddreg [dreg:$0x8];
	s0 =	sadd.s32 $0x680, s30  }
0xa4: {  	[tilespmem:s1], [sflag:$0x2] =	stream.indirect.gather [hbm4b:s3+s8], $0x20, s0, s8, $0xb8;
	[tilespmem:$0x16400] =	vst v63  }
0xa5: {  	s11 =	rddreg [dreg:$0x9];
	s0 =	sadd.s32 $0x700, s30  }
0xa6: {  	[tilespmem:s11], [sflag:$0x2] =	stream.indirect.gather [hbm4b:s3+s8], $0x20, s0, s8, $0xb8;
	[tilespmem:$0x16400] =	vst v63  }
0xa7: {  	s1 =	rddreg [dreg:$0xa];
	s11 =	sadd.s32 $0x780, s30  }
0xa8: {  	[tilespmem:s1], [sflag:$0x2] =	stream.indirect.gather [hbm4b:s3+s8], $0x20, s11, s8, $0xb8;
	[tilespmem:$0x16400] =	vst v63  }
0xa9: {  	s31 =	sadd.s32 s29, s31  }
0xaa: {  	[hbm4b:s31+s2] =	stream.linear.scatter [tilespmem:s9], [sflag:$0x3], $0x8000, $0x38;
	[tilespmem:$0x16400] =	vst v63  }
0xab: {  	_ =	swait.ge [sflag:s7], $0x8000  }
0xac: {  	[sflag:s7] =	ssyncset.done $0x0  }
0xad: {  	[sflag:s7] =	ssyncadd.s32 $0xFFFF8000  }
0xae: {  	_ =	swait.ge [sflag:s25], $0x1000  }
0xaf: {  	[sflag:s25] =	ssyncset.done $0x0  }
0xb0: {  	[sflag:s25] =	ssyncadd.s32 $0xFFFFF000  }
0xb1: {  	_ =	swait.ge [sflag:s25], $0x1000  }
0xb2: {  	[sflag:s25] =	ssyncset.done $0x0  }
0xb3: {  	[sflag:s25] =	ssyncadd.s32 $0xFFFFF000  }
0xb4: {  	_ =	swait.ge [sflag:s25], $0x1000  }
0xb5: {  	[sflag:s25] =	ssyncset.done $0x0  }
0xb6: {  	[sflag:s25] =	ssyncadd.s32 $0xFFFFF000  }
0xb7: {  	_ =	swait.ge [sflag:s25], $0x1000  }
0xb8: {  	[sflag:s25] =	ssyncset.done $0x0  }
0xb9: {  	[sflag:s25] =	ssyncadd.s32 $0xFFFFF000  }
0xba: {  	_ =	swait.ge [sflag:s25], $0x1000  }
0xbb: {  	[sflag:s25] =	ssyncset.done $0x0  }
0xbc: {  	[sflag:s25] =	ssyncadd.s32 $0xFFFFF000  }
0xbd: {  	_ =	swait.ge [sflag:s25], $0x1000  }
0xbe: {  	[sflag:s25] =	ssyncset.done $0x0  }
0xbf: {  	[sflag:s25] =	ssyncadd.s32 $0xFFFFF000  }
0xc0: {  	_ =	swait.ge [sflag:s25], $0x1000  }
0xc1: {  	[sflag:s25] =	ssyncset.done $0x0  }
0xc2: {  	[sflag:s25] =	ssyncadd.s32 $0xFFFFF000  }
0xc3: {  	_ =	swait.ge [sflag:s25], $0x1000  }
0xc4: {  	[sflag:s25] =	ssyncset.done $0x0  }
0xc5: {  	s1 =	sadd.s32 $0x800, s30;
	[sflag:s25] =	ssyncadd.s32 $0xFFFFF000  }
0xc6: {  	[tilespmem:s9], [sflag:$0x1] =	stream.indirect.gather [hbm4b:s3+s8], $0x20, s1, s8, $0xb8;
	[tilespmem:$0x16400] =	vst v63  }
0xc7: {  	s11 =	sadd.s32 $0x880, s30  }
0xc8: {  	[tilespmem:s10], [sflag:$0x1] =	stream.indirect.gather [hbm4b:s3+s8], $0x20, s11, s8, $0xb8;
	[tilespmem:$0x16400] =	vst v63  }
0xc9: {  	s31 =	sadd.s32 $0x900, s30  }
0xca: {  	[tilespmem:s12], [sflag:$0x1] =	stream.indirect.gather [hbm4b:s3+s8], $0x20, s31, s8, $0xb8;
	[tilespmem:$0x16400] =	vst v63  }
0xcb: {  	s1 =	sadd.s32 $0x980, s30  }
0xcc: {  	[tilespmem:s14], [sflag:$0x1] =	stream.indirect.gather [hbm4b:s3+s8], $0x20, s1, s8, $0xb8;
	[tilespmem:$0x16400] =	vst v63  }
0xcd: {  	s11 =	sadd.s32 $0xA00, s30  }
0xce: {  	[tilespmem:s16], [sflag:$0x1] =	stream.indirect.gather [hbm4b:s3+s8], $0x20, s11, s8, $0xb8;
	[tilespmem:$0x16400] =	vst v63  }
0xcf: {  	s31 =	sadd.s32 $0xA80, s30  }
0xd0: {  	[tilespmem:s18], [sflag:$0x1] =	stream.indirect.gather [hbm4b:s3+s8], $0x20, s31, s8, $0xb8;
	[tilespmem:$0x16400] =	vst v63  }
0xd1: {  	s1 =	sadd.s32 $0xB00, s30  }
0xd2: {  	[tilespmem:s20], [sflag:$0x1] =	stream.indirect.gather [hbm4b:s3+s8], $0x20, s1, s8, $0xb8;
	[tilespmem:$0x16400] =	vst v63  }
0xd3: {  	p0 =	sne.s32 s28, $0x16000;
	s30 =	sadd.s32 $0xB80, s30  }
0xd4: {  	[tilespmem:s22], [sflag:$0x1] =	stream.indirect.gather [hbm4b:s3+s8], $0x20, s30, s8, $0xb8;
	[tilespmem:$0x16400] =	vst v63  }
.Ltmp0:
0xd5: {  	s11 =	rddreg [dreg:$0x3];
	(pc) =	sbr.rel @p0 .LBB2_2-.Ltmp0, $4  }
0xd6: {  	s31 =	sadd.s32 s29, s11  }
0xd7: {  	[hbm4b:s31+s2] =	stream.linear.scatter [tilespmem:s24], [sflag:$0x3], $0x8000, $0x38;
	[tilespmem:$0x16400] =	vst v63  }
0xd8: {  	_ =	swait.ge [sflag:s7], $0x8000  }
0xd9: {  	s28 =	sadd.s32 $0x2000, s28;
	[sflag:s7] =	ssyncset.done $0x0  }
0xda: {  	[sflag:s7] =	ssyncadd.s32 $0xFFFF8000  }
0xdb: {  	_ =	swait.ge [sflag:s23], $0x1000  }
0xdc: {  	[sflag:s23] =	ssyncset.done $0x0  }
0xdd: {  	[sflag:s23] =	ssyncadd.s32 $0xFFFFF000  }
0xde: {  	_ =	swait.ge [sflag:s23], $0x1000  }
0xdf: {  	[sflag:s23] =	ssyncset.done $0x0  }
0xe0: {  	[sflag:s23] =	ssyncadd.s32 $0xFFFFF000  }
0xe1: {  	_ =	swait.ge [sflag:s23], $0x1000  }
0xe2: {  	[sflag:s23] =	ssyncset.done $0x0  }
0xe3: {  	[sflag:s23] =	ssyncadd.s32 $0xFFFFF000  }
0xe4: {  	_ =	swait.ge [sflag:s23], $0x1000  }
0xe5: {  	[sflag:s23] =	ssyncset.done $0x0  }
0xe6: {  	[sflag:s23] =	ssyncadd.s32 $0xFFFFF000  }
0xe7: {  	_ =	swait.ge [sflag:s23], $0x1000  }
0xe8: {  	[sflag:s23] =	ssyncset.done $0x0  }
0xe9: {  	[sflag:s23] =	ssyncadd.s32 $0xFFFFF000  }
0xea: {  	_ =	swait.ge [sflag:s23], $0x1000  }
0xeb: {  	[sflag:s23] =	ssyncset.done $0x0  }
0xec: {  	[sflag:s23] =	ssyncadd.s32 $0xFFFFF000  }
0xed: {  	_ =	swait.ge [sflag:s23], $0x1000  }
0xee: {  	[sflag:s23] =	ssyncset.done $0x0  }
0xef: {  	[sflag:s23] =	ssyncadd.s32 $0xFFFFF000  }
0xf0: {  	s26 =	sadd.s32 $0x1, s26;
	_ =	swait.ge [sflag:s23], $0x1000  }
0xf1: {  	p0 =	sne.s32 s26, s6;
	[sflag:s23] =	ssyncset.done $0x0  }
.Ltmp1:
0xf2: {  	[sflag:s23] =	ssyncadd.s32 $0xFFFFF000;
	(pc) =	sbr.rel @p0 .LBB2_1-.Ltmp1, $4  }
0xf3: {  	[hbm4b:s5+s2] =	stream.linear.scatter [tilespmem:s9], [sflag:$0x3], $0x8000, $0x38;
	[tilespmem:$0x16400] =	vst v63  }
0xf4: {  	_ =	swait.ge [sflag:s7], $0x8000  }
0xf5: {  	[sflag:s7] =	ssyncset.done $0x0  }
0xf6: {  	[sflag:s7] =	ssyncadd.s32 $0xFFFF8000  }
0xf7: {  	_ =	sfence.sel $0x180000  }
0xf8: {  	[bflag:$0x0] =	sbarrier.arrive $0xFFFF  }
0xf9: {  	_ =	strace $0x9000004A  }
0xfa: {  	s0 =	stileid.u32;
	[bflag:$0x2] =	sbarrier.arrive $0xFFFF  }
0xfb: {  	p0 =	sne.s32 s0, $0x0;
	s0 =	rddreg [dreg:$0x1]  }
0xfc: {  	s0 =	sadd.s32 @!p0 $0x100000, s0  }
0xfd: {  	[sflag:s0] =	ssyncadd.tile.s32 @!p0 $0x1;
	_ =	shalt  }
.Lfunc_end2:
_tile_overlayer_lowered:
.L_overlay_start_2:
0xfe: {  	(tag) =	ssettag $0x2  }
0xff: {  	s0 =	rddreg [dreg:$0x0];
	s2 =	stileid.u32  }
0x100: {  	s1 =	rddreg [dreg:$0x1];
	p0 =	sne.s32 s2, $0x0  }
0x101: {  	s3 =	rddreg [dreg:$0x2];
	[bflag:$0x3] =	sbarrier.arrive $0xFFFF;
	s2 =	simm.s32 @!p0 $0x1C03  }
0x102: {  	[timem:s3], [sflag:s2] =	dma.local @!p0 [hbm:s0], s1  }
0x103: {  	s0 =	simm.s32 @!p0 $0x3  }
0x104: {  	_ =	swait.ge @!p0 [sflag:s0], s1  }
0x105: {  	s1 =	ssub.s32 @!p0 $0x0, s1;
	[sflag:s0] =	ssyncset.done @!p0 $0x0  }
0x106: {  	[sflag:s0] =	ssyncadd.s32 @!p0 s1  }
0x107: {  	[bflag:$0x3] =	sbarrier.arrive $0xFFFF  }
0x108: {  	_ =	shalt  }

// kernel: sc_gather_table_and_biases.3.cloned.1.call-start
scs
__scs_entry_jumppad:
0x0: {  	(pc) =	sbr.rel $0x88, $3  }
0x1: {  	(tag) =	ssettag $0x0;
	lr =	simm.s32 $0x1  }
0x2: {  	[smem:$0x3F97] =	sst lr;
	_ =	strace $0xD0000000  }
0x3: {  	_ = 	snop  }
0x4: {  	_ = 	snop  }
0x5: {  	_ = 	snop  }
0x6: {  	_ = 	snop  }
0x7: {  	_ = 	snop  }
__scs_overlays_trampoline_lowered:
0x8: {  	[smem:$0x3FA6] =	sst s0  }
0x9: {  	[smem:$0x3FA7] =	sst s1  }
0xa: {  	[smem:$0x3FA8] =	sst s2  }
0xb: {  	[smem:$0x3FA9] =	sst s3  }
0xc: {  	[smem:$0x3FAA] =	sst s4  }
0xd: {  	[smem:$0x3FAB] =	sst s5  }
0xe: {  	[smem:$0x3FAC] =	sst s6  }
0xf: {  	[smem:$0x3FAD] =	sst s7  }
0x10: {  	[smem:$0x3FAE] =	sst s8  }
0x11: {  	[smem:$0x3FAF] =	sst s9;
	s0 =	simm.s32 @!p0 $0x0  }
0x12: {  	s1 =	sld [smem:$0x3F95];
	s0 =	simm.s32 @p0 $0x1  }
0x13: {  	[smem:$0x3FB0] =	sst s0;
	s0 =	simm.s32 @!p1 $0x0  }
0x14: {  	s2 =	sld [smem:$0x3F94];
	s0 =	simm.s32 @p1 $0x1  }
0x15: {  	[smem:$0x3FB1] =	sst s0;
	s0 =	simm.s32 @!p2 $0x0  }
0x16: {  	s3 =	sld [smem:$0x3FDB];
	s0 =	simm.s32 @p2 $0x1  }
0x17: {  	s4 =	simm.s32 $0x1BF5;
	[smem:$0x3FB3] =	sst s0  }
0x18: {  	s0 =	sld [smem:$0x3F96];
	_ =	swait.ge [sflag:s4], $0x0  }
0x19: {  	s7 =	sld [smem:$0x3F97]  }
0x1a: {  	s8 =	sadd.s32 $0xFFFFE003, lr  }
0x1b: {  	s9 =	sadd.s32 $0xFFFFFEF7, lr;
	s5 =	simm.s32 $0xFFFFFFFF;
	p2 =	slt.u32 s8, $0xFFFFF086  }
0x1c: {  	p1 =	slt.u32 s9, $0xF7A;
	s5 =	simm.s32 @!p2 $0x0  }
0x1d: {  	s5 =	simm.s32 @p1 $0x1;
	p0 =	seq.s32 s7, s2  }
0x1e: {  	s7 =	smul.u32 @!p0 $0xF7A, s2;
	p2 =	seq.s32 @!p0 s5, $0x0  }
0x1f: {  	s9 =	smul.u32 $0xF7A, s1;
	s8 =	simm.s32 @!p0 $0x1BF5;
	p2 =	por !p2, p0  }
0x20: {  	[sflag:s8] =	ssyncset.s32 @!p0 $0xFFFFF086;
	s6 =	sadd.s32 @!p0 s3, s7;
	s7 =	simm.s32 @!p0 $0x108  }
0x21: {  	s3 =	sadd.s32 s3, s9;
	s6 =	sadd.s32 @!p0 $0x88, s6;
	s7 =	simm.s32 @p2 $0x1082  }
0x22: {  	[simem:s7], [sflag:s8] =	dma.local @!p0 [hbm:s6], $0xF7A  }
0x23: {  	s9 =	sor.u32 $0xD0000000, s2;
	s6 =	simm.s32 $0x108;
	_ =	swait.ge @!p0 [sflag:s8], $0x0  }
0x24: {  	s3 =	sadd.s32 $0x88, s3;
	s6 =	simm.s32 @!p1 $0x1082;
	[sflag:s4] =	ssyncset.s32 $0xFFFFF086  }
0x25: {  	[simem:s6], [sflag:s4] =	dma.local [hbm:s3], $0xF7A  }
0x26: {  	[smem:$0x3F97] =	sst s1;
	(tag) =	ssettag s2;
	_ =	strace s9  }
0x27: {  	s1 =	sld [smem:$0x3FA7]  }
0x28: {  	s2 =	sld [smem:$0x3FA8]  }
0x29: {  	s4 =	sld [smem:$0x3FAA]  }
0x2a: {  	p0 =	seq.s32 s5, $0x0;
	s5 =	sld [smem:$0x3FAB]  }
0x2b: {  	s6 =	sld [smem:$0x3FAC]  }
0x2c: {  	s7 =	sld [smem:$0x3FAD]  }
0x2d: {  	s3 =	simm.s32 $0x108;
	s8 =	sld [smem:$0x3FAE]  }
0x2e: {  	s3 =	simm.s32 @!p0 $0x1082;
	s9 =	sld [smem:$0x3FAF]  }
0x2f: {  	lr =	sadd.s32 s0, s3;
	s0 =	sld [smem:$0x3FA6]  }
0x30: {  	s3 =	sld [smem:$0x3FA9]  }
0x31: {  	[smem:$0x3FB2] =	sst s10  }
0x32: {  	s10 =	sld [smem:$0x3FB0];
	_ =	sdelay $0x3  }
0x33: {  	p0 =	seq.s32 s10, $0x1;
	s10 =	sld [smem:$0x3FB2];
	_ =	sdelay $0x3  }
0x34: {  	[smem:$0x3FB2] =	sst s10  }
0x35: {  	s10 =	sld [smem:$0x3FB1];
	_ =	sdelay $0x3  }
0x36: {  	p1 =	seq.s32 s10, $0x1;
	s10 =	sld [smem:$0x3FB2];
	_ =	sdelay $0x3  }
0x37: {  	[smem:$0x3FB2] =	sst s10  }
0x38: {  	s10 =	sld [smem:$0x3FB3]  }
0x39: {  	_ = 	snop;
	(pc) =	sbr.ind lr, $3  }
0x3a: {  	_ = 	snop  }
0x3b: {  	_ = 	snop  }
0x3c: {  	p2 =	seq.s32 s10, $0x1;
	s10 =	sld [smem:$0x3FB2]  }
0x3d: {  	_ =	shalt  }
0x3e: {  	_ =	shalt  }
0x3f: {  	_ =	shalt  }
0x40: {  	_ =	shalt  }
0x41: {  	_ =	shalt  }
0x42: {  	_ =	shalt  }
0x43: {  	_ =	shalt  }
0x44: {  	_ =	shalt  }
0x45: {  	_ =	shalt  }
0x46: {  	_ =	shalt  }
0x47: {  	_ =	shalt  }
0x48: {  	_ =	shalt  }
0x49: {  	_ =	shalt  }
0x4a: {  	_ =	shalt  }
0x4b: {  	_ =	shalt  }
0x4c: {  	_ =	shalt  }
0x4d: {  	_ =	shalt  }
0x4e: {  	_ =	shalt  }
0x4f: {  	_ =	shalt  }
0x50: {  	_ =	shalt  }
0x51: {  	_ =	shalt  }
0x52: {  	_ =	shalt  }
0x53: {  	_ =	shalt  }
0x54: {  	_ =	shalt  }
0x55: {  	_ =	shalt  }
0x56: {  	_ =	shalt  }
0x57: {  	_ =	shalt  }
0x58: {  	_ =	shalt  }
0x59: {  	_ =	shalt  }
0x5a: {  	_ =	shalt  }
0x5b: {  	_ =	shalt  }
0x5c: {  	_ =	shalt  }
0x5d: {  	_ =	shalt  }
0x5e: {  	_ =	shalt  }
0x5f: {  	_ =	shalt  }
0x60: {  	_ =	shalt  }
0x61: {  	_ =	shalt  }
0x62: {  	_ =	shalt  }
0x63: {  	_ =	shalt  }
0x64: {  	_ =	shalt  }
0x65: {  	_ =	shalt  }
0x66: {  	_ =	shalt  }
0x67: {  	_ =	shalt  }
0x68: {  	_ =	shalt  }
0x69: {  	_ =	shalt  }
0x6a: {  	_ =	shalt  }
0x6b: {  	_ =	shalt  }
0x6c: {  	_ =	shalt  }
0x6d: {  	_ =	shalt  }
0x6e: {  	_ =	shalt  }
0x6f: {  	_ =	shalt  }
0x70: {  	_ =	shalt  }
0x71: {  	_ =	shalt  }
0x72: {  	_ =	shalt  }
0x73: {  	_ =	shalt  }
0x74: {  	_ =	shalt  }
0x75: {  	_ =	shalt  }
0x76: {  	_ =	shalt  }
0x77: {  	_ =	shalt  }
0x78: {  	_ =	shalt  }
0x79: {  	_ =	shalt  }
0x7a: {  	_ =	shalt  }
0x7b: {  	_ =	shalt  }
0x7c: {  	_ =	shalt  }
0x7d: {  	_ =	shalt  }
0x7e: {  	_ =	shalt  }
0x7f: {  	_ =	shalt  }
0x80: {  	_ =	shalt  }
0x81: {  	_ =	shalt  }
0x82: {  	_ =	shalt  }
0x83: {  	_ =	shalt  }
0x84: {  	_ =	shalt  }
0x85: {  	_ =	shalt  }
0x86: {  	_ =	shalt  }
0x87: {  	_ =	shalt  }
.Lfunc_end0:
.L_simem_size_0:
called_computation_lowered:
.L_overlay_start_0:
0x88: {  	s2 =	sld [smem:$0x3FD9]  }
0x89: {  	s3 =	sld [smem:$0x3FFE];
	_ =	sdelay $0x1  }
0x8a: {  	s1 =	srdreg.scid  }
0x8b: {  	s0 =	sand.u32 $0x1, s1  }
0x8c: {  	s17 =	sshll.u32 s0, $0xA;
	s2 =	sadd.s32 s3, s2  }
0x8d: {  	s2 =	sadd.s32 s2, s17  }
0x8e: {  	[smem:$0x3FBE] =	sst s2  }
0x8f: {  	_ = 	snop  }
0x90: {  	s2 =	sld [smem:$0x3FC9]  }
0x91: {  	s18 =	sld [smem:$0x3FC8];
	(tm) =	ssettm $0x1  }
0x92: {  	s4 =	sld [smem:$0x3FFB];
	_ =	sdelay $0x3  }
0x93: {  	_ =	strace s4  }
0x94: {  	s4 =	sld [smem:$0x3FFC];
	_ =	sdelay $0x3  }
0x95: {  	_ =	strace s4  }
0x96: {  	s4 =	sld [smem:$0x3FFD];
	_ =	sdelay $0x3  }
0x97: {  	_ =	strace s4  }
0x98: {  	_ =	strace $0x8FFFFFFF  }
0x99: {  	s19 =	sld [smem:$0x3FDB];
	_ =	sdelay $0x1  }
0x9a: {  	s5 =	simm.s32 $_scs_section_size  }
0x9b: {  	s6 =	simm.s32 $_size__tile_overlayer_lowered;
	s7 =	simm.s32 $_tile_overlayer_lowered  }
0x9c: {  	s22 =	simm.s32 $0x1BFF;
	s21 =	sshll.u32 s7, $0x1;
	s4 =	sadd.s32 s5, s19  }
0x9d: {  	s8 =	simm.s32 $0x0;
	s20 =	sshll.u32 s6, $0x1;
	s6 =	sadd.s32 s21, s4  }
0x9e: {  	[timem:s8], [sflag:s22] =	dma.local [hbm:s6], s20  }
0x9f: {  	_ =	swait.ge [sflag:s22], s20  }
0xa0: {  	s5 =	ssub.s32 $0x0, s20;
	[sflag:s22] =	ssyncset.done $0x0  }
0xa1: {  	[sflag:s22] =	ssyncadd.s32 s5;
	_ =	sdelay $0x1  }
0xa2: {  	s23 =	simm.s32 $0x1B8B  }
0xa3: {  	_ =	swait.ge [sflag:s23], $0x1  }
0xa4: {  	[sflag:s23] =	ssyncset.done $0x0  }
0xa5: {  	s25 =	simm.s32 $0x1B8E;
	s24 =	sld [smem:$0x3FFE];
	[sflag:s23] =	ssyncadd.s32 $0xFFFFFFFF  }
0xa6: {  	s26 =	simm.s32 $execute0_lowered;
	[smem:$0x3FD2] =	sst s25  }
0xa7: {  	s6 =	sshll.u32 s26, $0x1;
	_ =	strace $0x80000046;
	[dreg:$0x1] =	wrdreg $0xFFFFFFFF  }
0xa8: {  	s28 =	simm.s32 $_size_execute0_lowered;
	s4 =	sadd.s32 s4, s6;
	[dreg:$0x0] =	wrdreg $0x0  }
0xa9: {  	s6 =	sshll.u32 s28, $0x1;
	[dreg:$0x2] =	wrdreg s4  }
0xaa: {  	[dreg:$0x3] =	wrdreg s6  }
0xab: {  	[dreg:$0x4] =	wrdreg $0xC0  }
0xac: {  	_ =	task [dreg:s8], $0x5FFFF  }
0xad: {  	[dreg:$0x1] =	wrdreg $0xFFFFFFFF  }
0xae: {  	[dreg:$0x0] =	wrdreg $0x60  }
0xaf: {  	[dreg:$0x2] =	wrdreg s24  }
0xb0: {  	[dreg:$0x3] =	wrdreg s2  }
0xb1: {  	[dreg:$0x4] =	wrdreg s18  }
0xb2: {  	[dreg:$0x5] =	wrdreg $0x9  }
0xb3: {  	_ =	task.clear_ibuf [dreg:s8], $0x6FFFF;
	_ =	strace $0x90000046  }
0xb4: {  	s29 =	simm.s32 $0x9;
	_ =	strace $0x80000048  }
0xb5: {  	_ =	swait.ge [sflag:s29], $0x1  }
0xb6: {  	[sflag:s29] =	ssyncadd.s32 $0xFFFFFFFF  }
0xb7: {  	_ =	strace $0x90000048  }
0xb8: {  	_ =	sfence  }
0xb9: {  	s30 =	sld [smem:$0x0];
	_ =	sdelay $0x2  }
0xba: {  	s31 =	sshll.u32 s1, $0xD;
	s1 =	sshrl.u32 s1, $0x2  }
0xbb: {  	s3 =	sand.u32 $0x4000, s31;
	s1 =	sadd.s32 s1, s30  }
0xbc: {  	s0 =	sor.u32 s3, s0;
	s1 =	sshll.u32 s1, $0x11  }
0xbd: {  	s0 =	sor.u32 s1, s0  }
0xbe: {  	s0 =	sadd.s32 $0x8F2B, s0  }
0xbf: {  	[sflag:s0] =	ssyncadd.remote.s32 $0x1  }
0xc0: {  	_ =	sfence.sel $0xFFFF  }
0xc1: {  	[dreg:$0x0] =	wrdreg $0xFFFFFFFF;
	(pc) =	sbr.abs _section_cstart, $3  }
0xc2: {  	[dreg:$0x1] =	wrdreg $0xFFFFFFFF  }
0xc3: {  	_ =	task.clear_ibuf [dreg:s8], $0x2FFFF;
	_ =	strace $0x9FFFFFFF  }
0xc4: {  	(tm) =	ssettm $0x7FFFFFFF  }
0xc5: {  	_ =	shalt  }
tec
execute0_lowered:
.L_overlay_start_1:
0x0: {  	(tag) =	ssettag $0x1  }
0x1: {  	s0 =	rddreg [dreg:$0x0]  }
0x2: {  	s1 =	rddreg [dreg:$0x1];
	s2 =	srdreg.scid  }
0x3: {  	s17 =	stileid.u32;
	s5 =	rddreg [dreg:$0x2]  }
0x4: {  	s21 =	simm.s32 $0xF400;
	s22 =	simm.s32 $0x10400;
	s23 =	simm.s32 $0x11400  }
0x5: {  	s24 =	simm.s32 $0x12400;
	s25 =	simm.s32 $0x13400;
	s26 =	simm.s32 $0x14400  }
0x6: {  	s28 =	simm.s32 $0xE400;
	s29 =	simm.s32 $0x2;
	s30 =	simm.s32 $0x16400  }
0x7: {  	s6 =	sand.u32 $0x1, s2;
	s3 =	sshll.u32 s17, $0x1;
	s2 =	simm.s32 $0x0  }
0x8: {  	s9 =	sadd.s32 $0x7A400, s0;
	s10 =	sadd.s32 $0x1EB000, s0;
	s31 =	smul.u32 $0x190000, s17  }
0x9: {  	p0 =	slt.u32 s17, $0x8;
	s7 =	sor.u32 s6, s3;
	[smem:$0x7FF] =	sst s2  }
0xa: {  	s3 =	sadd.s32 $0x189400, s0;
	_ =	strace $0x80000047;
	[dreg:$0x6] =	wrdreg s21  }
0xb: {  	s13 =	ssub.s32 $0x2, s6;
	s16 =	smul.u32 $0xC8000, s6;
	[dreg:$0x7] =	wrdreg s22  }
0xc: {  	s6 =	simm.s32 $0x180;
	s4 =	smul.u32 $0xC80, s7;
	[dreg:$0x8] =	wrdreg s23  }
0xd: {  	s11 =	sshll.u32 s7, $0x7;
	s7 =	smul.u32 $0xC8000, s7;
	[dreg:$0x9] =	wrdreg s24  }
0xe: {  	s15 =	sshrl.u32 s13, $0x1;
	s21 =	simm.s32 $0xB400;
	[dreg:$0xa] =	wrdreg s25  }
0xf: {  	s22 =	simm.s32 $0x300;
	s23 =	simm.s32 $0xC400;
	[dreg:$0xb] =	wrdreg s26  }
0x10: {  	s24 =	simm.s32 $0x380;
	s25 =	simm.s32 $0xD400;
	s26 =	simm.s32 $0x1  }
0x11: {  	s12 =	sand.u32 $0x780, s11;
	s14 =	sadd.s32 s11, s0;
	s13 =	ssub.s32 s13, s15  }
0x12: {  	s16 =	sadd.s32 s16, s31;
	s15 =	simm.s32 $0x8400;
	s31 =	simm.s32 $0x15400  }
0x13: {  	s8 =	sadd.s32 s4, s0;
	s4 =	sadd.s32 $0x5BA00, s0;
	s0 =	sadd.s32 s12, s0  }
0x14: {  	s7 =	sshrl.u32 s7, $0x3;
	s17 =	sshrl.u32 s16, $0x3;
	s20 =	smax.u32 s13, $0x1  }
0x15: {  	s13 =	simm.s32 $0x7400;
	[dreg:$0xc] =	wrdreg s31;
	s8 =	sadd.s32 $0x42A00, s8  }
0x16: {  	s7 =	sadd.s32 s10, s7;
	s18 =	sadd.s32 s17, s10;
	s4 =	smov.u32 @p0 s9  }
0x17: {  	[dreg:$0xf] =	wrdreg s20;
	s17 =	simm.s32 $0x9400;
	s20 =	simm.s32 $0x280  }
0x18: {  	[dreg:$0xd] =	wrdreg s8;
	s8 =	sadd.s32 $0x18000, s7;
	s7 =	sadd.s32 s5, s12  }
0x19: {  	s5 =	sadd.s32 $0x98E00, s14;
	[dreg:$0x4] =	wrdreg s18;
	s12 =	simm.s32 $0x6400  }
0x1a: {  	s18 =	simm.s32 $0x200;
	[dreg:$0xe] =	wrdreg s8;
	s8 =	sadd.s32 $0x99600, s0  }
0x1b: {  	s0 =	sadd.s32 s1, s11;
	s1 =	sadd.s32 $0x8000, s16;
	s11 =	simm.s32 $0x80  }
0x1c: {  	s7 =	smov.u32 @p0 s0;
	s1 =	sshrl.u32 s1, $0x3;
	s8 =	smov.u32 @p0 s5  }
0x1d: {  	s5 =	simm.s32 $0x100;
	s19 =	sadd.s32 s1, s10;
	s10 =	simm.s32 $0x3  }
0x1e: {  	s1 =	simm.s32 $0x0;
	[dreg:$0x5] =	wrdreg s19;
	s19 =	simm.s32 $0xA400  }
.LBB2_1:
0x1f: {  	s0 =	rddreg [dreg:$0xd]  }
0x20: {  	[tilespmem:s2], [sflag:$0x3] =	stream.linear.gather [hbm4b:s0+s2], $0x6400, $0x38;
	[tilespmem:$0x16800] =	vst v63  }
0x21: {  	_ =	swait.ge [sflag:s10], $0x6400  }
0x22: {  	[sflag:s10] =	ssyncset.done $0x0  }
0x23: {  	[sflag:s10] =	ssyncadd.s32 $0xFFFF9C00  }
0x24: {  	[tilespmem:s12], [sflag:$0x1] =	stream.indirect.gather [hbm4b:s3+s11], $0x20, s2, s11, $0xb8;
	[tilespmem:$0x16800] =	vst v63  }
0x25: {  	_ = 	snop  }
0x26: {  	[tilespmem:s13], [sflag:$0x1] =	stream.indirect.gather [hbm4b:s3+s11], $0x20, s11, s11, $0xb8;
	[tilespmem:$0x16800] =	vst v63  }
0x27: {  	_ = 	snop  }
0x28: {  	[tilespmem:s15], [sflag:$0x1] =	stream.indirect.gather [hbm4b:s3+s11], $0x20, s5, s11, $0xb8;
	[tilespmem:$0x16800] =	vst v63  }
0x29: {  	_ = 	snop  }
0x2a: {  	[tilespmem:s17], [sflag:$0x1] =	stream.indirect.gather [hbm4b:s3+s11], $0x20, s6, s11, $0xb8;
	[tilespmem:$0x16800] =	vst v63  }
0x2b: {  	_ = 	snop  }
0x2c: {  	[tilespmem:s19], [sflag:$0x1] =	stream.indirect.gather [hbm4b:s3+s11], $0x20, s18, s11, $0xb8;
	[tilespmem:$0x16800] =	vst v63  }
0x2d: {  	_ = 	snop  }
0x2e: {  	[tilespmem:s21], [sflag:$0x1] =	stream.indirect.gather [hbm4b:s3+s11], $0x20, s20, s11, $0xb8;
	[tilespmem:$0x16800] =	vst v63  }
0x2f: {  	_ = 	snop  }
0x30: {  	[tilespmem:s23], [sflag:$0x1] =	stream.indirect.gather [hbm4b:s3+s11], $0x20, s22, s11, $0xb8;
	[tilespmem:$0x16800] =	vst v63  }
0x31: {  	_ = 	snop  }
0x32: {  	[tilespmem:s25], [sflag:$0x1] =	stream.indirect.gather [hbm4b:s3+s11], $0x20, s24, s11, $0xb8;
	[tilespmem:$0x16800] =	vst v63  }
0x33: {  	_ =	swait.ge [sflag:s26], $0x1000  }
0x34: {  	[sflag:s26] =	ssyncset.done $0x0  }
0x35: {  	[sflag:s26] =	ssyncadd.s32 $0xFFFFF000  }
0x36: {  	_ =	swait.ge [sflag:s26], $0x1000  }
0x37: {  	[sflag:s26] =	ssyncset.done $0x0  }
0x38: {  	[sflag:s26] =	ssyncadd.s32 $0xFFFFF000  }
0x39: {  	_ =	swait.ge [sflag:s26], $0x1000  }
0x3a: {  	[sflag:s26] =	ssyncset.done $0x0  }
0x3b: {  	[sflag:s26] =	ssyncadd.s32 $0xFFFFF000  }
0x3c: {  	_ =	swait.ge [sflag:s26], $0x1000  }
0x3d: {  	[sflag:s26] =	ssyncset.done $0x0  }
0x3e: {  	[sflag:s26] =	ssyncadd.s32 $0xFFFFF000  }
0x3f: {  	_ =	swait.ge [sflag:s26], $0x1000  }
0x40: {  	[sflag:s26] =	ssyncset.done $0x0  }
0x41: {  	[sflag:s26] =	ssyncadd.s32 $0xFFFFF000  }
0x42: {  	_ =	swait.ge [sflag:s26], $0x1000  }
0x43: {  	[sflag:s26] =	ssyncset.done $0x0  }
0x44: {  	[sflag:s26] =	ssyncadd.s32 $0xFFFFF000  }
0x45: {  	_ =	swait.ge [sflag:s26], $0x1000  }
0x46: {  	[sflag:s26] =	ssyncset.done $0x0  }
0x47: {  	[sflag:s26] =	ssyncadd.s32 $0xFFFFF000  }
0x48: {  	_ =	swait.ge [sflag:s26], $0x1000  }
0x49: {  	[sflag:s26] =	ssyncset.done $0x0  }
0x4a: {  	s14 =	simm.s32 $0x400;
	s16 =	rddreg [dreg:$0x6];
	[sflag:s26] =	ssyncadd.s32 $0xFFFFF000  }
0x4b: {  	[tilespmem:s28], [sflag:$0x2] =	stream.indirect.gather [hbm4b:s3+s11], $0x20, s14, s11, $0xb8;
	[tilespmem:$0x16800] =	vst v63  }
0x4c: {  	s6 =	simm.s32 $0x480;
	s31 =	rddreg [dreg:$0x7]  }
0x4d: {  	[tilespmem:s16], [sflag:$0x2] =	stream.indirect.gather [hbm4b:s3+s11], $0x20, s6, s11, $0xb8;
	[tilespmem:$0x16800] =	vst v63  }
0x4e: {  	s9 =	simm.s32 $0x500;
	s14 =	rddreg [dreg:$0x8]  }
0x4f: {  	[tilespmem:s31], [sflag:$0x2] =	stream.indirect.gather [hbm4b:s3+s11], $0x20, s9, s11, $0xb8;
	[tilespmem:$0x16800] =	vst v63  }
0x50: {  	s16 =	simm.s32 $0x580;
	s6 =	rddreg [dreg:$0x9]  }
0x51: {  	[tilespmem:s14], [sflag:$0x2] =	stream.indirect.gather [hbm4b:s3+s11], $0x20, s16, s11, $0xb8;
	[tilespmem:$0x16800] =	vst v63  }
0x52: {  	s9 =	simm.s32 $0x600;
	s14 =	rddreg [dreg:$0xa]  }
0x53: {  	[tilespmem:s6], [sflag:$0x2] =	stream.indirect.gather [hbm4b:s3+s11], $0x20, s9, s11, $0xb8;
	[tilespmem:$0x16800] =	vst v63  }
0x54: {  	s16 =	simm.s32 $0x680;
	s6 =	rddreg [dreg:$0xb]  }
0x55: {  	[tilespmem:s14], [sflag:$0x2] =	stream.indirect.gather [hbm4b:s3+s11], $0x20, s16, s11, $0xb8;
	[tilespmem:$0x16800] =	vst v63  }
0x56: {  	s9 =	simm.s32 $0x700;
	s14 =	rddreg [dreg:$0xc]  }
0x57: {  	[tilespmem:s6], [sflag:$0x2] =	stream.indirect.gather [hbm4b:s3+s11], $0x20, s9, s11, $0xb8;
	[tilespmem:$0x16800] =	vst v63  }
0x58: {  	s16 =	rddreg [dreg:$0x4];
	s6 =	simm.s32 $0x780  }
0x59: {  	[tilespmem:s14], [sflag:$0x2] =	stream.indirect.gather [hbm4b:s3+s11], $0x20, s6, s11, $0xb8;
	[tilespmem:$0x16800] =	vst v63  }
0x5a: {  	s0 =	sadd.s32 $0x0, s16  }
0x5b: {  	[hbm4b:s0+s2] =	stream.linear.scatter [tilespmem:s12], [sflag:$0x3], $0x8000, $0x38;
	[tilespmem:$0x16800] =	vst v63  }
0x5c: {  	_ =	swait.ge [sflag:s10], $0x8000  }
0x5d: {  	[sflag:s10] =	ssyncset.done $0x0  }
0x5e: {  	[sflag:s10] =	ssyncadd.s32 $0xFFFF8000  }
0x5f: {  	_ =	swait.ge [sflag:s29], $0x1000  }
0x60: {  	[sflag:s29] =	ssyncset.done $0x0  }
0x61: {  	[sflag:s29] =	ssyncadd.s32 $0xFFFFF000  }
0x62: {  	_ =	swait.ge [sflag:s29], $0x1000  }
0x63: {  	[sflag:s29] =	ssyncset.done $0x0  }
0x64: {  	[sflag:s29] =	ssyncadd.s32 $0xFFFFF000  }
0x65: {  	_ =	swait.ge [sflag:s29], $0x1000  }
0x66: {  	[sflag:s29] =	ssyncset.done $0x0  }
0x67: {  	[sflag:s29] =	ssyncadd.s32 $0xFFFFF000  }
0x68: {  	_ =	swait.ge [sflag:s29], $0x1000  }
0x69: {  	[sflag:s29] =	ssyncset.done $0x0  }
0x6a: {  	[sflag:s29] =	ssyncadd.s32 $0xFFFFF000  }
0x6b: {  	_ =	swait.ge [sflag:s29], $0x1000  }
0x6c: {  	[sflag:s29] =	ssyncset.done $0x0  }
0x6d: {  	[sflag:s29] =	ssyncadd.s32 $0xFFFFF000  }
0x6e: {  	_ =	swait.ge [sflag:s29], $0x1000  }
0x6f: {  	[sflag:s29] =	ssyncset.done $0x0  }
0x70: {  	[sflag:s29] =	ssyncadd.s32 $0xFFFFF000  }
0x71: {  	_ =	swait.ge [sflag:s29], $0x1000  }
0x72: {  	[sflag:s29] =	ssyncset.done $0x0  }
0x73: {  	[sflag:s29] =	ssyncadd.s32 $0xFFFFF000  }
0x74: {  	_ =	swait.ge [sflag:s29], $0x1000  }
0x75: {  	[sflag:s29] =	ssyncset.done $0x0  }
0x76: {  	s9 =	simm.s32 $0x800;
	[sflag:s29] =	ssyncadd.s32 $0xFFFFF000  }
0x77: {  	[tilespmem:s12], [sflag:$0x1] =	stream.indirect.gather [hbm4b:s3+s11], $0x20, s9, s11, $0xb8;
	[tilespmem:$0x16800] =	vst v63  }
0x78: {  	s14 =	simm.s32 $0x880  }
0x79: {  	[tilespmem:s13], [sflag:$0x1] =	stream.indirect.gather [hbm4b:s3+s11], $0x20, s14, s11, $0xb8;
	[tilespmem:$0x16800] =	vst v63  }
0x7a: {  	s16 =	simm.s32 $0x900  }
0x7b: {  	[tilespmem:s15], [sflag:$0x1] =	stream.indirect.gather [hbm4b:s3+s11], $0x20, s16, s11, $0xb8;
	[tilespmem:$0x16800] =	vst v63  }
0x7c: {  	s31 =	simm.s32 $0x980  }
0x7d: {  	[tilespmem:s17], [sflag:$0x1] =	stream.indirect.gather [hbm4b:s3+s11], $0x20, s31, s11, $0xb8;
	[tilespmem:$0x16800] =	vst v63  }
0x7e: {  	s5 =	simm.s32 $0xA00  }
0x7f: {  	[tilespmem:s19], [sflag:$0x1] =	stream.indirect.gather [hbm4b:s3+s11], $0x20, s5, s11, $0xb8;
	[tilespmem:$0x16800] =	vst v63  }
0x80: {  	s6 =	simm.s32 $0xA80  }
0x81: {  	[tilespmem:s21], [sflag:$0x1] =	stream.indirect.gather [hbm4b:s3+s11], $0x20, s6, s11, $0xb8;
	[tilespmem:$0x16800] =	vst v63  }
0x82: {  	s9 =	simm.s32 $0xB00  }
0x83: {  	[tilespmem:s23], [sflag:$0x1] =	stream.indirect.gather [hbm4b:s3+s11], $0x20, s9, s11, $0xb8;
	[tilespmem:$0x16800] =	vst v63  }
0x84: {  	s14 =	rddreg [dreg:$0x5];
	s16 =	simm.s32 $0xB80  }
0x85: {  	[tilespmem:s25], [sflag:$0x1] =	stream.indirect.gather [hbm4b:s3+s11], $0x20, s16, s11, $0xb8;
	[tilespmem:$0x16800] =	vst v63  }
0x86: {  	s31 =	sadd.s32 $0x0, s14  }
0x87: {  	[hbm4b:s31+s2] =	stream.linear.scatter [tilespmem:s28], [sflag:$0x3], $0x8000, $0x38;
	[tilespmem:$0x16800] =	vst v63  }
0x88: {  	_ =	swait.ge [sflag:s10], $0x8000  }
0x89: {  	s0 =	simm.s32 $0x2000;
	[sflag:s10] =	ssyncset.done $0x0  }
.LBB2_2:
0x8a: {  	[sflag:s10] =	ssyncadd.s32 $0xFFFF8000  }
0x8b: {  	_ =	swait.ge [sflag:s26], $0x1000  }
0x8c: {  	[sflag:s26] =	ssyncset.done $0x0  }
0x8d: {  	[sflag:s26] =	ssyncadd.s32 $0xFFFFF000  }
0x8e: {  	_ =	swait.ge [sflag:s26], $0x1000  }
0x8f: {  	[sflag:s26] =	ssyncset.done $0x0  }
0x90: {  	[sflag:s26] =	ssyncadd.s32 $0xFFFFF000  }
0x91: {  	_ =	swait.ge [sflag:s26], $0x1000  }
0x92: {  	[sflag:s26] =	ssyncset.done $0x0  }
0x93: {  	[sflag:s26] =	ssyncadd.s32 $0xFFFFF000  }
0x94: {  	_ =	swait.ge [sflag:s26], $0x1000  }
0x95: {  	[sflag:s26] =	ssyncset.done $0x0  }
0x96: {  	[sflag:s26] =	ssyncadd.s32 $0xFFFFF000  }
0x97: {  	_ =	swait.ge [sflag:s26], $0x1000  }
0x98: {  	[sflag:s26] =	ssyncset.done $0x0  }
0x99: {  	[sflag:s26] =	ssyncadd.s32 $0xFFFFF000  }
0x9a: {  	_ =	swait.ge [sflag:s26], $0x1000  }
0x9b: {  	[sflag:s26] =	ssyncset.done $0x0  }
0x9c: {  	[sflag:s26] =	ssyncadd.s32 $0xFFFFF000  }
0x9d: {  	_ =	swait.ge [sflag:s26], $0x1000  }
0x9e: {  	[sflag:s26] =	ssyncset.done $0x0  }
0x9f: {  	[sflag:s26] =	ssyncadd.s32 $0xFFFFF000  }
0xa0: {  	s31 =	smov.u32 s0;
	_ =	swait.ge [sflag:s26], $0x1000  }
0xa1: {  	s5 =	sshra.s32 s31, $0x2;
	[sflag:s26] =	ssyncset.done $0x0  }
0xa2: {  	s9 =	sadd.s32 $0x400, s5;
	s6 =	rddreg [dreg:$0x4];
	[sflag:s26] =	ssyncadd.s32 $0xFFFFF000  }
0xa3: {  	[tilespmem:s28], [sflag:$0x2] =	stream.indirect.gather [hbm4b:s3+s11], $0x20, s9, s11, $0xb8;
	[tilespmem:$0x16800] =	vst v63  }
0xa4: {  	s14 =	rddreg [dreg:$0x6];
	s9 =	sadd.s32 $0x480, s5  }
0xa5: {  	[tilespmem:s14], [sflag:$0x2] =	stream.indirect.gather [hbm4b:s3+s11], $0x20, s9, s11, $0xb8;
	[tilespmem:$0x16800] =	vst v63  }
0xa6: {  	s16 =	rddreg [dreg:$0x7];
	s9 =	sadd.s32 $0x500, s5  }
0xa7: {  	[tilespmem:s16], [sflag:$0x2] =	stream.indirect.gather [hbm4b:s3+s11], $0x20, s9, s11, $0xb8;
	[tilespmem:$0x16800] =	vst v63  }
0xa8: {  	s14 =	rddreg [dreg:$0x8];
	s9 =	sadd.s32 $0x580, s5  }
0xa9: {  	[tilespmem:s14], [sflag:$0x2] =	stream.indirect.gather [hbm4b:s3+s11], $0x20, s9, s11, $0xb8;
	[tilespmem:$0x16800] =	vst v63  }
0xaa: {  	s16 =	rddreg [dreg:$0x9];
	s9 =	sadd.s32 $0x600, s5  }
0xab: {  	[tilespmem:s16], [sflag:$0x2] =	stream.indirect.gather [hbm4b:s3+s11], $0x20, s9, s11, $0xb8;
	[tilespmem:$0x16800] =	vst v63  }
0xac: {  	s14 =	rddreg [dreg:$0xa];
	s9 =	sadd.s32 $0x680, s5  }
0xad: {  	[tilespmem:s14], [sflag:$0x2] =	stream.indirect.gather [hbm4b:s3+s11], $0x20, s9, s11, $0xb8;
	[tilespmem:$0x16800] =	vst v63  }
0xae: {  	s16 =	rddreg [dreg:$0xb];
	s9 =	sadd.s32 $0x700, s5  }
0xaf: {  	[tilespmem:s16], [sflag:$0x2] =	stream.indirect.gather [hbm4b:s3+s11], $0x20, s9, s11, $0xb8;
	[tilespmem:$0x16800] =	vst v63  }
0xb0: {  	s14 =	rddreg [dreg:$0xc];
	s16 =	sadd.s32 $0x780, s5  }
0xb1: {  	[tilespmem:s14], [sflag:$0x2] =	stream.indirect.gather [hbm4b:s3+s11], $0x20, s16, s11, $0xb8;
	[tilespmem:$0x16800] =	vst v63  }
0xb2: {  	s6 =	sadd.s32 s31, s6  }
0xb3: {  	[hbm4b:s6+s2] =	stream.linear.scatter [tilespmem:s12], [sflag:$0x3], $0x8000, $0x38;
	[tilespmem:$0x16800] =	vst v63  }
0xb4: {  	_ =	swait.ge [sflag:s10], $0x8000  }
0xb5: {  	[sflag:s10] =	ssyncset.done $0x0  }
0xb6: {  	[sflag:s10] =	ssyncadd.s32 $0xFFFF8000  }
0xb7: {  	_ =	swait.ge [sflag:s29], $0x1000  }
0xb8: {  	[sflag:s29] =	ssyncset.done $0x0  }
0xb9: {  	[sflag:s29] =	ssyncadd.s32 $0xFFFFF000  }
0xba: {  	_ =	swait.ge [sflag:s29], $0x1000  }
0xbb: {  	[sflag:s29] =	ssyncset.done $0x0  }
0xbc: {  	[sflag:s29] =	ssyncadd.s32 $0xFFFFF000  }
0xbd: {  	_ =	swait.ge [sflag:s29], $0x1000  }
0xbe: {  	[sflag:s29] =	ssyncset.done $0x0  }
0xbf: {  	[sflag:s29] =	ssyncadd.s32 $0xFFFFF000  }
0xc0: {  	_ =	swait.ge [sflag:s29], $0x1000  }
0xc1: {  	[sflag:s29] =	ssyncset.done $0x0  }
0xc2: {  	[sflag:s29] =	ssyncadd.s32 $0xFFFFF000  }
0xc3: {  	_ =	swait.ge [sflag:s29], $0x1000  }
0xc4: {  	[sflag:s29] =	ssyncset.done $0x0  }
0xc5: {  	[sflag:s29] =	ssyncadd.s32 $0xFFFFF000  }
0xc6: {  	_ =	swait.ge [sflag:s29], $0x1000  }
0xc7: {  	[sflag:s29] =	ssyncset.done $0x0  }
0xc8: {  	[sflag:s29] =	ssyncadd.s32 $0xFFFFF000  }
0xc9: {  	_ =	swait.ge [sflag:s29], $0x1000  }
0xca: {  	[sflag:s29] =	ssyncset.done $0x0  }
0xcb: {  	[sflag:s29] =	ssyncadd.s32 $0xFFFFF000  }
0xcc: {  	_ =	swait.ge [sflag:s29], $0x1000  }
0xcd: {  	[sflag:s29] =	ssyncset.done $0x0  }
0xce: {  	s14 =	sadd.s32 $0x800, s5;
	[sflag:s29] =	ssyncadd.s32 $0xFFFFF000  }
0xcf: {  	[tilespmem:s12], [sflag:$0x1] =	stream.indirect.gather [hbm4b:s3+s11], $0x20, s14, s11, $0xb8;
	[tilespmem:$0x16800] =	vst v63  }
0xd0: {  	s16 =	sadd.s32 $0x880, s5  }
0xd1: {  	[tilespmem:s13], [sflag:$0x1] =	stream.indirect.gather [hbm4b:s3+s11], $0x20, s16, s11, $0xb8;
	[tilespmem:$0x16800] =	vst v63  }
0xd2: {  	s9 =	sadd.s32 $0x900, s5  }
0xd3: {  	[tilespmem:s15], [sflag:$0x1] =	stream.indirect.gather [hbm4b:s3+s11], $0x20, s9, s11, $0xb8;
	[tilespmem:$0x16800] =	vst v63  }
0xd4: {  	s14 =	sadd.s32 $0x980, s5  }
0xd5: {  	[tilespmem:s17], [sflag:$0x1] =	stream.indirect.gather [hbm4b:s3+s11], $0x20, s14, s11, $0xb8;
	[tilespmem:$0x16800] =	vst v63  }
0xd6: {  	s16 =	sadd.s32 $0xA00, s5  }
0xd7: {  	[tilespmem:s19], [sflag:$0x1] =	stream.indirect.gather [hbm4b:s3+s11], $0x20, s16, s11, $0xb8;
	[tilespmem:$0x16800] =	vst v63  }
0xd8: {  	s9 =	sadd.s32 $0xA80, s5  }
0xd9: {  	[tilespmem:s21], [sflag:$0x1] =	stream.indirect.gather [hbm4b:s3+s11], $0x20, s9, s11, $0xb8;
	[tilespmem:$0x16800] =	vst v63  }
0xda: {  	s14 =	sadd.s32 $0xB00, s5  }
0xdb: {  	[tilespmem:s23], [sflag:$0x1] =	stream.indirect.gather [hbm4b:s3+s11], $0x20, s14, s11, $0xb8;
	[tilespmem:$0x16800] =	vst v63  }
0xdc: {  	p0 =	sne.s32 s0, $0x16000;
	s5 =	sadd.s32 $0xB80, s5  }
0xdd: {  	[tilespmem:s25], [sflag:$0x1] =	stream.indirect.gather [hbm4b:s3+s11], $0x20, s5, s11, $0xb8;
	[tilespmem:$0x16800] =	vst v63  }
.Ltmp0:
0xde: {  	s16 =	rddreg [dreg:$0x5];
	(pc) =	sbr.rel @p0 .LBB2_2-.Ltmp0, $4  }
0xdf: {  	s31 =	sadd.s32 s31, s16  }
0xe0: {  	[hbm4b:s31+s2] =	stream.linear.scatter [tilespmem:s28], [sflag:$0x3], $0x8000, $0x38;
	[tilespmem:$0x16800] =	vst v63  }
0xe1: {  	_ =	swait.ge [sflag:s10], $0x8000  }
0xe2: {  	s0 =	sadd.s32 $0x2000, s0;
	[sflag:s10] =	ssyncset.done $0x0  }
0xe3: {  	[sflag:s10] =	ssyncadd.s32 $0xFFFF8000  }
0xe4: {  	_ =	swait.ge [sflag:s26], $0x1000  }
0xe5: {  	[sflag:s26] =	ssyncset.done $0x0  }
0xe6: {  	[sflag:s26] =	ssyncadd.s32 $0xFFFFF000  }
0xe7: {  	_ =	swait.ge [sflag:s26], $0x1000  }
0xe8: {  	[sflag:s26] =	ssyncset.done $0x0  }
0xe9: {  	[sflag:s26] =	ssyncadd.s32 $0xFFFFF000  }
0xea: {  	_ =	swait.ge [sflag:s26], $0x1000  }
0xeb: {  	[sflag:s26] =	ssyncset.done $0x0  }
0xec: {  	[sflag:s26] =	ssyncadd.s32 $0xFFFFF000  }
0xed: {  	_ =	swait.ge [sflag:s26], $0x1000  }
0xee: {  	[sflag:s26] =	ssyncset.done $0x0  }
0xef: {  	[sflag:s26] =	ssyncadd.s32 $0xFFFFF000  }
0xf0: {  	_ =	swait.ge [sflag:s26], $0x1000  }
0xf1: {  	[sflag:s26] =	ssyncset.done $0x0  }
0xf2: {  	[sflag:s26] =	ssyncadd.s32 $0xFFFFF000  }
0xf3: {  	_ =	swait.ge [sflag:s26], $0x1000  }
0xf4: {  	[sflag:s26] =	ssyncset.done $0x0  }
0xf5: {  	[sflag:s26] =	ssyncadd.s32 $0xFFFFF000  }
0xf6: {  	_ =	swait.ge [sflag:s26], $0x1000  }
0xf7: {  	[sflag:s26] =	ssyncset.done $0x0  }
0xf8: {  	[sflag:s26] =	ssyncadd.s32 $0xFFFFF000  }
0xf9: {  	_ =	swait.ge [sflag:s26], $0x1000  }
0xfa: {  	[sflag:s26] =	ssyncset.done $0x0  }
0xfb: {  	s0 =	rddreg [dreg:$0xe];
	[sflag:s26] =	ssyncadd.s32 $0xFFFFF000  }
0xfc: {  	[hbm4b:s0+s2] =	stream.linear.scatter [tilespmem:s12], [sflag:$0x3], $0x8000, $0x38;
	[tilespmem:$0x16800] =	vst v63  }
0xfd: {  	_ =	swait.ge [sflag:s10], $0x8000  }
0xfe: {  	[sflag:s10] =	ssyncset.done $0x0  }
0xff: {  	[sflag:s10] =	ssyncadd.s32 $0xFFFF8000  }
0x100: {  	[tilespmem:s2], [sflag:$0x3] =	stream.linear.gather [hbm4b:s7+s2], $0x400, $0x38;
	[tilespmem:$0x16800] =	vst v63  }
0x101: {  	_ =	swait.ge [sflag:s10], $0x400  }
0x102: {  	[sflag:s10] =	ssyncset.done $0x0  }
0x103: {  	[sflag:s10] =	ssyncadd.s32 $0xFFFFFC00  }
0x104: {  	[tilespmem:s30], [sflag:$0x1] =	stream.indirect.gather [hbm4b:s4+s11], $0x1, s2, s11, $0xb8;
	[tilespmem:$0x16800] =	vst v63  }
0x105: {  	s9 =	simm.s32 $0x16480  }
0x106: {  	[tilespmem:s9], [sflag:$0x1] =	stream.indirect.gather [hbm4b:s4+s11], $0x1, s11, s11, $0xb8;
	[tilespmem:$0x16800] =	vst v63  }
0x107: {  	s5 =	simm.s32 $0x100;
	s14 =	simm.s32 $0x16500  }
0x108: {  	[tilespmem:s14], [sflag:$0x1] =	stream.indirect.gather [hbm4b:s4+s11], $0x1, s5, s11, $0xb8;
	[tilespmem:$0x16800] =	vst v63  }
0x109: {  	s6 =	simm.s32 $0x180;
	s16 =	simm.s32 $0x16580  }
0x10a: {  	[tilespmem:s16], [sflag:$0x1] =	stream.indirect.gather [hbm4b:s4+s11], $0x1, s6, s11, $0xb8;
	[tilespmem:$0x16800] =	vst v63  }
0x10b: {  	s31 =	simm.s32 $0x16600  }
0x10c: {  	[tilespmem:s31], [sflag:$0x1] =	stream.indirect.gather [hbm4b:s4+s11], $0x1, s18, s11, $0xb8;
	[tilespmem:$0x16800] =	vst v63  }
0x10d: {  	s9 =	simm.s32 $0x16680  }
0x10e: {  	[tilespmem:s9], [sflag:$0x1] =	stream.indirect.gather [hbm4b:s4+s11], $0x1, s20, s11, $0xb8;
	[tilespmem:$0x16800] =	vst v63  }
0x10f: {  	s14 =	simm.s32 $0x16700  }
0x110: {  	[tilespmem:s14], [sflag:$0x1] =	stream.indirect.gather [hbm4b:s4+s11], $0x1, s22, s11, $0xb8;
	[tilespmem:$0x16800] =	vst v63  }
0x111: {  	s16 =	simm.s32 $0x16780  }
0x112: {  	[tilespmem:s16], [sflag:$0x1] =	stream.indirect.gather [hbm4b:s4+s11], $0x1, s24, s11, $0xb8;
	[tilespmem:$0x16800] =	vst v63  }
0x113: {  	_ =	swait.ge [sflag:s26], $0x80  }
0x114: {  	[sflag:s26] =	ssyncset.done $0x0  }
0x115: {  	[sflag:s26] =	ssyncadd.s32 $0xFFFFFF80  }
0x116: {  	_ =	swait.ge [sflag:s26], $0x80  }
0x117: {  	[sflag:s26] =	ssyncset.done $0x0  }
0x118: {  	[sflag:s26] =	ssyncadd.s32 $0xFFFFFF80  }
0x119: {  	_ =	swait.ge [sflag:s26], $0x80  }
0x11a: {  	[sflag:s26] =	ssyncset.done $0x0  }
0x11b: {  	[sflag:s26] =	ssyncadd.s32 $0xFFFFFF80  }
0x11c: {  	_ =	swait.ge [sflag:s26], $0x80  }
0x11d: {  	[sflag:s26] =	ssyncset.done $0x0  }
0x11e: {  	[sflag:s26] =	ssyncadd.s32 $0xFFFFFF80  }
0x11f: {  	_ =	swait.ge [sflag:s26], $0x80  }
0x120: {  	[sflag:s26] =	ssyncset.done $0x0  }
0x121: {  	[sflag:s26] =	ssyncadd.s32 $0xFFFFFF80  }
0x122: {  	_ =	swait.ge [sflag:s26], $0x80  }
0x123: {  	[sflag:s26] =	ssyncset.done $0x0  }
0x124: {  	[sflag:s26] =	ssyncadd.s32 $0xFFFFFF80  }
0x125: {  	_ =	swait.ge [sflag:s26], $0x80  }
0x126: {  	[sflag:s26] =	ssyncset.done $0x0  }
0x127: {  	[sflag:s26] =	ssyncadd.s32 $0xFFFFFF80  }
0x128: {  	_ =	swait.ge [sflag:s26], $0x80  }
0x129: {  	[sflag:s26] =	ssyncset.done $0x0  }
0x12a: {  	[sflag:s26] =	ssyncadd.s32 $0xFFFFFF80  }
0x12b: {  	[hbm4b:s8+s2] =	stream.linear.scatter [tilespmem:s30], [sflag:$0x3], $0x400, $0x38;
	[tilespmem:$0x16800] =	vst v63  }
0x12c: {  	_ =	swait.ge [sflag:s10], $0x400  }
0x12d: {  	s1 =	sadd.s32 $0x1, s1;
	s31 =	rddreg [dreg:$0xf]  }
0x12e: {  	p0 =	sne.s32 s1, s31  }
.Ltmp1:
0x12f: {  	_ = 	snop;
	(pc) =	sbr.rel @p0 .LBB2_1-.Ltmp1, $3  }
0x130: {  	_ =	sdelay $0x1  }
0x131: {  	[sflag:s10] =	ssyncset.done $0x0  }
0x132: {  	[sflag:s10] =	ssyncadd.s32 $0xFFFFFC00  }
0x133: {  	_ =	sfence.sel $0x180000  }
0x134: {  	[bflag:$0x0] =	sbarrier.arrive $0xFFFF  }
0x135: {  	_ =	strace $0x90000047  }
0x136: {  	s0 =	stileid.u32;
	[bflag:$0x2] =	sbarrier.arrive $0xFFFF  }
0x137: {  	p0 =	sne.s32 s0, $0x0;
	s0 =	rddreg [dreg:$0x3]  }
0x138: {  	s0 =	sadd.s32 @!p0 $0x100000, s0  }
0x139: {  	[sflag:s0] =	ssyncadd.tile.s32 @!p0 $0x1;
	_ =	shalt  }
.Lfunc_end2:
_tile_overlayer_lowered:
.L_overlay_start_2:
0x13a: {  	(tag) =	ssettag $0x2  }
0x13b: {  	s0 =	rddreg [dreg:$0x0];
	s2 =	stileid.u32  }
0x13c: {  	s1 =	rddreg [dreg:$0x1];
	p0 =	sne.s32 s2, $0x0  }
0x13d: {  	s3 =	rddreg [dreg:$0x2];
	[bflag:$0x3] =	sbarrier.arrive $0xFFFF;
	s2 =	simm.s32 @!p0 $0x1C03  }
0x13e: {  	[timem:s3], [sflag:s2] =	dma.local @!p0 [hbm:s0], s1  }
0x13f: {  	s0 =	simm.s32 @!p0 $0x3  }
0x140: {  	_ =	swait.ge @!p0 [sflag:s0], s1  }
0x141: {  	s1 =	ssub.s32 @!p0 $0x0, s1;
	[sflag:s0] =	ssyncset.done @!p0 $0x0  }
0x142: {  	[sflag:s0] =	ssyncadd.s32 @!p0 s1  }
0x143: {  	[bflag:$0x3] =	sbarrier.arrive $0xFFFF  }
0x144: {  	_ =	shalt  }

</sc_bundles>
